<compile_context>
chip_gen: v7x
topology: tpu7x:2x2x1
jax: 0.10.2.dev20260603
libtpu: 0.0.44.dev20260713+nightly
codegen_flags: <defaults>
</compile_context>

<pallas_src>
import math

import jax
import jax.numpy as jnp
from jax import lax
from jax.experimental import pallas as pl
from jax.experimental.pallas import tpu as pltpu
from jax.experimental.pallas import tpu_sc as plsc

N = 10000
E = 320000
IN_DIM = 128
H = 8
D = 16
EPS = 1e-09
SCALE = 1.0 / math.sqrt(D)

NC = 2
NS = 16
NW = NC * NS
EPW = E // NW
CH = 80
NCHUNK = EPW // CH
WB = 80
NWB = N // WB
WB_PER_TILE = -(-NWB // NS)

_PERM = []
for _j in range(H // 2):
    for _i in range(D):
        _PERM.extend((32 * _j + _i, 32 * _j + 16 + _i))
_PERM = tuple(_PERM)



def _proj_body(x_ref, wq_ref, bq_ref, wk_ref, bk_ref, wv_ref, bv_ref,
               q_ref, k_ref, v_ref):
    xb = x_ref[...]
    q_ref[...] = (jnp.dot(xb, wq_ref[...], preferred_element_type=jnp.float32)
                  + bq_ref[...]).astype(jnp.bfloat16)
    k_ref[...] = (jnp.dot(xb, wk_ref[...], preferred_element_type=jnp.float32)
                  + bk_ref[...]).astype(jnp.bfloat16)
    v_ref[...] = jnp.dot(xb, wv_ref[...],
                         preferred_element_type=jnp.float32) + bv_ref[...]


def _node_proj(x, WQ, bQ, WK, bK, WV, bV):
    blk = 1000
    grid = N // blk
    wspec = pl.BlockSpec((IN_DIM, H * D), lambda i: (0, 0))
    bspec = pl.BlockSpec((1, H * D), lambda i: (0, 0))
    ospec = pl.BlockSpec((blk, H * D), lambda i: (i, 0))
    return pl.pallas_call(
        _proj_body,
        grid=(grid,),
        in_specs=[pl.BlockSpec((blk, IN_DIM), lambda i: (i, 0)),
                  wspec, bspec, wspec, bspec, wspec, bspec],
        out_specs=[ospec, ospec, ospec],
        out_shape=[jax.ShapeDtypeStruct((N, H * D), jnp.bfloat16),
                   jax.ShapeDtypeStruct((N, H * D), jnp.bfloat16),
                   jax.ShapeDtypeStruct((N, H * D), jnp.float32)],
    )(x, WQ, bQ.reshape(1, -1), WK, bK.reshape(1, -1), WV, bV.reshape(1, -1))


def _edge_proj_body(ea_ref, we_ref, be_ref, eh_ref):
    eh_ref[...] = jnp.dot(ea_ref[...], we_ref[...],
                          preferred_element_type=jnp.float32) + be_ref[...]


def _edge_proj(edge_attr, WE, bE):
    blk = 4000
    grid = E // blk
    return pl.pallas_call(
        _edge_proj_body,
        grid=(grid,),
        in_specs=[pl.BlockSpec((blk, IN_DIM), lambda i: (i, 0)),
                  pl.BlockSpec((IN_DIM, H * D), lambda i: (0, 0)),
                  pl.BlockSpec((1, H * D), lambda i: (0, 0))],
        out_specs=pl.BlockSpec((blk, H * D), lambda i: (i, 0)),
        out_shape=jax.ShapeDtypeStruct((E, H * D), jnp.float32),
    )(edge_attr, WE, bE.reshape(1, -1))



def _edge_kernel(src_hbm, dst_hbm, qh_hbm, kh_hbm, vh_hbm, eh_hbm,
                 owv_hbm, owz_hbm,
                 src_v, dst_v, k_v, q_v, v_v, e_v, s_v,
                 sem, wv_sh, wz_sh):
    cid = lax.axis_index("c")
    sid = lax.axis_index("s")
    wid = sid * NC + cid

    zero16 = jnp.zeros((16,), jnp.float32)

    def _zrow(r, carry):
        for cc in range(8):
            e_v[r, pl.ds(cc * 16, 16)] = zero16
        s_v[r, :] = zero16
        return carry
    lax.fori_loop(0, WB, _zrow, 0)

    for j in range(WB_PER_TILE):
        ci = sid + j * NS
        @pl.when(ci < NWB)
        def _init():
            r0 = ci * WB
            pltpu.sync_copy(e_v, wv_sh.at[pl.ds(r0, WB)])
            pltpu.sync_copy(s_v, wz_sh.at[pl.ds(r0, WB)])
    plsc.subcore_barrier()

    lane = lax.iota(jnp.int32, 16)
    onehot = [(lane == h).astype(jnp.float32) for h in range(H)]
    perms = [lane ^ st for st in (8, 4, 2, 1)]
    bidx = [lane * 0 + h for h in range(H)]

    ebase = wid * EPW

    def _chunk(c, carry):
        e0 = ebase + c * CH
        pltpu.sync_copy(src_hbm.at[pl.ds(e0, CH)], src_v)
        pltpu.sync_copy(dst_hbm.at[pl.ds(e0, CH)], dst_v)
        cp_k = pltpu.async_copy(kh_hbm.at[src_v], k_v, sem)
        cp_q = pltpu.async_copy(qh_hbm.at[dst_v], q_v, sem)
        cp_v = pltpu.async_copy(vh_hbm.at[src_v], v_v, sem)
        pltpu.sync_copy(eh_hbm.at[pl.ds(e0, CH)], e_v)
        cp_k.wait()
        cp_q.wait()
        cp_v.wait()

        def _edge(e, ecarry):
            p = []
            for j in range(H // 2):
                ka, kb2 = plsc.unpack(k_v[e, pl.ds(32 * j, 32)],
                                      format=plsc.PackFormat.INTERLEAVED,
                                      preferred_element_type=jnp.float32)
                qa, qb2 = plsc.unpack(q_v[e, pl.ds(32 * j, 32)],
                                      format=plsc.PackFormat.INTERLEAVED,
                                      preferred_element_type=jnp.float32)
                p.append(ka * qa * e_v[e, pl.ds(32 * j, 16)])
                p.append(kb2 * qb2 * e_v[e, pl.ds(32 * j + 16, 16)])
            for pm in perms:
                p = [ph + jnp.take(ph, pm) for ph in p]
            srow = p[0] * onehot[0]
            for h in range(1, H):
                srow = srow + p[h] * onehot[h]
            svec_all = jnp.exp(srow * SCALE)
            s_v[e, :] = svec_all
            for h in range(H):
                sv = jnp.take(svec_all, bidx[h])
                v_v[e, pl.ds(h * 16, 16)] = v_v[e, pl.ds(h * 16, 16)] * sv
            return ecarry
        lax.fori_loop(0, CH, _edge, 0)

        pltpu.sync_copy(v_v, wv_sh.at[dst_v], add=True)
        pltpu.sync_copy(s_v, wz_sh.at[dst_v], add=True)
        return carry
    lax.fori_loop(0, NCHUNK, _chunk, 0)

    plsc.subcore_barrier()

    for j in range(WB_PER_TILE):
        ci = sid + j * NS
        @pl.when(ci < NWB)
        def _wb():
            r0 = ci * WB
            pltpu.sync_copy(wv_sh.at[pl.ds(r0, WB)], e_v)
            pltpu.sync_copy(e_v, owv_hbm.at[pl.ds(cid * N + r0, WB)])
            pltpu.sync_copy(wz_sh.at[pl.ds(r0, WB)], s_v)
            pltpu.sync_copy(s_v, owz_hbm.at[pl.ds(cid * N + r0, WB)])


def _edge_stage(src, dst, Qh, Kh, Vh, Eh):
    mesh = plsc.VectorSubcoreMesh(core_axis_name="c", subcore_axis_name="s")
    f = pl.kernel(
        _edge_kernel,
        out_type=[jax.ShapeDtypeStruct((NC * N, H * D), jnp.float32),
                  jax.ShapeDtypeStruct((NC * N, D), jnp.float32)],
        mesh=mesh,
        compiler_params=pltpu.CompilerParams(needs_layout_passes=False,
                                             use_tc_tiling_on_sc=False),
        scratch_types=[
            pltpu.VMEM((CH,), jnp.int32),
            pltpu.VMEM((CH,), jnp.int32),
            pltpu.VMEM((CH, H * D), jnp.bfloat16),
            pltpu.VMEM((CH, H * D), jnp.bfloat16),
            pltpu.VMEM((CH, H * D), jnp.float32),
            pltpu.VMEM((CH, H * D), jnp.float32),
            pltpu.VMEM((CH, D), jnp.float32),
            pltpu.SemaphoreType.DMA,
            pltpu.VMEM_SHARED((N, H * D), jnp.float32),
            pltpu.VMEM_SHARED((N, D), jnp.float32),
        ],
    )
    return f(src, dst, Qh, Kh, Vh, Eh)



def _final_body(wv_ref, wz_ref, out_ref):
    wv = wv_ref[0] + wv_ref[1]
    wz = wz_ref[0] + wz_ref[1]
    for h in range(H):
        denom = wz[:, h:h + 1] + EPS
        out_ref[:, h * D:(h + 1) * D] = wv[:, h * D:(h + 1) * D] / denom


def _finalize(owv, owz):
    blk = 1000
    grid = N // blk
    wv2 = owv.reshape(NC, N, H * D)
    wz2 = owz.reshape(NC, N, D)
    return pl.pallas_call(
        _final_body,
        grid=(grid,),
        in_specs=[pl.BlockSpec((NC, blk, H * D), lambda i: (0, i, 0)),
                  pl.BlockSpec((NC, blk, D), lambda i: (0, i, 0))],
        out_specs=pl.BlockSpec((blk, H * D), lambda i: (i, 0)),
        out_shape=jax.ShapeDtypeStruct((N, H * D), jnp.float32),
    )(wv2, wz2)


def kernel(x, edge_attr, edge_index, WQ, bQ, WK, bK, WV, bV, WE, bE):
    perm = jnp.array(_PERM, dtype=jnp.int32)
    Qh, Kh, Vh = _node_proj(x, WQ[:, perm], bQ[perm], WK[:, perm], bK[perm],
                            WV, bV)
    Eh = _edge_proj(edge_attr, WE, bE)
    src = edge_index[0]
    dst = edge_index[1]
    owv, owz = _edge_stage(src, dst, Qh, Kh, Vh, Eh)
    out = _finalize(owv, owz)
    return out.reshape(N, H, D)

# --- scband reference (transcript-rebuilt; emitter-appended) ---
"""Pipeline reference for scband-multi-head-attention-layer-59579786330257 (READ-ONLY COPY).

The authoritative reference and input builder live on the scoring server;
editing this copy changes nothing except your own understanding.
"""

import jax, jax.numpy as jnp
import numpy as np
import math

N = 10000
E = 320000
IN_DIM = 128
H = 8
D = 16
EPS = 1e-09


def setup_inputs(seed: int = 0) -> dict:
    key = jax.random.key(seed)
    ks = jax.random.split(key, 12)
    x = jax.random.normal(ks[0], (N, IN_DIM), dtype=jnp.float32)
    edge_attr = jax.random.normal(ks[1], (E, IN_DIM), dtype=jnp.float32)
    edge_index = jax.random.randint(ks[2], (2, E), 0, N).astype(jnp.int32)
    s = 1.0 / math.sqrt(IN_DIM)
    WQ = jax.random.normal(ks[3], (IN_DIM, H * D), dtype=jnp.float32) * s
    bQ = jnp.zeros((H * D,), dtype=jnp.float32)
    WK = jax.random.normal(ks[4], (IN_DIM, H * D), dtype=jnp.float32) * s
    bK = jnp.zeros((H * D,), dtype=jnp.float32)
    WV = jax.random.normal(ks[5], (IN_DIM, H * D), dtype=jnp.float32) * s
    bV = jnp.zeros((H * D,), dtype=jnp.float32)
    WE = jax.random.normal(ks[6], (IN_DIM, H * D), dtype=jnp.float32) * s
    bE = jnp.zeros((H * D,), dtype=jnp.float32)
    return {"x": x, "edge_attr": edge_attr, "edge_index": edge_index,
            "WQ": WQ, "bQ": bQ, "WK": WK, "bK": bK,
            "WV": WV, "bV": bV, "WE": WE, "bE": bE}


def reference(x, edge_attr, edge_index, WQ, bQ, WK, bK, WV, bV, WE, bE):
    # Linear projections, reshaped to [*, H, D]
    Qh = (x @ WQ + bQ).reshape(-1, H, D)
    Kh = (x @ WK + bK).reshape(-1, H, D)
    Vh = (x @ WV + bV).reshape(-1, H, D)
    Eh = (edge_attr @ WE + bE).reshape(-1, H, D)
    src = edge_index[0]
    dst = edge_index[1]
    # scaled_dot_product per edge: (K[src] * Q[dst] * E_edge).sum(-1) / sqrt(dk)
    dk = Kh.shape[-1]
    dot_prod = (Kh[src] * Qh[dst] * Eh).sum(-1, keepdims=True)  # [E, H, 1]
    score = jnp.exp(dot_prod / math.sqrt(dk))                    # [E, H, 1]
    # u_mul_e + sum -> wV ; copy_e + sum -> wZ (aggregated at dst)
    wV = jax.ops.segment_sum(Vh[src] * score, dst, num_segments=N)  # [N, H, D]
    wZ = jax.ops.segment_sum(score, dst, num_segments=N)            # [N, H, 1]
    return wV / (wZ + EPS)

if __name__ == "__main__":
    import jax
    _d = setup_inputs()
    print(jax.jit(kernel)(*tuple(_d.values())))

</pallas_src>

<mosaic_0001>
#map = affine_map<(d0, d1) -> (0)>
#map1 = affine_map<(d0, d1) -> (0, 0)>
module attributes {stable_mosaic.version = 14 : i64} {
  func.func @_edge_kernel(%arg0: i32, %arg1: i32, %arg2: memref<320000xi32, #tpu.memory_space<hbm>>, %arg3: memref<320000xi32, #tpu.memory_space<hbm>>, %arg4: memref<10000x128xbf16, #tpu.memory_space<hbm>>, %arg5: memref<10000x128xbf16, #tpu.memory_space<hbm>>, %arg6: memref<10000x128xf32, #tpu.memory_space<hbm>>, %arg7: memref<320000x128xf32, #tpu.memory_space<hbm>>, %arg8: memref<20000x128xf32, #tpu.memory_space<hbm>>, %arg9: memref<20000x16xf32, #tpu.memory_space<hbm>>, %arg10: memref<80xi32, #tpu.memory_space<vmem>>, %arg11: memref<80xi32, #tpu.memory_space<vmem>>, %arg12: memref<80x128xbf16, #tpu.memory_space<vmem>>, %arg13: memref<80x128xbf16, #tpu.memory_space<vmem>>, %arg14: memref<80x128xf32, #tpu.memory_space<vmem>>, %arg15: memref<80x128xf32, #tpu.memory_space<vmem>>, %arg16: memref<80x16xf32, #tpu.memory_space<vmem>>, %arg17: memref<!tpu.dma_semaphore, #tpu.memory_space<semaphore_mem>>, %arg18: memref<10000x128xf32, #tpu.memory_space<vmem_shared>>, %arg19: memref<10000x16xf32, #tpu.memory_space<vmem_shared>>) attributes {dimension_semantics = [#tpu.dimension_semantics<core_parallel>, #tpu.dimension_semantics<subcore_parallel>], iteration_bounds = array<i64: 2, 16>, scalar_prefetch = 0 : i64, scratch_operands = 10 : i64, tpu.core_type = #tpu.core_type<sc_vector_subcore>, window_params = [{transform_indices = #map}, {transform_indices = #map}, {transform_indices = #map1}, {transform_indices = #map1}, {transform_indices = #map1}, {transform_indices = #map1}, {transform_indices = #map1}, {transform_indices = #map1}]} {
    %mul3A = arith.constant 2 : i32
    %mul3A_0 = arith.muli %arg1, %mul3A : i32
    %add3A = arith.addi %mul3A_0, %arg0 : i32
    %broadcast_in_dim3A = arith.constant 0.000000e+00 : f32
    %broadcast_in_dim3A_1 = vector.broadcast %broadcast_in_dim3A : f32 to vector<16xf32>
    %scan3A = arith.constant 0 : i32
    %scan3A_2 = arith.constant 0 : i32
    %scan3A_3 = arith.constant 80 : i32
    %scan3A_4 = arith.addi %scan3A_2, %scan3A_3 : i32
    %scan3A_5 = arith.constant 1 : i32
    scf.for %scan3A_223 = %scan3A_2 to %scan3A_4 step %scan3A_5  : i32 {
      %swap3A = arith.index_cast %scan3A_223 : i32 to index
      %swap3A_224 = arith.constant 0 : index
      %swap3A_225 = tpu.vector_load %arg15[%swap3A, %swap3A_224] {strides = array<i32>} : memref<80x128xf32, #tpu.memory_space<vmem>>, vector<16xf32>,
      tpu.vector_store %arg15[%swap3A, %swap3A_224], %broadcast_in_dim3A_1 {strides = array<i32>} : memref<80x128xf32, #tpu.memory_space<vmem>>, vector<16xf32>,
      %swap3A_226 = arith.index_cast %scan3A_223 : i32 to index
      %swap3A_227 = arith.constant 16 : index
      %swap3A_228 = tpu.vector_load %arg15[%swap3A_226, %swap3A_227] {strides = array<i32>} : memref<80x128xf32, #tpu.memory_space<vmem>>, vector<16xf32>,
      tpu.vector_store %arg15[%swap3A_226, %swap3A_227], %broadcast_in_dim3A_1 {strides = array<i32>} : memref<80x128xf32, #tpu.memory_space<vmem>>, vector<16xf32>,
      %swap3A_229 = arith.index_cast %scan3A_223 : i32 to index
      %swap3A_230 = arith.constant 32 : index
      %swap3A_231 = tpu.vector_load %arg15[%swap3A_229, %swap3A_230] {strides = array<i32>} : memref<80x128xf32, #tpu.memory_space<vmem>>, vector<16xf32>,
      tpu.vector_store %arg15[%swap3A_229, %swap3A_230], %broadcast_in_dim3A_1 {strides = array<i32>} : memref<80x128xf32, #tpu.memory_space<vmem>>, vector<16xf32>,
      %swap3A_232 = arith.index_cast %scan3A_223 : i32 to index
      %swap3A_233 = arith.constant 48 : index
      %swap3A_234 = tpu.vector_load %arg15[%swap3A_232, %swap3A_233] {strides = array<i32>} : memref<80x128xf32, #tpu.memory_space<vmem>>, vector<16xf32>,
      tpu.vector_store %arg15[%swap3A_232, %swap3A_233], %broadcast_in_dim3A_1 {strides = array<i32>} : memref<80x128xf32, #tpu.memory_space<vmem>>, vector<16xf32>,
      %swap3A_235 = arith.index_cast %scan3A_223 : i32 to index
      %swap3A_236 = arith.constant 64 : index
      %swap3A_237 = tpu.vector_load %arg15[%swap3A_235, %swap3A_236] {strides = array<i32>} : memref<80x128xf32, #tpu.memory_space<vmem>>, vector<16xf32>,
      tpu.vector_store %arg15[%swap3A_235, %swap3A_236], %broadcast_in_dim3A_1 {strides = array<i32>} : memref<80x128xf32, #tpu.memory_space<vmem>>, vector<16xf32>,
      %swap3A_238 = arith.index_cast %scan3A_223 : i32 to index
      %swap3A_239 = arith.constant 80 : index
      %swap3A_240 = tpu.vector_load %arg15[%swap3A_238, %swap3A_239] {strides = array<i32>} : memref<80x128xf32, #tpu.memory_space<vmem>>, vector<16xf32>,
      tpu.vector_store %arg15[%swap3A_238, %swap3A_239], %broadcast_in_dim3A_1 {strides = array<i32>} : memref<80x128xf32, #tpu.memory_space<vmem>>, vector<16xf32>,
      %swap3A_241 = arith.index_cast %scan3A_223 : i32 to index
      %swap3A_242 = arith.constant 96 : index
      %swap3A_243 = tpu.vector_load %arg15[%swap3A_241, %swap3A_242] {strides = array<i32>} : memref<80x128xf32, #tpu.memory_space<vmem>>, vector<16xf32>,
      tpu.vector_store %arg15[%swap3A_241, %swap3A_242], %broadcast_in_dim3A_1 {strides = array<i32>} : memref<80x128xf32, #tpu.memory_space<vmem>>, vector<16xf32>,
      %swap3A_244 = arith.index_cast %scan3A_223 : i32 to index
      %swap3A_245 = arith.constant 112 : index
      %swap3A_246 = tpu.vector_load %arg15[%swap3A_244, %swap3A_245] {strides = array<i32>} : memref<80x128xf32, #tpu.memory_space<vmem>>, vector<16xf32>,
      tpu.vector_store %arg15[%swap3A_244, %swap3A_245], %broadcast_in_dim3A_1 {strides = array<i32>} : memref<80x128xf32, #tpu.memory_space<vmem>>, vector<16xf32>,
      %swap3A_247 = arith.index_cast %scan3A_223 : i32 to index
      %swap3A_248 = arith.constant 0 : index
      %swap3A_249 = tpu.vector_load %arg16[%swap3A_247, %swap3A_248] {strides = array<i32>} : memref<80x16xf32, #tpu.memory_space<vmem>>, vector<16xf32>,
      tpu.vector_store %arg16[%swap3A_247, %swap3A_248], %broadcast_in_dim3A_1 {strides = array<i32>} : memref<80x16xf32, #tpu.memory_space<vmem>>, vector<16xf32>,
    }
    %scan3A_6 = arith.constant 80 : i32
    %add3A_7 = arith.constant 0 : i32
    %add3A_8 = arith.addi %arg1, %add3A_7 : i32
    %lt3A = arith.constant 125 : i32
    %lt3A_9 = arith.cmpi slt, %add3A_8, %lt3A : i32
    %convert_element_type3A = arith.extui %lt3A_9 : i1 to i32
    %cond3A = arith.constant 0 : i32
    %cond3A_10 = arith.cmpi ne, %convert_element_type3A, %cond3A : i32
    scf.if %cond3A_10 {
      %mul3A_223 = arith.constant 80 : i32
      %mul3A_224 = arith.muli %add3A_8, %mul3A_223 : i32
      "tpu.region"() ({
        %run_scoped3A = tpu.sem_alloc : memref<!tpu.dma_semaphore, #tpu.memory_space<semaphore_mem>>
        %dma_start3A = arith.constant 0 : i32
        %dma_start3A_225 = tpu.memref_slice %arg18[%mul3A_224, %dma_start3A] : memref<10000x128xf32, #tpu.memory_space<vmem_shared>> -> memref<80x128xf32, #tpu.memory_space<vmem_shared>>
        %dma_start3A_226 = arith.constant 0 : i32
        %dma_start3A_227 = tpu.memref_slice %arg18[%mul3A_224, %dma_start3A_226] : memref<10000x128xf32, #tpu.memory_space<vmem_shared>> -> memref<80x128xf32, #tpu.memory_space<vmem_shared>>
        tpu.enqueue_dma source(%arg15 : memref<80x128xf32, #tpu.memory_space<vmem>>) target(%dma_start3A_227 : memref<80x128xf32, #tpu.memory_space<vmem_shared>>) target_semaphore(%run_scoped3A : memref<!tpu.dma_semaphore, #tpu.memory_space<semaphore_mem>>)
        %dma_wait3A = arith.constant 0 : i32
        %dma_wait3A_228 = tpu.memref_slice %arg18[%mul3A_224, %dma_wait3A] : memref<10000x128xf32, #tpu.memory_space<vmem_shared>> -> memref<80x128xf32, #tpu.memory_space<vmem_shared>>
        %dma_wait3A_229 = arith.constant 0 : i32
        %dma_wait3A_230 = tpu.memref_slice %arg18[%mul3A_224, %dma_wait3A_229] : memref<10000x128xf32, #tpu.memory_space<vmem_shared>> -> memref<80x128xf32, #tpu.memory_space<vmem_shared>>
        tpu.wait_dma2 semaphore(%run_scoped3A : memref<!tpu.dma_semaphore, #tpu.memory_space<semaphore_mem>>) src(%arg15 : memref<80x128xf32, #tpu.memory_space<vmem>>) dst(%dma_wait3A_230 : memref<80x128xf32, #tpu.memory_space<vmem_shared>>)
        tpu.yield
      }) : () -> ()
      "tpu.region"() ({
        %run_scoped3A = tpu.sem_alloc : memref<!tpu.dma_semaphore, #tpu.memory_space<semaphore_mem>>
        %dma_start3A = arith.constant 0 : i32
        %dma_start3A_225 = tpu.memref_slice %arg19[%mul3A_224, %dma_start3A] : memref<10000x16xf32, #tpu.memory_space<vmem_shared>> -> memref<80x16xf32, #tpu.memory_space<vmem_shared>>
        %dma_start3A_226 = arith.constant 0 : i32
        %dma_start3A_227 = tpu.memref_slice %arg19[%mul3A_224, %dma_start3A_226] : memref<10000x16xf32, #tpu.memory_space<vmem_shared>> -> memref<80x16xf32, #tpu.memory_space<vmem_shared>>
        tpu.enqueue_dma source(%arg16 : memref<80x16xf32, #tpu.memory_space<vmem>>) target(%dma_start3A_227 : memref<80x16xf32, #tpu.memory_space<vmem_shared>>) target_semaphore(%run_scoped3A : memref<!tpu.dma_semaphore, #tpu.memory_space<semaphore_mem>>)
        %dma_wait3A = arith.constant 0 : i32
        %dma_wait3A_228 = tpu.memref_slice %arg19[%mul3A_224, %dma_wait3A] : memref<10000x16xf32, #tpu.memory_space<vmem_shared>> -> memref<80x16xf32, #tpu.memory_space<vmem_shared>>
        %dma_wait3A_229 = arith.constant 0 : i32
        %dma_wait3A_230 = tpu.memref_slice %arg19[%mul3A_224, %dma_wait3A_229] : memref<10000x16xf32, #tpu.memory_space<vmem_shared>> -> memref<80x16xf32, #tpu.memory_space<vmem_shared>>
        tpu.wait_dma2 semaphore(%run_scoped3A : memref<!tpu.dma_semaphore, #tpu.memory_space<semaphore_mem>>) src(%arg16 : memref<80x16xf32, #tpu.memory_space<vmem>>) dst(%dma_wait3A_230 : memref<80x16xf32, #tpu.memory_space<vmem_shared>>)
        tpu.yield
      }) : () -> ()
    } else {
    }
    %add3A_11 = arith.constant 16 : i32
    %add3A_12 = arith.addi %arg1, %add3A_11 : i32
    %lt3A_13 = arith.constant 125 : i32
    %lt3A_14 = arith.cmpi slt, %add3A_12, %lt3A_13 : i32
    %convert_element_type3A_15 = arith.extui %lt3A_14 : i1 to i32
    %cond3A_16 = arith.constant 0 : i32
    %cond3A_17 = arith.cmpi ne, %convert_element_type3A_15, %cond3A_16 : i32
    scf.if %cond3A_17 {
      %mul3A_223 = arith.constant 80 : i32
      %mul3A_224 = arith.muli %add3A_12, %mul3A_223 : i32
      "tpu.region"() ({
        %run_scoped3A = tpu.sem_alloc : memref<!tpu.dma_semaphore, #tpu.memory_space<semaphore_mem>>
        %dma_start3A = arith.constant 0 : i32
        %dma_start3A_225 = tpu.memref_slice %arg18[%mul3A_224, %dma_start3A] : memref<10000x128xf32, #tpu.memory_space<vmem_shared>> -> memref<80x128xf32, #tpu.memory_space<vmem_shared>>
        %dma_start3A_226 = arith.constant 0 : i32
        %dma_start3A_227 = tpu.memref_slice %arg18[%mul3A_224, %dma_start3A_226] : memref<10000x128xf32, #tpu.memory_space<vmem_shared>> -> memref<80x128xf32, #tpu.memory_space<vmem_shared>>
        tpu.enqueue_dma source(%arg15 : memref<80x128xf32, #tpu.memory_space<vmem>>) target(%dma_start3A_227 : memref<80x128xf32, #tpu.memory_space<vmem_shared>>) target_semaphore(%run_scoped3A : memref<!tpu.dma_semaphore, #tpu.memory_space<semaphore_mem>>)
        %dma_wait3A = arith.constant 0 : i32
        %dma_wait3A_228 = tpu.memref_slice %arg18[%mul3A_224, %dma_wait3A] : memref<10000x128xf32, #tpu.memory_space<vmem_shared>> -> memref<80x128xf32, #tpu.memory_space<vmem_shared>>
        %dma_wait3A_229 = arith.constant 0 : i32
        %dma_wait3A_230 = tpu.memref_slice %arg18[%mul3A_224, %dma_wait3A_229] : memref<10000x128xf32, #tpu.memory_space<vmem_shared>> -> memref<80x128xf32, #tpu.memory_space<vmem_shared>>
        tpu.wait_dma2 semaphore(%run_scoped3A : memref<!tpu.dma_semaphore, #tpu.memory_space<semaphore_mem>>) src(%arg15 : memref<80x128xf32, #tpu.memory_space<vmem>>) dst(%dma_wait3A_230 : memref<80x128xf32, #tpu.memory_space<vmem_shared>>)
        tpu.yield
      }) : () -> ()
      "tpu.region"() ({
        %run_scoped3A = tpu.sem_alloc : memref<!tpu.dma_semaphore, #tpu.memory_space<semaphore_mem>>
        %dma_start3A = arith.constant 0 : i32
        %dma_start3A_225 = tpu.memref_slice %arg19[%mul3A_224, %dma_start3A] : memref<10000x16xf32, #tpu.memory_space<vmem_shared>> -> memref<80x16xf32, #tpu.memory_space<vmem_shared>>
        %dma_start3A_226 = arith.constant 0 : i32
        %dma_start3A_227 = tpu.memref_slice %arg19[%mul3A_224, %dma_start3A_226] : memref<10000x16xf32, #tpu.memory_space<vmem_shared>> -> memref<80x16xf32, #tpu.memory_space<vmem_shared>>
        tpu.enqueue_dma source(%arg16 : memref<80x16xf32, #tpu.memory_space<vmem>>) target(%dma_start3A_227 : memref<80x16xf32, #tpu.memory_space<vmem_shared>>) target_semaphore(%run_scoped3A : memref<!tpu.dma_semaphore, #tpu.memory_space<semaphore_mem>>)
        %dma_wait3A = arith.constant 0 : i32
        %dma_wait3A_228 = tpu.memref_slice %arg19[%mul3A_224, %dma_wait3A] : memref<10000x16xf32, #tpu.memory_space<vmem_shared>> -> memref<80x16xf32, #tpu.memory_space<vmem_shared>>
        %dma_wait3A_229 = arith.constant 0 : i32
        %dma_wait3A_230 = tpu.memref_slice %arg19[%mul3A_224, %dma_wait3A_229] : memref<10000x16xf32, #tpu.memory_space<vmem_shared>> -> memref<80x16xf32, #tpu.memory_space<vmem_shared>>
        tpu.wait_dma2 semaphore(%run_scoped3A : memref<!tpu.dma_semaphore, #tpu.memory_space<semaphore_mem>>) src(%arg16 : memref<80x16xf32, #tpu.memory_space<vmem>>) dst(%dma_wait3A_230 : memref<80x16xf32, #tpu.memory_space<vmem_shared>>)
        tpu.yield
      }) : () -> ()
    } else {
    }
    %add3A_18 = arith.constant 32 : i32
    %add3A_19 = arith.addi %arg1, %add3A_18 : i32
    %lt3A_20 = arith.constant 125 : i32
    %lt3A_21 = arith.cmpi slt, %add3A_19, %lt3A_20 : i32
    %convert_element_type3A_22 = arith.extui %lt3A_21 : i1 to i32
    %cond3A_23 = arith.constant 0 : i32
    %cond3A_24 = arith.cmpi ne, %convert_element_type3A_22, %cond3A_23 : i32
    scf.if %cond3A_24 {
      %mul3A_223 = arith.constant 80 : i32
      %mul3A_224 = arith.muli %add3A_19, %mul3A_223 : i32
      "tpu.region"() ({
        %run_scoped3A = tpu.sem_alloc : memref<!tpu.dma_semaphore, #tpu.memory_space<semaphore_mem>>
        %dma_start3A = arith.constant 0 : i32
        %dma_start3A_225 = tpu.memref_slice %arg18[%mul3A_224, %dma_start3A] : memref<10000x128xf32, #tpu.memory_space<vmem_shared>> -> memref<80x128xf32, #tpu.memory_space<vmem_shared>>
        %dma_start3A_226 = arith.constant 0 : i32
        %dma_start3A_227 = tpu.memref_slice %arg18[%mul3A_224, %dma_start3A_226] : memref<10000x128xf32, #tpu.memory_space<vmem_shared>> -> memref<80x128xf32, #tpu.memory_space<vmem_shared>>
        tpu.enqueue_dma source(%arg15 : memref<80x128xf32, #tpu.memory_space<vmem>>) target(%dma_start3A_227 : memref<80x128xf32, #tpu.memory_space<vmem_shared>>) target_semaphore(%run_scoped3A : memref<!tpu.dma_semaphore, #tpu.memory_space<semaphore_mem>>)
        %dma_wait3A = arith.constant 0 : i32
        %dma_wait3A_228 = tpu.memref_slice %arg18[%mul3A_224, %dma_wait3A] : memref<10000x128xf32, #tpu.memory_space<vmem_shared>> -> memref<80x128xf32, #tpu.memory_space<vmem_shared>>
        %dma_wait3A_229 = arith.constant 0 : i32
        %dma_wait3A_230 = tpu.memref_slice %arg18[%mul3A_224, %dma_wait3A_229] : memref<10000x128xf32, #tpu.memory_space<vmem_shared>> -> memref<80x128xf32, #tpu.memory_space<vmem_shared>>
        tpu.wait_dma2 semaphore(%run_scoped3A : memref<!tpu.dma_semaphore, #tpu.memory_space<semaphore_mem>>) src(%arg15 : memref<80x128xf32, #tpu.memory_space<vmem>>) dst(%dma_wait3A_230 : memref<80x128xf32, #tpu.memory_space<vmem_shared>>)
        tpu.yield
      }) : () -> ()
      "tpu.region"() ({
        %run_scoped3A = tpu.sem_alloc : memref<!tpu.dma_semaphore, #tpu.memory_space<semaphore_mem>>
        %dma_start3A = arith.constant 0 : i32
        %dma_start3A_225 = tpu.memref_slice %arg19[%mul3A_224, %dma_start3A] : memref<10000x16xf32, #tpu.memory_space<vmem_shared>> -> memref<80x16xf32, #tpu.memory_space<vmem_shared>>
        %dma_start3A_226 = arith.constant 0 : i32
        %dma_start3A_227 = tpu.memref_slice %arg19[%mul3A_224, %dma_start3A_226] : memref<10000x16xf32, #tpu.memory_space<vmem_shared>> -> memref<80x16xf32, #tpu.memory_space<vmem_shared>>
        tpu.enqueue_dma source(%arg16 : memref<80x16xf32, #tpu.memory_space<vmem>>) target(%dma_start3A_227 : memref<80x16xf32, #tpu.memory_space<vmem_shared>>) target_semaphore(%run_scoped3A : memref<!tpu.dma_semaphore, #tpu.memory_space<semaphore_mem>>)
        %dma_wait3A = arith.constant 0 : i32
        %dma_wait3A_228 = tpu.memref_slice %arg19[%mul3A_224, %dma_wait3A] : memref<10000x16xf32, #tpu.memory_space<vmem_shared>> -> memref<80x16xf32, #tpu.memory_space<vmem_shared>>
        %dma_wait3A_229 = arith.constant 0 : i32
        %dma_wait3A_230 = tpu.memref_slice %arg19[%mul3A_224, %dma_wait3A_229] : memref<10000x16xf32, #tpu.memory_space<vmem_shared>> -> memref<80x16xf32, #tpu.memory_space<vmem_shared>>
        tpu.wait_dma2 semaphore(%run_scoped3A : memref<!tpu.dma_semaphore, #tpu.memory_space<semaphore_mem>>) src(%arg16 : memref<80x16xf32, #tpu.memory_space<vmem>>) dst(%dma_wait3A_230 : memref<80x16xf32, #tpu.memory_space<vmem_shared>>)
        tpu.yield
      }) : () -> ()
    } else {
    }
    %add3A_25 = arith.constant 48 : i32
    %add3A_26 = arith.addi %arg1, %add3A_25 : i32
    %lt3A_27 = arith.constant 125 : i32
    %lt3A_28 = arith.cmpi slt, %add3A_26, %lt3A_27 : i32
    %convert_element_type3A_29 = arith.extui %lt3A_28 : i1 to i32
    %cond3A_30 = arith.constant 0 : i32
    %cond3A_31 = arith.cmpi ne, %convert_element_type3A_29, %cond3A_30 : i32
    scf.if %cond3A_31 {
      %mul3A_223 = arith.constant 80 : i32
      %mul3A_224 = arith.muli %add3A_26, %mul3A_223 : i32
      "tpu.region"() ({
        %run_scoped3A = tpu.sem_alloc : memref<!tpu.dma_semaphore, #tpu.memory_space<semaphore_mem>>
        %dma_start3A = arith.constant 0 : i32
        %dma_start3A_225 = tpu.memref_slice %arg18[%mul3A_224, %dma_start3A] : memref<10000x128xf32, #tpu.memory_space<vmem_shared>> -> memref<80x128xf32, #tpu.memory_space<vmem_shared>>
        %dma_start3A_226 = arith.constant 0 : i32
        %dma_start3A_227 = tpu.memref_slice %arg18[%mul3A_224, %dma_start3A_226] : memref<10000x128xf32, #tpu.memory_space<vmem_shared>> -> memref<80x128xf32, #tpu.memory_space<vmem_shared>>
        tpu.enqueue_dma source(%arg15 : memref<80x128xf32, #tpu.memory_space<vmem>>) target(%dma_start3A_227 : memref<80x128xf32, #tpu.memory_space<vmem_shared>>) target_semaphore(%run_scoped3A : memref<!tpu.dma_semaphore, #tpu.memory_space<semaphore_mem>>)
        %dma_wait3A = arith.constant 0 : i32
        %dma_wait3A_228 = tpu.memref_slice %arg18[%mul3A_224, %dma_wait3A] : memref<10000x128xf32, #tpu.memory_space<vmem_shared>> -> memref<80x128xf32, #tpu.memory_space<vmem_shared>>
        %dma_wait3A_229 = arith.constant 0 : i32
        %dma_wait3A_230 = tpu.memref_slice %arg18[%mul3A_224, %dma_wait3A_229] : memref<10000x128xf32, #tpu.memory_space<vmem_shared>> -> memref<80x128xf32, #tpu.memory_space<vmem_shared>>
        tpu.wait_dma2 semaphore(%run_scoped3A : memref<!tpu.dma_semaphore, #tpu.memory_space<semaphore_mem>>) src(%arg15 : memref<80x128xf32, #tpu.memory_space<vmem>>) dst(%dma_wait3A_230 : memref<80x128xf32, #tpu.memory_space<vmem_shared>>)
        tpu.yield
      }) : () -> ()
      "tpu.region"() ({
        %run_scoped3A = tpu.sem_alloc : memref<!tpu.dma_semaphore, #tpu.memory_space<semaphore_mem>>
        %dma_start3A = arith.constant 0 : i32
        %dma_start3A_225 = tpu.memref_slice %arg19[%mul3A_224, %dma_start3A] : memref<10000x16xf32, #tpu.memory_space<vmem_shared>> -> memref<80x16xf32, #tpu.memory_space<vmem_shared>>
        %dma_start3A_226 = arith.constant 0 : i32
        %dma_start3A_227 = tpu.memref_slice %arg19[%mul3A_224, %dma_start3A_226] : memref<10000x16xf32, #tpu.memory_space<vmem_shared>> -> memref<80x16xf32, #tpu.memory_space<vmem_shared>>
        tpu.enqueue_dma source(%arg16 : memref<80x16xf32, #tpu.memory_space<vmem>>) target(%dma_start3A_227 : memref<80x16xf32, #tpu.memory_space<vmem_shared>>) target_semaphore(%run_scoped3A : memref<!tpu.dma_semaphore, #tpu.memory_space<semaphore_mem>>)
        %dma_wait3A = arith.constant 0 : i32
        %dma_wait3A_228 = tpu.memref_slice %arg19[%mul3A_224, %dma_wait3A] : memref<10000x16xf32, #tpu.memory_space<vmem_shared>> -> memref<80x16xf32, #tpu.memory_space<vmem_shared>>
        %dma_wait3A_229 = arith.constant 0 : i32
        %dma_wait3A_230 = tpu.memref_slice %arg19[%mul3A_224, %dma_wait3A_229] : memref<10000x16xf32, #tpu.memory_space<vmem_shared>> -> memref<80x16xf32, #tpu.memory_space<vmem_shared>>
        tpu.wait_dma2 semaphore(%run_scoped3A : memref<!tpu.dma_semaphore, #tpu.memory_space<semaphore_mem>>) src(%arg16 : memref<80x16xf32, #tpu.memory_space<vmem>>) dst(%dma_wait3A_230 : memref<80x16xf32, #tpu.memory_space<vmem_shared>>)
        tpu.yield
      }) : () -> ()
    } else {
    }
    %add3A_32 = arith.constant 64 : i32
    %add3A_33 = arith.addi %arg1, %add3A_32 : i32
    %lt3A_34 = arith.constant 125 : i32
    %lt3A_35 = arith.cmpi slt, %add3A_33, %lt3A_34 : i32
    %convert_element_type3A_36 = arith.extui %lt3A_35 : i1 to i32
    %cond3A_37 = arith.constant 0 : i32
    %cond3A_38 = arith.cmpi ne, %convert_element_type3A_36, %cond3A_37 : i32
    scf.if %cond3A_38 {
      %mul3A_223 = arith.constant 80 : i32
      %mul3A_224 = arith.muli %add3A_33, %mul3A_223 : i32
      "tpu.region"() ({
        %run_scoped3A = tpu.sem_alloc : memref<!tpu.dma_semaphore, #tpu.memory_space<semaphore_mem>>
        %dma_start3A = arith.constant 0 : i32
        %dma_start3A_225 = tpu.memref_slice %arg18[%mul3A_224, %dma_start3A] : memref<10000x128xf32, #tpu.memory_space<vmem_shared>> -> memref<80x128xf32, #tpu.memory_space<vmem_shared>>
        %dma_start3A_226 = arith.constant 0 : i32
        %dma_start3A_227 = tpu.memref_slice %arg18[%mul3A_224, %dma_start3A_226] : memref<10000x128xf32, #tpu.memory_space<vmem_shared>> -> memref<80x128xf32, #tpu.memory_space<vmem_shared>>
        tpu.enqueue_dma source(%arg15 : memref<80x128xf32, #tpu.memory_space<vmem>>) target(%dma_start3A_227 : memref<80x128xf32, #tpu.memory_space<vmem_shared>>) target_semaphore(%run_scoped3A : memref<!tpu.dma_semaphore, #tpu.memory_space<semaphore_mem>>)
        %dma_wait3A = arith.constant 0 : i32
        %dma_wait3A_228 = tpu.memref_slice %arg18[%mul3A_224, %dma_wait3A] : memref<10000x128xf32, #tpu.memory_space<vmem_shared>> -> memref<80x128xf32, #tpu.memory_space<vmem_shared>>
        %dma_wait3A_229 = arith.constant 0 : i32
        %dma_wait3A_230 = tpu.memref_slice %arg18[%mul3A_224, %dma_wait3A_229] : memref<10000x128xf32, #tpu.memory_space<vmem_shared>> -> memref<80x128xf32, #tpu.memory_space<vmem_shared>>
        tpu.wait_dma2 semaphore(%run_scoped3A : memref<!tpu.dma_semaphore, #tpu.memory_space<semaphore_mem>>) src(%arg15 : memref<80x128xf32, #tpu.memory_space<vmem>>) dst(%dma_wait3A_230 : memref<80x128xf32, #tpu.memory_space<vmem_shared>>)
        tpu.yield
      }) : () -> ()
      "tpu.region"() ({
        %run_scoped3A = tpu.sem_alloc : memref<!tpu.dma_semaphore, #tpu.memory_space<semaphore_mem>>
        %dma_start3A = arith.constant 0 : i32
        %dma_start3A_225 = tpu.memref_slice %arg19[%mul3A_224, %dma_start3A] : memref<10000x16xf32, #tpu.memory_space<vmem_shared>> -> memref<80x16xf32, #tpu.memory_space<vmem_shared>>
        %dma_start3A_226 = arith.constant 0 : i32
        %dma_start3A_227 = tpu.memref_slice %arg19[%mul3A_224, %dma_start3A_226] : memref<10000x16xf32, #tpu.memory_space<vmem_shared>> -> memref<80x16xf32, #tpu.memory_space<vmem_shared>>
        tpu.enqueue_dma source(%arg16 : memref<80x16xf32, #tpu.memory_space<vmem>>) target(%dma_start3A_227 : memref<80x16xf32, #tpu.memory_space<vmem_shared>>) target_semaphore(%run_scoped3A : memref<!tpu.dma_semaphore, #tpu.memory_space<semaphore_mem>>)
        %dma_wait3A = arith.constant 0 : i32
        %dma_wait3A_228 = tpu.memref_slice %arg19[%mul3A_224, %dma_wait3A] : memref<10000x16xf32, #tpu.memory_space<vmem_shared>> -> memref<80x16xf32, #tpu.memory_space<vmem_shared>>
        %dma_wait3A_229 = arith.constant 0 : i32
        %dma_wait3A_230 = tpu.memref_slice %arg19[%mul3A_224, %dma_wait3A_229] : memref<10000x16xf32, #tpu.memory_space<vmem_shared>> -> memref<80x16xf32, #tpu.memory_space<vmem_shared>>
        tpu.wait_dma2 semaphore(%run_scoped3A : memref<!tpu.dma_semaphore, #tpu.memory_space<semaphore_mem>>) src(%arg16 : memref<80x16xf32, #tpu.memory_space<vmem>>) dst(%dma_wait3A_230 : memref<80x16xf32, #tpu.memory_space<vmem_shared>>)
        tpu.yield
      }) : () -> ()
    } else {
    }
    %add3A_39 = arith.constant 80 : i32
    %add3A_40 = arith.addi %arg1, %add3A_39 : i32
    %lt3A_41 = arith.constant 125 : i32
    %lt3A_42 = arith.cmpi slt, %add3A_40, %lt3A_41 : i32
    %convert_element_type3A_43 = arith.extui %lt3A_42 : i1 to i32
    %cond3A_44 = arith.constant 0 : i32
    %cond3A_45 = arith.cmpi ne, %convert_element_type3A_43, %cond3A_44 : i32
    scf.if %cond3A_45 {
      %mul3A_223 = arith.constant 80 : i32
      %mul3A_224 = arith.muli %add3A_40, %mul3A_223 : i32
      "tpu.region"() ({
        %run_scoped3A = tpu.sem_alloc : memref<!tpu.dma_semaphore, #tpu.memory_space<semaphore_mem>>
        %dma_start3A = arith.constant 0 : i32
        %dma_start3A_225 = tpu.memref_slice %arg18[%mul3A_224, %dma_start3A] : memref<10000x128xf32, #tpu.memory_space<vmem_shared>> -> memref<80x128xf32, #tpu.memory_space<vmem_shared>>
        %dma_start3A_226 = arith.constant 0 : i32
        %dma_start3A_227 = tpu.memref_slice %arg18[%mul3A_224, %dma_start3A_226] : memref<10000x128xf32, #tpu.memory_space<vmem_shared>> -> memref<80x128xf32, #tpu.memory_space<vmem_shared>>
        tpu.enqueue_dma source(%arg15 : memref<80x128xf32, #tpu.memory_space<vmem>>) target(%dma_start3A_227 : memref<80x128xf32, #tpu.memory_space<vmem_shared>>) target_semaphore(%run_scoped3A : memref<!tpu.dma_semaphore, #tpu.memory_space<semaphore_mem>>)
        %dma_wait3A = arith.constant 0 : i32
        %dma_wait3A_228 = tpu.memref_slice %arg18[%mul3A_224, %dma_wait3A] : memref<10000x128xf32, #tpu.memory_space<vmem_shared>> -> memref<80x128xf32, #tpu.memory_space<vmem_shared>>
        %dma_wait3A_229 = arith.constant 0 : i32
        %dma_wait3A_230 = tpu.memref_slice %arg18[%mul3A_224, %dma_wait3A_229] : memref<10000x128xf32, #tpu.memory_space<vmem_shared>> -> memref<80x128xf32, #tpu.memory_space<vmem_shared>>
        tpu.wait_dma2 semaphore(%run_scoped3A : memref<!tpu.dma_semaphore, #tpu.memory_space<semaphore_mem>>) src(%arg15 : memref<80x128xf32, #tpu.memory_space<vmem>>) dst(%dma_wait3A_230 : memref<80x128xf32, #tpu.memory_space<vmem_shared>>)
        tpu.yield
      }) : () -> ()
      "tpu.region"() ({
        %run_scoped3A = tpu.sem_alloc : memref<!tpu.dma_semaphore, #tpu.memory_space<semaphore_mem>>
        %dma_start3A = arith.constant 0 : i32
        %dma_start3A_225 = tpu.memref_slice %arg19[%mul3A_224, %dma_start3A] : memref<10000x16xf32, #tpu.memory_space<vmem_shared>> -> memref<80x16xf32, #tpu.memory_space<vmem_shared>>
        %dma_start3A_226 = arith.constant 0 : i32
        %dma_start3A_227 = tpu.memref_slice %arg19[%mul3A_224, %dma_start3A_226] : memref<10000x16xf32, #tpu.memory_space<vmem_shared>> -> memref<80x16xf32, #tpu.memory_space<vmem_shared>>
        tpu.enqueue_dma source(%arg16 : memref<80x16xf32, #tpu.memory_space<vmem>>) target(%dma_start3A_227 : memref<80x16xf32, #tpu.memory_space<vmem_shared>>) target_semaphore(%run_scoped3A : memref<!tpu.dma_semaphore, #tpu.memory_space<semaphore_mem>>)
        %dma_wait3A = arith.constant 0 : i32
        %dma_wait3A_228 = tpu.memref_slice %arg19[%mul3A_224, %dma_wait3A] : memref<10000x16xf32, #tpu.memory_space<vmem_shared>> -> memref<80x16xf32, #tpu.memory_space<vmem_shared>>
        %dma_wait3A_229 = arith.constant 0 : i32
        %dma_wait3A_230 = tpu.memref_slice %arg19[%mul3A_224, %dma_wait3A_229] : memref<10000x16xf32, #tpu.memory_space<vmem_shared>> -> memref<80x16xf32, #tpu.memory_space<vmem_shared>>
        tpu.wait_dma2 semaphore(%run_scoped3A : memref<!tpu.dma_semaphore, #tpu.memory_space<semaphore_mem>>) src(%arg16 : memref<80x16xf32, #tpu.memory_space<vmem>>) dst(%dma_wait3A_230 : memref<80x16xf32, #tpu.memory_space<vmem_shared>>)
        tpu.yield
      }) : () -> ()
    } else {
    }
    %add3A_46 = arith.constant 96 : i32
    %add3A_47 = arith.addi %arg1, %add3A_46 : i32
    %lt3A_48 = arith.constant 125 : i32
    %lt3A_49 = arith.cmpi slt, %add3A_47, %lt3A_48 : i32
    %convert_element_type3A_50 = arith.extui %lt3A_49 : i1 to i32
    %cond3A_51 = arith.constant 0 : i32
    %cond3A_52 = arith.cmpi ne, %convert_element_type3A_50, %cond3A_51 : i32
    scf.if %cond3A_52 {
      %mul3A_223 = arith.constant 80 : i32
      %mul3A_224 = arith.muli %add3A_47, %mul3A_223 : i32
      "tpu.region"() ({
        %run_scoped3A = tpu.sem_alloc : memref<!tpu.dma_semaphore, #tpu.memory_space<semaphore_mem>>
        %dma_start3A = arith.constant 0 : i32
        %dma_start3A_225 = tpu.memref_slice %arg18[%mul3A_224, %dma_start3A] : memref<10000x128xf32, #tpu.memory_space<vmem_shared>> -> memref<80x128xf32, #tpu.memory_space<vmem_shared>>
        %dma_start3A_226 = arith.constant 0 : i32
        %dma_start3A_227 = tpu.memref_slice %arg18[%mul3A_224, %dma_start3A_226] : memref<10000x128xf32, #tpu.memory_space<vmem_shared>> -> memref<80x128xf32, #tpu.memory_space<vmem_shared>>
        tpu.enqueue_dma source(%arg15 : memref<80x128xf32, #tpu.memory_space<vmem>>) target(%dma_start3A_227 : memref<80x128xf32, #tpu.memory_space<vmem_shared>>) target_semaphore(%run_scoped3A : memref<!tpu.dma_semaphore, #tpu.memory_space<semaphore_mem>>)
        %dma_wait3A = arith.constant 0 : i32
        %dma_wait3A_228 = tpu.memref_slice %arg18[%mul3A_224, %dma_wait3A] : memref<10000x128xf32, #tpu.memory_space<vmem_shared>> -> memref<80x128xf32, #tpu.memory_space<vmem_shared>>
        %dma_wait3A_229 = arith.constant 0 : i32
        %dma_wait3A_230 = tpu.memref_slice %arg18[%mul3A_224, %dma_wait3A_229] : memref<10000x128xf32, #tpu.memory_space<vmem_shared>> -> memref<80x128xf32, #tpu.memory_space<vmem_shared>>
        tpu.wait_dma2 semaphore(%run_scoped3A : memref<!tpu.dma_semaphore, #tpu.memory_space<semaphore_mem>>) src(%arg15 : memref<80x128xf32, #tpu.memory_space<vmem>>) dst(%dma_wait3A_230 : memref<80x128xf32, #tpu.memory_space<vmem_shared>>)
        tpu.yield
      }) : () -> ()
      "tpu.region"() ({
        %run_scoped3A = tpu.sem_alloc : memref<!tpu.dma_semaphore, #tpu.memory_space<semaphore_mem>>
        %dma_start3A = arith.constant 0 : i32
        %dma_start3A_225 = tpu.memref_slice %arg19[%mul3A_224, %dma_start3A] : memref<10000x16xf32, #tpu.memory_space<vmem_shared>> -> memref<80x16xf32, #tpu.memory_space<vmem_shared>>
        %dma_start3A_226 = arith.constant 0 : i32
        %dma_start3A_227 = tpu.memref_slice %arg19[%mul3A_224, %dma_start3A_226] : memref<10000x16xf32, #tpu.memory_space<vmem_shared>> -> memref<80x16xf32, #tpu.memory_space<vmem_shared>>
        tpu.enqueue_dma source(%arg16 : memref<80x16xf32, #tpu.memory_space<vmem>>) target(%dma_start3A_227 : memref<80x16xf32, #tpu.memory_space<vmem_shared>>) target_semaphore(%run_scoped3A : memref<!tpu.dma_semaphore, #tpu.memory_space<semaphore_mem>>)
        %dma_wait3A = arith.constant 0 : i32
        %dma_wait3A_228 = tpu.memref_slice %arg19[%mul3A_224, %dma_wait3A] : memref<10000x16xf32, #tpu.memory_space<vmem_shared>> -> memref<80x16xf32, #tpu.memory_space<vmem_shared>>
        %dma_wait3A_229 = arith.constant 0 : i32
        %dma_wait3A_230 = tpu.memref_slice %arg19[%mul3A_224, %dma_wait3A_229] : memref<10000x16xf32, #tpu.memory_space<vmem_shared>> -> memref<80x16xf32, #tpu.memory_space<vmem_shared>>
        tpu.wait_dma2 semaphore(%run_scoped3A : memref<!tpu.dma_semaphore, #tpu.memory_space<semaphore_mem>>) src(%arg16 : memref<80x16xf32, #tpu.memory_space<vmem>>) dst(%dma_wait3A_230 : memref<80x16xf32, #tpu.memory_space<vmem_shared>>)
        tpu.yield
      }) : () -> ()
    } else {
    }
    %add3A_53 = arith.constant 112 : i32
    %add3A_54 = arith.addi %arg1, %add3A_53 : i32
    %lt3A_55 = arith.constant 125 : i32
    %lt3A_56 = arith.cmpi slt, %add3A_54, %lt3A_55 : i32
    %convert_element_type3A_57 = arith.extui %lt3A_56 : i1 to i32
    %cond3A_58 = arith.constant 0 : i32
    %cond3A_59 = arith.cmpi ne, %convert_element_type3A_57, %cond3A_58 : i32
    scf.if %cond3A_59 {
      %mul3A_223 = arith.constant 80 : i32
      %mul3A_224 = arith.muli %add3A_54, %mul3A_223 : i32
      "tpu.region"() ({
        %run_scoped3A = tpu.sem_alloc : memref<!tpu.dma_semaphore, #tpu.memory_space<semaphore_mem>>
        %dma_start3A = arith.constant 0 : i32
        %dma_start3A_225 = tpu.memref_slice %arg18[%mul3A_224, %dma_start3A] : memref<10000x128xf32, #tpu.memory_space<vmem_shared>> -> memref<80x128xf32, #tpu.memory_space<vmem_shared>>
        %dma_start3A_226 = arith.constant 0 : i32
        %dma_start3A_227 = tpu.memref_slice %arg18[%mul3A_224, %dma_start3A_226] : memref<10000x128xf32, #tpu.memory_space<vmem_shared>> -> memref<80x128xf32, #tpu.memory_space<vmem_shared>>
        tpu.enqueue_dma source(%arg15 : memref<80x128xf32, #tpu.memory_space<vmem>>) target(%dma_start3A_227 : memref<80x128xf32, #tpu.memory_space<vmem_shared>>) target_semaphore(%run_scoped3A : memref<!tpu.dma_semaphore, #tpu.memory_space<semaphore_mem>>)
        %dma_wait3A = arith.constant 0 : i32
        %dma_wait3A_228 = tpu.memref_slice %arg18[%mul3A_224, %dma_wait3A] : memref<10000x128xf32, #tpu.memory_space<vmem_shared>> -> memref<80x128xf32, #tpu.memory_space<vmem_shared>>
        %dma_wait3A_229 = arith.constant 0 : i32
        %dma_wait3A_230 = tpu.memref_slice %arg18[%mul3A_224, %dma_wait3A_229] : memref<10000x128xf32, #tpu.memory_space<vmem_shared>> -> memref<80x128xf32, #tpu.memory_space<vmem_shared>>
        tpu.wait_dma2 semaphore(%run_scoped3A : memref<!tpu.dma_semaphore, #tpu.memory_space<semaphore_mem>>) src(%arg15 : memref<80x128xf32, #tpu.memory_space<vmem>>) dst(%dma_wait3A_230 : memref<80x128xf32, #tpu.memory_space<vmem_shared>>)
        tpu.yield
      }) : () -> ()
      "tpu.region"() ({
        %run_scoped3A = tpu.sem_alloc : memref<!tpu.dma_semaphore, #tpu.memory_space<semaphore_mem>>
        %dma_start3A = arith.constant 0 : i32
        %dma_start3A_225 = tpu.memref_slice %arg19[%mul3A_224, %dma_start3A] : memref<10000x16xf32, #tpu.memory_space<vmem_shared>> -> memref<80x16xf32, #tpu.memory_space<vmem_shared>>
        %dma_start3A_226 = arith.constant 0 : i32
        %dma_start3A_227 = tpu.memref_slice %arg19[%mul3A_224, %dma_start3A_226] : memref<10000x16xf32, #tpu.memory_space<vmem_shared>> -> memref<80x16xf32, #tpu.memory_space<vmem_shared>>
        tpu.enqueue_dma source(%arg16 : memref<80x16xf32, #tpu.memory_space<vmem>>) target(%dma_start3A_227 : memref<80x16xf32, #tpu.memory_space<vmem_shared>>) target_semaphore(%run_scoped3A : memref<!tpu.dma_semaphore, #tpu.memory_space<semaphore_mem>>)
        %dma_wait3A = arith.constant 0 : i32
        %dma_wait3A_228 = tpu.memref_slice %arg19[%mul3A_224, %dma_wait3A] : memref<10000x16xf32, #tpu.memory_space<vmem_shared>> -> memref<80x16xf32, #tpu.memory_space<vmem_shared>>
        %dma_wait3A_229 = arith.constant 0 : i32
        %dma_wait3A_230 = tpu.memref_slice %arg19[%mul3A_224, %dma_wait3A_229] : memref<10000x16xf32, #tpu.memory_space<vmem_shared>> -> memref<80x16xf32, #tpu.memory_space<vmem_shared>>
        tpu.wait_dma2 semaphore(%run_scoped3A : memref<!tpu.dma_semaphore, #tpu.memory_space<semaphore_mem>>) src(%arg16 : memref<80x16xf32, #tpu.memory_space<vmem>>) dst(%dma_wait3A_230 : memref<80x16xf32, #tpu.memory_space<vmem_shared>>)
        tpu.yield
      }) : () -> ()
    } else {
    }
    %barrier3A = arith.constant 0 : index
    tpu.barrier barrier_id(%barrier3A)
    %iota3A = tpu.iota {dimensions = array<i32: 0>} : vector<16xi32>
    %eq3A = arith.constant 0 : i32
    %eq3A_60 = vector.broadcast %eq3A : i32 to vector<16xi32>
    %eq3A_61 = arith.cmpi eq, %iota3A, %eq3A_60 : vector<16xi32>
    %convert_element_type3A_62 = arith.extui %eq3A_61 : vector<16xi1> to vector<16xi32>
    %convert_element_type3A_63 = arith.sitofp %convert_element_type3A_62 : vector<16xi32> to vector<16xf32>
    %eq3A_64 = arith.constant 1 : i32
    %eq3A_65 = vector.broadcast %eq3A_64 : i32 to vector<16xi32>
    %eq3A_66 = arith.cmpi eq, %iota3A, %eq3A_65 : vector<16xi32>
    %convert_element_type3A_67 = arith.extui %eq3A_66 : vector<16xi1> to vector<16xi32>
    %convert_element_type3A_68 = arith.sitofp %convert_element_type3A_67 : vector<16xi32> to vector<16xf32>
    %eq3A_69 = arith.constant 2 : i32
    %eq3A_70 = vector.broadcast %eq3A_69 : i32 to vector<16xi32>
    %eq3A_71 = arith.cmpi eq, %iota3A, %eq3A_70 : vector<16xi32>
    %convert_element_type3A_72 = arith.extui %eq3A_71 : vector<16xi1> to vector<16xi32>
    %convert_element_type3A_73 = arith.sitofp %convert_element_type3A_72 : vector<16xi32> to vector<16xf32>
    %eq3A_74 = arith.constant 3 : i32
    %eq3A_75 = vector.broadcast %eq3A_74 : i32 to vector<16xi32>
    %eq3A_76 = arith.cmpi eq, %iota3A, %eq3A_75 : vector<16xi32>
    %convert_element_type3A_77 = arith.extui %eq3A_76 : vector<16xi1> to vector<16xi32>
    %convert_element_type3A_78 = arith.sitofp %convert_element_type3A_77 : vector<16xi32> to vector<16xf32>
    %eq3A_79 = arith.constant 4 : i32
    %eq3A_80 = vector.broadcast %eq3A_79 : i32 to vector<16xi32>
    %eq3A_81 = arith.cmpi eq, %iota3A, %eq3A_80 : vector<16xi32>
    %convert_element_type3A_82 = arith.extui %eq3A_81 : vector<16xi1> to vector<16xi32>
    %convert_element_type3A_83 = arith.sitofp %convert_element_type3A_82 : vector<16xi32> to vector<16xf32>
    %eq3A_84 = arith.constant 5 : i32
    %eq3A_85 = vector.broadcast %eq3A_84 : i32 to vector<16xi32>
    %eq3A_86 = arith.cmpi eq, %iota3A, %eq3A_85 : vector<16xi32>
    %convert_element_type3A_87 = arith.extui %eq3A_86 : vector<16xi1> to vector<16xi32>
    %convert_element_type3A_88 = arith.sitofp %convert_element_type3A_87 : vector<16xi32> to vector<16xf32>
    %eq3A_89 = arith.constant 6 : i32
    %eq3A_90 = vector.broadcast %eq3A_89 : i32 to vector<16xi32>
    %eq3A_91 = arith.cmpi eq, %iota3A, %eq3A_90 : vector<16xi32>
    %convert_element_type3A_92 = arith.extui %eq3A_91 : vector<16xi1> to vector<16xi32>
    %convert_element_type3A_93 = arith.sitofp %convert_element_type3A_92 : vector<16xi32> to vector<16xf32>
    %eq3A_94 = arith.constant 7 : i32
    %eq3A_95 = vector.broadcast %eq3A_94 : i32 to vector<16xi32>
    %eq3A_96 = arith.cmpi eq, %iota3A, %eq3A_95 : vector<16xi32>
    %convert_element_type3A_97 = arith.extui %eq3A_96 : vector<16xi1> to vector<16xi32>
    %convert_element_type3A_98 = arith.sitofp %convert_element_type3A_97 : vector<16xi32> to vector<16xf32>
    %xor3A = arith.constant 8 : i32
    %xor3A_99 = vector.broadcast %xor3A : i32 to vector<16xi32>
    %xor3A_100 = arith.xori %iota3A, %xor3A_99 : vector<16xi32>
    %xor3A_101 = arith.constant 4 : i32
    %xor3A_102 = vector.broadcast %xor3A_101 : i32 to vector<16xi32>
    %xor3A_103 = arith.xori %iota3A, %xor3A_102 : vector<16xi32>
    %xor3A_104 = arith.constant 2 : i32
    %xor3A_105 = vector.broadcast %xor3A_104 : i32 to vector<16xi32>
    %xor3A_106 = arith.xori %iota3A, %xor3A_105 : vector<16xi32>
    %xor3A_107 = arith.constant 1 : i32
    %xor3A_108 = vector.broadcast %xor3A_107 : i32 to vector<16xi32>
    %xor3A_109 = arith.xori %iota3A, %xor3A_108 : vector<16xi32>
    %mul3A_110 = arith.constant 0 : i32
    %mul3A_111 = vector.broadcast %mul3A_110 : i32 to vector<16xi32>
    %mul3A_112 = arith.muli %iota3A, %mul3A_111 : vector<16xi32>
    %add3A_113 = arith.constant 0 : i32
    %add3A_114 = vector.broadcast %add3A_113 : i32 to vector<16xi32>
    %add3A_115 = arith.addi %mul3A_112, %add3A_114 : vector<16xi32>
    %mul3A_116 = arith.constant 0 : i32
    %mul3A_117 = vector.broadcast %mul3A_116 : i32 to vector<16xi32>
    %mul3A_118 = arith.muli %iota3A, %mul3A_117 : vector<16xi32>
    %add3A_119 = arith.constant 1 : i32
    %add3A_120 = vector.broadcast %add3A_119 : i32 to vector<16xi32>
    %add3A_121 = arith.addi %mul3A_118, %add3A_120 : vector<16xi32>
    %mul3A_122 = arith.constant 0 : i32
    %mul3A_123 = vector.broadcast %mul3A_122 : i32 to vector<16xi32>
    %mul3A_124 = arith.muli %iota3A, %mul3A_123 : vector<16xi32>
    %add3A_125 = arith.constant 2 : i32
    %add3A_126 = vector.broadcast %add3A_125 : i32 to vector<16xi32>
    %add3A_127 = arith.addi %mul3A_124, %add3A_126 : vector<16xi32>
    %mul3A_128 = arith.constant 0 : i32
    %mul3A_129 = vector.broadcast %mul3A_128 : i32 to vector<16xi32>
    %mul3A_130 = arith.muli %iota3A, %mul3A_129 : vector<16xi32>
    %add3A_131 = arith.constant 3 : i32
    %add3A_132 = vector.broadcast %add3A_131 : i32 to vector<16xi32>
    %add3A_133 = arith.addi %mul3A_130, %add3A_132 : vector<16xi32>
    %mul3A_134 = arith.constant 0 : i32
    %mul3A_135 = vector.broadcast %mul3A_134 : i32 to vector<16xi32>
    %mul3A_136 = arith.muli %iota3A, %mul3A_135 : vector<16xi32>
    %add3A_137 = arith.constant 4 : i32
    %add3A_138 = vector.broadcast %add3A_137 : i32 to vector<16xi32>
    %add3A_139 = arith.addi %mul3A_136, %add3A_138 : vector<16xi32>
    %mul3A_140 = arith.constant 0 : i32
    %mul3A_141 = vector.broadcast %mul3A_140 : i32 to vector<16xi32>
    %mul3A_142 = arith.muli %iota3A, %mul3A_141 : vector<16xi32>
    %add3A_143 = arith.constant 5 : i32
    %add3A_144 = vector.broadcast %add3A_143 : i32 to vector<16xi32>
    %add3A_145 = arith.addi %mul3A_142, %add3A_144 : vector<16xi32>
    %mul3A_146 = arith.constant 0 : i32
    %mul3A_147 = vector.broadcast %mul3A_146 : i32 to vector<16xi32>
    %mul3A_148 = arith.muli %iota3A, %mul3A_147 : vector<16xi32>
    %add3A_149 = arith.constant 6 : i32
    %add3A_150 = vector.broadcast %add3A_149 : i32 to vector<16xi32>
    %add3A_151 = arith.addi %mul3A_148, %add3A_150 : vector<16xi32>
    %mul3A_152 = arith.constant 0 : i32
    %mul3A_153 = vector.broadcast %mul3A_152 : i32 to vector<16xi32>
    %mul3A_154 = arith.muli %iota3A, %mul3A_153 : vector<16xi32>
    %add3A_155 = arith.constant 7 : i32
    %add3A_156 = vector.broadcast %add3A_155 : i32 to vector<16xi32>
    %add3A_157 = arith.addi %mul3A_154, %add3A_156 : vector<16xi32>
    %mul3A_158 = arith.constant 10000 : i32
    %mul3A_159 = arith.muli %add3A, %mul3A_158 : i32
    %scan3A_160 = arith.constant 0 : i32
    %scan3A_161 = arith.constant 0 : i32
    %scan3A_162 = arith.constant 125 : i32
    %scan3A_163 = arith.addi %scan3A_161, %scan3A_162 : i32
    %scan3A_164 = arith.constant 1 : i32
    scf.for %scan3A_223 = %scan3A_161 to %scan3A_163 step %scan3A_164  : i32 {
      %mul3A_224 = arith.constant 80 : i32
      %mul3A_225 = arith.muli %scan3A_223, %mul3A_224 : i32
      %add3A_226 = arith.addi %mul3A_159, %mul3A_225 : i32
      "tpu.region"() ({
        %run_scoped3A = tpu.sem_alloc : memref<!tpu.dma_semaphore, #tpu.memory_space<semaphore_mem>>
        %dma_start3A_249 = tpu.memref_slice %arg2[%add3A_226] : memref<320000xi32, #tpu.memory_space<hbm>> -> memref<80xi32, #tpu.memory_space<hbm>>
        %dma_start3A_250 = tpu.memref_slice %arg2[%add3A_226] : memref<320000xi32, #tpu.memory_space<hbm>> -> memref<80xi32, #tpu.memory_space<hbm>>
        tpu.enqueue_dma source(%dma_start3A_250 : memref<80xi32, #tpu.memory_space<hbm>>) target(%arg10 : memref<80xi32, #tpu.memory_space<vmem>>) target_semaphore(%run_scoped3A : memref<!tpu.dma_semaphore, #tpu.memory_space<semaphore_mem>>)
        %dma_wait3A_251 = tpu.memref_slice %arg2[%add3A_226] : memref<320000xi32, #tpu.memory_space<hbm>> -> memref<80xi32, #tpu.memory_space<hbm>>
        %dma_wait3A_252 = tpu.memref_slice %arg2[%add3A_226] : memref<320000xi32, #tpu.memory_space<hbm>> -> memref<80xi32, #tpu.memory_space<hbm>>
        tpu.wait_dma2 semaphore(%run_scoped3A : memref<!tpu.dma_semaphore, #tpu.memory_space<semaphore_mem>>) src(%dma_wait3A_252 : memref<80xi32, #tpu.memory_space<hbm>>) dst(%arg10 : memref<80xi32, #tpu.memory_space<vmem>>)
        tpu.yield
      }) : () -> ()
      "tpu.region"() ({
        %run_scoped3A = tpu.sem_alloc : memref<!tpu.dma_semaphore, #tpu.memory_space<semaphore_mem>>
        %dma_start3A_249 = tpu.memref_slice %arg3[%add3A_226] : memref<320000xi32, #tpu.memory_space<hbm>> -> memref<80xi32, #tpu.memory_space<hbm>>
        %dma_start3A_250 = tpu.memref_slice %arg3[%add3A_226] : memref<320000xi32, #tpu.memory_space<hbm>> -> memref<80xi32, #tpu.memory_space<hbm>>
        tpu.enqueue_dma source(%dma_start3A_250 : memref<80xi32, #tpu.memory_space<hbm>>) target(%arg11 : memref<80xi32, #tpu.memory_space<vmem>>) target_semaphore(%run_scoped3A : memref<!tpu.dma_semaphore, #tpu.memory_space<semaphore_mem>>)
        %dma_wait3A_251 = tpu.memref_slice %arg3[%add3A_226] : memref<320000xi32, #tpu.memory_space<hbm>> -> memref<80xi32, #tpu.memory_space<hbm>>
        %dma_wait3A_252 = tpu.memref_slice %arg3[%add3A_226] : memref<320000xi32, #tpu.memory_space<hbm>> -> memref<80xi32, #tpu.memory_space<hbm>>
        tpu.wait_dma2 semaphore(%run_scoped3A : memref<!tpu.dma_semaphore, #tpu.memory_space<semaphore_mem>>) src(%dma_wait3A_252 : memref<80xi32, #tpu.memory_space<hbm>>) dst(%arg11 : memref<80xi32, #tpu.memory_space<vmem>>)
        tpu.yield
      }) : () -> ()
      %dma_start3A = arith.constant 0 : i32
      %dma_start3A_227 = arith.constant 0 : i32
      %dma_start3A_228 = tpu.memref_slice %arg5[%dma_start3A, %dma_start3A_227] : memref<10000x128xbf16, #tpu.memory_space<hbm>> -> memref<10000x128xbf16, #tpu.memory_space<hbm>>
      tpu.enqueue_indirect_dma source(%dma_start3A_228 : memref<10000x128xbf16, #tpu.memory_space<hbm>>) target(%arg12 : memref<80x128xbf16, #tpu.memory_space<vmem>>) offsets(%arg10 : memref<80xi32, #tpu.memory_space<vmem>>) semaphore(%arg17 : memref<!tpu.dma_semaphore, #tpu.memory_space<semaphore_mem>>)
      %dma_start3A_229 = arith.constant 0 : i32
      %dma_start3A_230 = arith.constant 0 : i32
      %dma_start3A_231 = tpu.memref_slice %arg4[%dma_start3A_229, %dma_start3A_230] : memref<10000x128xbf16, #tpu.memory_space<hbm>> -> memref<10000x128xbf16, #tpu.memory_space<hbm>>
      tpu.enqueue_indirect_dma source(%dma_start3A_231 : memref<10000x128xbf16, #tpu.memory_space<hbm>>) target(%arg13 : memref<80x128xbf16, #tpu.memory_space<vmem>>) offsets(%arg11 : memref<80xi32, #tpu.memory_space<vmem>>) semaphore(%arg17 : memref<!tpu.dma_semaphore, #tpu.memory_space<semaphore_mem>>)
      %dma_start3A_232 = arith.constant 0 : i32
      %dma_start3A_233 = arith.constant 0 : i32
      %dma_start3A_234 = tpu.memref_slice %arg6[%dma_start3A_232, %dma_start3A_233] : memref<10000x128xf32, #tpu.memory_space<hbm>> -> memref<10000x128xf32, #tpu.memory_space<hbm>>
      tpu.enqueue_indirect_dma source(%dma_start3A_234 : memref<10000x128xf32, #tpu.memory_space<hbm>>) target(%arg14 : memref<80x128xf32, #tpu.memory_space<vmem>>) offsets(%arg10 : memref<80xi32, #tpu.memory_space<vmem>>) semaphore(%arg17 : memref<!tpu.dma_semaphore, #tpu.memory_space<semaphore_mem>>)
      "tpu.region"() ({
        %run_scoped3A = tpu.sem_alloc : memref<!tpu.dma_semaphore, #tpu.memory_space<semaphore_mem>>
        %dma_start3A_249 = arith.constant 0 : i32
        %dma_start3A_250 = tpu.memref_slice %arg7[%add3A_226, %dma_start3A_249] : memref<320000x128xf32, #tpu.memory_space<hbm>> -> memref<80x128xf32, #tpu.memory_space<hbm>>
        %dma_start3A_251 = arith.constant 0 : i32
        %dma_start3A_252 = tpu.memref_slice %arg7[%add3A_226, %dma_start3A_251] : memref<320000x128xf32, #tpu.memory_space<hbm>> -> memref<80x128xf32, #tpu.memory_space<hbm>>
        tpu.enqueue_dma source(%dma_start3A_252 : memref<80x128xf32, #tpu.memory_space<hbm>>) target(%arg15 : memref<80x128xf32, #tpu.memory_space<vmem>>) target_semaphore(%run_scoped3A : memref<!tpu.dma_semaphore, #tpu.memory_space<semaphore_mem>>)
        %dma_wait3A_253 = arith.constant 0 : i32
        %dma_wait3A_254 = tpu.memref_slice %arg7[%add3A_226, %dma_wait3A_253] : memref<320000x128xf32, #tpu.memory_space<hbm>> -> memref<80x128xf32, #tpu.memory_space<hbm>>
        %dma_wait3A_255 = arith.constant 0 : i32
        %dma_wait3A_256 = tpu.memref_slice %arg7[%add3A_226, %dma_wait3A_255] : memref<320000x128xf32, #tpu.memory_space<hbm>> -> memref<80x128xf32, #tpu.memory_space<hbm>>
        tpu.wait_dma2 semaphore(%run_scoped3A : memref<!tpu.dma_semaphore, #tpu.memory_space<semaphore_mem>>) src(%dma_wait3A_256 : memref<80x128xf32, #tpu.memory_space<hbm>>) dst(%arg15 : memref<80x128xf32, #tpu.memory_space<vmem>>)
        tpu.yield
      }) : () -> ()
      %dma_wait3A = arith.constant 0 : i32
      %dma_wait3A_235 = arith.constant 0 : i32
      %dma_wait3A_236 = tpu.memref_slice %arg5[%dma_wait3A, %dma_wait3A_235] : memref<10000x128xbf16, #tpu.memory_space<hbm>> -> memref<10000x128xbf16, #tpu.memory_space<hbm>>
      tpu.wait_indirect_dma semaphore(%arg17 : memref<!tpu.dma_semaphore, #tpu.memory_space<semaphore_mem>>) src(%dma_wait3A_236 : memref<10000x128xbf16, #tpu.memory_space<hbm>>) dst(%arg12 : memref<80x128xbf16, #tpu.memory_space<vmem>>)
      %dma_wait3A_237 = arith.constant 0 : i32
      %dma_wait3A_238 = arith.constant 0 : i32
      %dma_wait3A_239 = tpu.memref_slice %arg4[%dma_wait3A_237, %dma_wait3A_238] : memref<10000x128xbf16, #tpu.memory_space<hbm>> -> memref<10000x128xbf16, #tpu.memory_space<hbm>>
      tpu.wait_indirect_dma semaphore(%arg17 : memref<!tpu.dma_semaphore, #tpu.memory_space<semaphore_mem>>) src(%dma_wait3A_239 : memref<10000x128xbf16, #tpu.memory_space<hbm>>) dst(%arg13 : memref<80x128xbf16, #tpu.memory_space<vmem>>)
      %dma_wait3A_240 = arith.constant 0 : i32
      %dma_wait3A_241 = arith.constant 0 : i32
      %dma_wait3A_242 = tpu.memref_slice %arg6[%dma_wait3A_240, %dma_wait3A_241] : memref<10000x128xf32, #tpu.memory_space<hbm>> -> memref<10000x128xf32, #tpu.memory_space<hbm>>
      tpu.wait_indirect_dma semaphore(%arg17 : memref<!tpu.dma_semaphore, #tpu.memory_space<semaphore_mem>>) src(%dma_wait3A_242 : memref<10000x128xf32, #tpu.memory_space<hbm>>) dst(%arg14 : memref<80x128xf32, #tpu.memory_space<vmem>>)
      %scan3A_243 = arith.constant 0 : i32
      %scan3A_244 = arith.constant 0 : i32
      %scan3A_245 = arith.constant 80 : i32
      %scan3A_246 = arith.addi %scan3A_244, %scan3A_245 : i32
      %scan3A_247 = arith.constant 1 : i32
      scf.for %scan3A_249 = %scan3A_244 to %scan3A_246 step %scan3A_247  : i32 {
        %get3A = arith.index_cast %scan3A_249 : i32 to index
        %get3A_250 = arith.constant 0 : index
        %get3A_251 = tpu.vector_load %arg12[%get3A, %get3A_250] {strides = array<i32>} : memref<80x128xbf16, #tpu.memory_space<vmem>>, vector<32xbf16>,
        %unpack3A = tpu.unpack_subelements %get3A_251, 0 {pack_format = #tpu.pack_format<interleaved>} : vector<32xbf16> -> vector<16xf32>
        %unpack3A_252 = tpu.unpack_subelements %get3A_251, 1 {pack_format = #tpu.pack_format<interleaved>} : vector<32xbf16> -> vector<16xf32>
        %get3A_253 = arith.index_cast %scan3A_249 : i32 to index
        %get3A_254 = arith.constant 0 : index
        %get3A_255 = tpu.vector_load %arg13[%get3A_253, %get3A_254] {strides = array<i32>} : memref<80x128xbf16, #tpu.memory_space<vmem>>, vector<32xbf16>,
        %unpack3A_256 = tpu.unpack_subelements %get3A_255, 0 {pack_format = #tpu.pack_format<interleaved>} : vector<32xbf16> -> vector<16xf32>
        %unpack3A_257 = tpu.unpack_subelements %get3A_255, 1 {pack_format = #tpu.pack_format<interleaved>} : vector<32xbf16> -> vector<16xf32>
        %mul3A_258 = arith.mulf %unpack3A, %unpack3A_256 : vector<16xf32>
        %get3A_259 = arith.index_cast %scan3A_249 : i32 to index
        %get3A_260 = arith.constant 0 : index
        %get3A_261 = tpu.vector_load %arg15[%get3A_259, %get3A_260] {strides = array<i32>} : memref<80x128xf32, #tpu.memory_space<vmem>>, vector<16xf32>,
        %mul3A_262 = arith.mulf %mul3A_258, %get3A_261 : vector<16xf32>
        %mul3A_263 = arith.mulf %unpack3A_252, %unpack3A_257 : vector<16xf32>
        %get3A_264 = arith.index_cast %scan3A_249 : i32 to index
        %get3A_265 = arith.constant 16 : index
        %get3A_266 = tpu.vector_load %arg15[%get3A_264, %get3A_265] {strides = array<i32>} : memref<80x128xf32, #tpu.memory_space<vmem>>, vector<16xf32>,
        %mul3A_267 = arith.mulf %mul3A_263, %get3A_266 : vector<16xf32>
        %get3A_268 = arith.index_cast %scan3A_249 : i32 to index
        %get3A_269 = arith.constant 32 : index
        %get3A_270 = tpu.vector_load %arg12[%get3A_268, %get3A_269] {strides = array<i32>} : memref<80x128xbf16, #tpu.memory_space<vmem>>, vector<32xbf16>,
        %unpack3A_271 = tpu.unpack_subelements %get3A_270, 0 {pack_format = #tpu.pack_format<interleaved>} : vector<32xbf16> -> vector<16xf32>
        %unpack3A_272 = tpu.unpack_subelements %get3A_270, 1 {pack_format = #tpu.pack_format<interleaved>} : vector<32xbf16> -> vector<16xf32>
        %get3A_273 = arith.index_cast %scan3A_249 : i32 to index
        %get3A_274 = arith.constant 32 : index
        %get3A_275 = tpu.vector_load %arg13[%get3A_273, %get3A_274] {strides = array<i32>} : memref<80x128xbf16, #tpu.memory_space<vmem>>, vector<32xbf16>,
        %unpack3A_276 = tpu.unpack_subelements %get3A_275, 0 {pack_format = #tpu.pack_format<interleaved>} : vector<32xbf16> -> vector<16xf32>
        %unpack3A_277 = tpu.unpack_subelements %get3A_275, 1 {pack_format = #tpu.pack_format<interleaved>} : vector<32xbf16> -> vector<16xf32>
        %mul3A_278 = arith.mulf %unpack3A_271, %unpack3A_276 : vector<16xf32>
        %get3A_279 = arith.index_cast %scan3A_249 : i32 to index
        %get3A_280 = arith.constant 32 : index
        %get3A_281 = tpu.vector_load %arg15[%get3A_279, %get3A_280] {strides = array<i32>} : memref<80x128xf32, #tpu.memory_space<vmem>>, vector<16xf32>,
        %mul3A_282 = arith.mulf %mul3A_278, %get3A_281 : vector<16xf32>
        %mul3A_283 = arith.mulf %unpack3A_272, %unpack3A_277 : vector<16xf32>
        %get3A_284 = arith.index_cast %scan3A_249 : i32 to index
        %get3A_285 = arith.constant 48 : index
        %get3A_286 = tpu.vector_load %arg15[%get3A_284, %get3A_285] {strides = array<i32>} : memref<80x128xf32, #tpu.memory_space<vmem>>, vector<16xf32>,
        %mul3A_287 = arith.mulf %mul3A_283, %get3A_286 : vector<16xf32>
        %get3A_288 = arith.index_cast %scan3A_249 : i32 to index
        %get3A_289 = arith.constant 64 : index
        %get3A_290 = tpu.vector_load %arg12[%get3A_288, %get3A_289] {strides = array<i32>} : memref<80x128xbf16, #tpu.memory_space<vmem>>, vector<32xbf16>,
        %unpack3A_291 = tpu.unpack_subelements %get3A_290, 0 {pack_format = #tpu.pack_format<interleaved>} : vector<32xbf16> -> vector<16xf32>
        %unpack3A_292 = tpu.unpack_subelements %get3A_290, 1 {pack_format = #tpu.pack_format<interleaved>} : vector<32xbf16> -> vector<16xf32>
        %get3A_293 = arith.index_cast %scan3A_249 : i32 to index
        %get3A_294 = arith.constant 64 : index
        %get3A_295 = tpu.vector_load %arg13[%get3A_293, %get3A_294] {strides = array<i32>} : memref<80x128xbf16, #tpu.memory_space<vmem>>, vector<32xbf16>,
        %unpack3A_296 = tpu.unpack_subelements %get3A_295, 0 {pack_format = #tpu.pack_format<interleaved>} : vector<32xbf16> -> vector<16xf32>
        %unpack3A_297 = tpu.unpack_subelements %get3A_295, 1 {pack_format = #tpu.pack_format<interleaved>} : vector<32xbf16> -> vector<16xf32>
        %mul3A_298 = arith.mulf %unpack3A_291, %unpack3A_296 : vector<16xf32>
        %get3A_299 = arith.index_cast %scan3A_249 : i32 to index
        %get3A_300 = arith.constant 64 : index
        %get3A_301 = tpu.vector_load %arg15[%get3A_299, %get3A_300] {strides = array<i32>} : memref<80x128xf32, #tpu.memory_space<vmem>>, vector<16xf32>,
        %mul3A_302 = arith.mulf %mul3A_298, %get3A_301 : vector<16xf32>
        %mul3A_303 = arith.mulf %unpack3A_292, %unpack3A_297 : vector<16xf32>
        %get3A_304 = arith.index_cast %scan3A_249 : i32 to index
        %get3A_305 = arith.constant 80 : index
        %get3A_306 = tpu.vector_load %arg15[%get3A_304, %get3A_305] {strides = array<i32>} : memref<80x128xf32, #tpu.memory_space<vmem>>, vector<16xf32>,
        %mul3A_307 = arith.mulf %mul3A_303, %get3A_306 : vector<16xf32>
        %get3A_308 = arith.index_cast %scan3A_249 : i32 to index
        %get3A_309 = arith.constant 96 : index
        %get3A_310 = tpu.vector_load %arg12[%get3A_308, %get3A_309] {strides = array<i32>} : memref<80x128xbf16, #tpu.memory_space<vmem>>, vector<32xbf16>,
        %unpack3A_311 = tpu.unpack_subelements %get3A_310, 0 {pack_format = #tpu.pack_format<interleaved>} : vector<32xbf16> -> vector<16xf32>
        %unpack3A_312 = tpu.unpack_subelements %get3A_310, 1 {pack_format = #tpu.pack_format<interleaved>} : vector<32xbf16> -> vector<16xf32>
        %get3A_313 = arith.index_cast %scan3A_249 : i32 to index
        %get3A_314 = arith.constant 96 : index
        %get3A_315 = tpu.vector_load %arg13[%get3A_313, %get3A_314] {strides = array<i32>} : memref<80x128xbf16, #tpu.memory_space<vmem>>, vector<32xbf16>,
        %unpack3A_316 = tpu.unpack_subelements %get3A_315, 0 {pack_format = #tpu.pack_format<interleaved>} : vector<32xbf16> -> vector<16xf32>
        %unpack3A_317 = tpu.unpack_subelements %get3A_315, 1 {pack_format = #tpu.pack_format<interleaved>} : vector<32xbf16> -> vector<16xf32>
        %mul3A_318 = arith.mulf %unpack3A_311, %unpack3A_316 : vector<16xf32>
        %get3A_319 = arith.index_cast %scan3A_249 : i32 to index
        %get3A_320 = arith.constant 96 : index
        %get3A_321 = tpu.vector_load %arg15[%get3A_319, %get3A_320] {strides = array<i32>} : memref<80x128xf32, #tpu.memory_space<vmem>>, vector<16xf32>,
        %mul3A_322 = arith.mulf %mul3A_318, %get3A_321 : vector<16xf32>
        %mul3A_323 = arith.mulf %unpack3A_312, %unpack3A_317 : vector<16xf32>
        %get3A_324 = arith.index_cast %scan3A_249 : i32 to index
        %get3A_325 = arith.constant 112 : index
        %get3A_326 = tpu.vector_load %arg15[%get3A_324, %get3A_325] {strides = array<i32>} : memref<80x128xf32, #tpu.memory_space<vmem>>, vector<16xf32>,
        %mul3A_327 = arith.mulf %mul3A_323, %get3A_326 : vector<16xf32>
        %lt3A_328 = arith.constant 0 : i32
        %lt3A_329 = vector.broadcast %lt3A_328 : i32 to vector<16xi32>
        %lt3A_330 = arith.cmpi slt, %xor3A_100, %lt3A_329 : vector<16xi32>
        %add3A_331 = arith.constant 16 : i32
        %add3A_332 = vector.broadcast %add3A_331 : i32 to vector<16xi32>
        %add3A_333 = arith.addi %xor3A_100, %add3A_332 : vector<16xi32>
        %select_n3A = arith.select %lt3A_330, %add3A_333, %xor3A_100 : vector<16xi1>, vector<16xi32>
        %broadcast_in_dim3A_334 = vector.shape_cast %select_n3A : vector<16xi32> to vector<16x1xi32>
        %gather3A = vector.shape_cast %broadcast_in_dim3A_334 : vector<16x1xi32> to vector<16xi32>
        %gather3A_335 = tpu.dynamic_gather %mul3A_262[%gather3A] in [0] : vector<16xf32>, vector<16xi32> -> vector<16xf32>
        %add3A_336 = arith.addf %mul3A_262, %gather3A_335 : vector<16xf32>
        %lt3A_337 = arith.constant 0 : i32
        %lt3A_338 = vector.broadcast %lt3A_337 : i32 to vector<16xi32>
        %lt3A_339 = arith.cmpi slt, %xor3A_100, %lt3A_338 : vector<16xi32>
        %add3A_340 = arith.constant 16 : i32
        %add3A_341 = vector.broadcast %add3A_340 : i32 to vector<16xi32>
        %add3A_342 = arith.addi %xor3A_100, %add3A_341 : vector<16xi32>
        %select_n3A_343 = arith.select %lt3A_339, %add3A_342, %xor3A_100 : vector<16xi1>, vector<16xi32>
        %broadcast_in_dim3A_344 = vector.shape_cast %select_n3A_343 : vector<16xi32> to vector<16x1xi32>
        %gather3A_345 = vector.shape_cast %broadcast_in_dim3A_344 : vector<16x1xi32> to vector<16xi32>
        %gather3A_346 = tpu.dynamic_gather %mul3A_267[%gather3A_345] in [0] : vector<16xf32>, vector<16xi32> -> vector<16xf32>
        %add3A_347 = arith.addf %mul3A_267, %gather3A_346 : vector<16xf32>
        %lt3A_348 = arith.constant 0 : i32
        %lt3A_349 = vector.broadcast %lt3A_348 : i32 to vector<16xi32>
        %lt3A_350 = arith.cmpi slt, %xor3A_100, %lt3A_349 : vector<16xi32>
        %add3A_351 = arith.constant 16 : i32
        %add3A_352 = vector.broadcast %add3A_351 : i32 to vector<16xi32>
        %add3A_353 = arith.addi %xor3A_100, %add3A_352 : vector<16xi32>
        %select_n3A_354 = arith.select %lt3A_350, %add3A_353, %xor3A_100 : vector<16xi1>, vector<16xi32>
        %broadcast_in_dim3A_355 = vector.shape_cast %select_n3A_354 : vector<16xi32> to vector<16x1xi32>
        %gather3A_356 = vector.shape_cast %broadcast_in_dim3A_355 : vector<16x1xi32> to vector<16xi32>
        %gather3A_357 = tpu.dynamic_gather %mul3A_282[%gather3A_356] in [0] : vector<16xf32>, vector<16xi32> -> vector<16xf32>
        %add3A_358 = arith.addf %mul3A_282, %gather3A_357 : vector<16xf32>
        %lt3A_359 = arith.constant 0 : i32
        %lt3A_360 = vector.broadcast %lt3A_359 : i32 to vector<16xi32>
        %lt3A_361 = arith.cmpi slt, %xor3A_100, %lt3A_360 : vector<16xi32>
        %add3A_362 = arith.constant 16 : i32
        %add3A_363 = vector.broadcast %add3A_362 : i32 to vector<16xi32>
        %add3A_364 = arith.addi %xor3A_100, %add3A_363 : vector<16xi32>
        %select_n3A_365 = arith.select %lt3A_361, %add3A_364, %xor3A_100 : vector<16xi1>, vector<16xi32>
        %broadcast_in_dim3A_366 = vector.shape_cast %select_n3A_365 : vector<16xi32> to vector<16x1xi32>
        %gather3A_367 = vector.shape_cast %broadcast_in_dim3A_366 : vector<16x1xi32> to vector<16xi32>
        %gather3A_368 = tpu.dynamic_gather %mul3A_287[%gather3A_367] in [0] : vector<16xf32>, vector<16xi32> -> vector<16xf32>
        %add3A_369 = arith.addf %mul3A_287, %gather3A_368 : vector<16xf32>
        %lt3A_370 = arith.constant 0 : i32
        %lt3A_371 = vector.broadcast %lt3A_370 : i32 to vector<16xi32>
        %lt3A_372 = arith.cmpi slt, %xor3A_100, %lt3A_371 : vector<16xi32>
        %add3A_373 = arith.constant 16 : i32
        %add3A_374 = vector.broadcast %add3A_373 : i32 to vector<16xi32>
        %add3A_375 = arith.addi %xor3A_100, %add3A_374 : vector<16xi32>
        %select_n3A_376 = arith.select %lt3A_372, %add3A_375, %xor3A_100 : vector<16xi1>, vector<16xi32>
        %broadcast_in_dim3A_377 = vector.shape_cast %select_n3A_376 : vector<16xi32> to vector<16x1xi32>
        %gather3A_378 = vector.shape_cast %broadcast_in_dim3A_377 : vector<16x1xi32> to vector<16xi32>
        %gather3A_379 = tpu.dynamic_gather %mul3A_302[%gather3A_378] in [0] : vector<16xf32>, vector<16xi32> -> vector<16xf32>
        %add3A_380 = arith.addf %mul3A_302, %gather3A_379 : vector<16xf32>
        %lt3A_381 = arith.constant 0 : i32
        %lt3A_382 = vector.broadcast %lt3A_381 : i32 to vector<16xi32>
        %lt3A_383 = arith.cmpi slt, %xor3A_100, %lt3A_382 : vector<16xi32>
        %add3A_384 = arith.constant 16 : i32
        %add3A_385 = vector.broadcast %add3A_384 : i32 to vector<16xi32>
        %add3A_386 = arith.addi %xor3A_100, %add3A_385 : vector<16xi32>
        %select_n3A_387 = arith.select %lt3A_383, %add3A_386, %xor3A_100 : vector<16xi1>, vector<16xi32>
        %broadcast_in_dim3A_388 = vector.shape_cast %select_n3A_387 : vector<16xi32> to vector<16x1xi32>
        %gather3A_389 = vector.shape_cast %broadcast_in_dim3A_388 : vector<16x1xi32> to vector<16xi32>
        %gather3A_390 = tpu.dynamic_gather %mul3A_307[%gather3A_389] in [0] : vector<16xf32>, vector<16xi32> -> vector<16xf32>
        %add3A_391 = arith.addf %mul3A_307, %gather3A_390 : vector<16xf32>
        %lt3A_392 = arith.constant 0 : i32
        %lt3A_393 = vector.broadcast %lt3A_392 : i32 to vector<16xi32>
        %lt3A_394 = arith.cmpi slt, %xor3A_100, %lt3A_393 : vector<16xi32>
        %add3A_395 = arith.constant 16 : i32
        %add3A_396 = vector.broadcast %add3A_395 : i32 to vector<16xi32>
        %add3A_397 = arith.addi %xor3A_100, %add3A_396 : vector<16xi32>
        %select_n3A_398 = arith.select %lt3A_394, %add3A_397, %xor3A_100 : vector<16xi1>, vector<16xi32>
        %broadcast_in_dim3A_399 = vector.shape_cast %select_n3A_398 : vector<16xi32> to vector<16x1xi32>
        %gather3A_400 = vector.shape_cast %broadcast_in_dim3A_399 : vector<16x1xi32> to vector<16xi32>
        %gather3A_401 = tpu.dynamic_gather %mul3A_322[%gather3A_400] in [0] : vector<16xf32>, vector<16xi32> -> vector<16xf32>
        %add3A_402 = arith.addf %mul3A_322, %gather3A_401 : vector<16xf32>
        %lt3A_403 = arith.constant 0 : i32
        %lt3A_404 = vector.broadcast %lt3A_403 : i32 to vector<16xi32>
        %lt3A_405 = arith.cmpi slt, %xor3A_100, %lt3A_404 : vector<16xi32>
        %add3A_406 = arith.constant 16 : i32
        %add3A_407 = vector.broadcast %add3A_406 : i32 to vector<16xi32>
        %add3A_408 = arith.addi %xor3A_100, %add3A_407 : vector<16xi32>
        %select_n3A_409 = arith.select %lt3A_405, %add3A_408, %xor3A_100 : vector<16xi1>, vector<16xi32>
        %broadcast_in_dim3A_410 = vector.shape_cast %select_n3A_409 : vector<16xi32> to vector<16x1xi32>
        %gather3A_411 = vector.shape_cast %broadcast_in_dim3A_410 : vector<16x1xi32> to vector<16xi32>
        %gather3A_412 = tpu.dynamic_gather %mul3A_327[%gather3A_411] in [0] : vector<16xf32>, vector<16xi32> -> vector<16xf32>
        %add3A_413 = arith.addf %mul3A_327, %gather3A_412 : vector<16xf32>
        %lt3A_414 = arith.constant 0 : i32
        %lt3A_415 = vector.broadcast %lt3A_414 : i32 to vector<16xi32>
        %lt3A_416 = arith.cmpi slt, %xor3A_103, %lt3A_415 : vector<16xi32>
        %add3A_417 = arith.constant 16 : i32
        %add3A_418 = vector.broadcast %add3A_417 : i32 to vector<16xi32>
        %add3A_419 = arith.addi %xor3A_103, %add3A_418 : vector<16xi32>
        %select_n3A_420 = arith.select %lt3A_416, %add3A_419, %xor3A_103 : vector<16xi1>, vector<16xi32>
        %broadcast_in_dim3A_421 = vector.shape_cast %select_n3A_420 : vector<16xi32> to vector<16x1xi32>
        %gather3A_422 = vector.shape_cast %broadcast_in_dim3A_421 : vector<16x1xi32> to vector<16xi32>
        %gather3A_423 = tpu.dynamic_gather %add3A_336[%gather3A_422] in [0] : vector<16xf32>, vector<16xi32> -> vector<16xf32>
        %add3A_424 = arith.addf %add3A_336, %gather3A_423 : vector<16xf32>
        %lt3A_425 = arith.constant 0 : i32
        %lt3A_426 = vector.broadcast %lt3A_425 : i32 to vector<16xi32>
        %lt3A_427 = arith.cmpi slt, %xor3A_103, %lt3A_426 : vector<16xi32>
        %add3A_428 = arith.constant 16 : i32
        %add3A_429 = vector.broadcast %add3A_428 : i32 to vector<16xi32>
        %add3A_430 = arith.addi %xor3A_103, %add3A_429 : vector<16xi32>
        %select_n3A_431 = arith.select %lt3A_427, %add3A_430, %xor3A_103 : vector<16xi1>, vector<16xi32>
        %broadcast_in_dim3A_432 = vector.shape_cast %select_n3A_431 : vector<16xi32> to vector<16x1xi32>
        %gather3A_433 = vector.shape_cast %broadcast_in_dim3A_432 : vector<16x1xi32> to vector<16xi32>
        %gather3A_434 = tpu.dynamic_gather %add3A_347[%gather3A_433] in [0] : vector<16xf32>, vector<16xi32> -> vector<16xf32>
        %add3A_435 = arith.addf %add3A_347, %gather3A_434 : vector<16xf32>
        %lt3A_436 = arith.constant 0 : i32
        %lt3A_437 = vector.broadcast %lt3A_436 : i32 to vector<16xi32>
        %lt3A_438 = arith.cmpi slt, %xor3A_103, %lt3A_437 : vector<16xi32>
        %add3A_439 = arith.constant 16 : i32
        %add3A_440 = vector.broadcast %add3A_439 : i32 to vector<16xi32>
        %add3A_441 = arith.addi %xor3A_103, %add3A_440 : vector<16xi32>
        %select_n3A_442 = arith.select %lt3A_438, %add3A_441, %xor3A_103 : vector<16xi1>, vector<16xi32>
        %broadcast_in_dim3A_443 = vector.shape_cast %select_n3A_442 : vector<16xi32> to vector<16x1xi32>
        %gather3A_444 = vector.shape_cast %broadcast_in_dim3A_443 : vector<16x1xi32> to vector<16xi32>
        %gather3A_445 = tpu.dynamic_gather %add3A_358[%gather3A_444] in [0] : vector<16xf32>, vector<16xi32> -> vector<16xf32>
        %add3A_446 = arith.addf %add3A_358, %gather3A_445 : vector<16xf32>
        %lt3A_447 = arith.constant 0 : i32
        %lt3A_448 = vector.broadcast %lt3A_447 : i32 to vector<16xi32>
        %lt3A_449 = arith.cmpi slt, %xor3A_103, %lt3A_448 : vector<16xi32>
        %add3A_450 = arith.constant 16 : i32
        %add3A_451 = vector.broadcast %add3A_450 : i32 to vector<16xi32>
        %add3A_452 = arith.addi %xor3A_103, %add3A_451 : vector<16xi32>
        %select_n3A_453 = arith.select %lt3A_449, %add3A_452, %xor3A_103 : vector<16xi1>, vector<16xi32>
        %broadcast_in_dim3A_454 = vector.shape_cast %select_n3A_453 : vector<16xi32> to vector<16x1xi32>
        %gather3A_455 = vector.shape_cast %broadcast_in_dim3A_454 : vector<16x1xi32> to vector<16xi32>
        %gather3A_456 = tpu.dynamic_gather %add3A_369[%gather3A_455] in [0] : vector<16xf32>, vector<16xi32> -> vector<16xf32>
        %add3A_457 = arith.addf %add3A_369, %gather3A_456 : vector<16xf32>
        %lt3A_458 = arith.constant 0 : i32
        %lt3A_459 = vector.broadcast %lt3A_458 : i32 to vector<16xi32>
        %lt3A_460 = arith.cmpi slt, %xor3A_103, %lt3A_459 : vector<16xi32>
        %add3A_461 = arith.constant 16 : i32
        %add3A_462 = vector.broadcast %add3A_461 : i32 to vector<16xi32>
        %add3A_463 = arith.addi %xor3A_103, %add3A_462 : vector<16xi32>
        %select_n3A_464 = arith.select %lt3A_460, %add3A_463, %xor3A_103 : vector<16xi1>, vector<16xi32>
        %broadcast_in_dim3A_465 = vector.shape_cast %select_n3A_464 : vector<16xi32> to vector<16x1xi32>
        %gather3A_466 = vector.shape_cast %broadcast_in_dim3A_465 : vector<16x1xi32> to vector<16xi32>
        %gather3A_467 = tpu.dynamic_gather %add3A_380[%gather3A_466] in [0] : vector<16xf32>, vector<16xi32> -> vector<16xf32>
        %add3A_468 = arith.addf %add3A_380, %gather3A_467 : vector<16xf32>
        %lt3A_469 = arith.constant 0 : i32
        %lt3A_470 = vector.broadcast %lt3A_469 : i32 to vector<16xi32>
        %lt3A_471 = arith.cmpi slt, %xor3A_103, %lt3A_470 : vector<16xi32>
        %add3A_472 = arith.constant 16 : i32
        %add3A_473 = vector.broadcast %add3A_472 : i32 to vector<16xi32>
        %add3A_474 = arith.addi %xor3A_103, %add3A_473 : vector<16xi32>
        %select_n3A_475 = arith.select %lt3A_471, %add3A_474, %xor3A_103 : vector<16xi1>, vector<16xi32>
        %broadcast_in_dim3A_476 = vector.shape_cast %select_n3A_475 : vector<16xi32> to vector<16x1xi32>
        %gather3A_477 = vector.shape_cast %broadcast_in_dim3A_476 : vector<16x1xi32> to vector<16xi32>
        %gather3A_478 = tpu.dynamic_gather %add3A_391[%gather3A_477] in [0] : vector<16xf32>, vector<16xi32> -> vector<16xf32>
        %add3A_479 = arith.addf %add3A_391, %gather3A_478 : vector<16xf32>
        %lt3A_480 = arith.constant 0 : i32
        %lt3A_481 = vector.broadcast %lt3A_480 : i32 to vector<16xi32>
        %lt3A_482 = arith.cmpi slt, %xor3A_103, %lt3A_481 : vector<16xi32>
        %add3A_483 = arith.constant 16 : i32
        %add3A_484 = vector.broadcast %add3A_483 : i32 to vector<16xi32>
        %add3A_485 = arith.addi %xor3A_103, %add3A_484 : vector<16xi32>
        %select_n3A_486 = arith.select %lt3A_482, %add3A_485, %xor3A_103 : vector<16xi1>, vector<16xi32>
        %broadcast_in_dim3A_487 = vector.shape_cast %select_n3A_486 : vector<16xi32> to vector<16x1xi32>
        %gather3A_488 = vector.shape_cast %broadcast_in_dim3A_487 : vector<16x1xi32> to vector<16xi32>
        %gather3A_489 = tpu.dynamic_gather %add3A_402[%gather3A_488] in [0] : vector<16xf32>, vector<16xi32> -> vector<16xf32>
        %add3A_490 = arith.addf %add3A_402, %gather3A_489 : vector<16xf32>
        %lt3A_491 = arith.constant 0 : i32
        %lt3A_492 = vector.broadcast %lt3A_491 : i32 to vector<16xi32>
        %lt3A_493 = arith.cmpi slt, %xor3A_103, %lt3A_492 : vector<16xi32>
        %add3A_494 = arith.constant 16 : i32
        %add3A_495 = vector.broadcast %add3A_494 : i32 to vector<16xi32>
        %add3A_496 = arith.addi %xor3A_103, %add3A_495 : vector<16xi32>
        %select_n3A_497 = arith.select %lt3A_493, %add3A_496, %xor3A_103 : vector<16xi1>, vector<16xi32>
        %broadcast_in_dim3A_498 = vector.shape_cast %select_n3A_497 : vector<16xi32> to vector<16x1xi32>
        %gather3A_499 = vector.shape_cast %broadcast_in_dim3A_498 : vector<16x1xi32> to vector<16xi32>
        %gather3A_500 = tpu.dynamic_gather %add3A_413[%gather3A_499] in [0] : vector<16xf32>, vector<16xi32> -> vector<16xf32>
        %add3A_501 = arith.addf %add3A_413, %gather3A_500 : vector<16xf32>
        %lt3A_502 = arith.constant 0 : i32
        %lt3A_503 = vector.broadcast %lt3A_502 : i32 to vector<16xi32>
        %lt3A_504 = arith.cmpi slt, %xor3A_106, %lt3A_503 : vector<16xi32>
        %add3A_505 = arith.constant 16 : i32
        %add3A_506 = vector.broadcast %add3A_505 : i32 to vector<16xi32>
        %add3A_507 = arith.addi %xor3A_106, %add3A_506 : vector<16xi32>
        %select_n3A_508 = arith.select %lt3A_504, %add3A_507, %xor3A_106 : vector<16xi1>, vector<16xi32>
        %broadcast_in_dim3A_509 = vector.shape_cast %select_n3A_508 : vector<16xi32> to vector<16x1xi32>
        %gather3A_510 = vector.shape_cast %broadcast_in_dim3A_509 : vector<16x1xi32> to vector<16xi32>
        %gather3A_511 = tpu.dynamic_gather %add3A_424[%gather3A_510] in [0] : vector<16xf32>, vector<16xi32> -> vector<16xf32>
        %add3A_512 = arith.addf %add3A_424, %gather3A_511 : vector<16xf32>
        %lt3A_513 = arith.constant 0 : i32
        %lt3A_514 = vector.broadcast %lt3A_513 : i32 to vector<16xi32>
        %lt3A_515 = arith.cmpi slt, %xor3A_106, %lt3A_514 : vector<16xi32>
        %add3A_516 = arith.constant 16 : i32
        %add3A_517 = vector.broadcast %add3A_516 : i32 to vector<16xi32>
        %add3A_518 = arith.addi %xor3A_106, %add3A_517 : vector<16xi32>
        %select_n3A_519 = arith.select %lt3A_515, %add3A_518, %xor3A_106 : vector<16xi1>, vector<16xi32>
        %broadcast_in_dim3A_520 = vector.shape_cast %select_n3A_519 : vector<16xi32> to vector<16x1xi32>
        %gather3A_521 = vector.shape_cast %broadcast_in_dim3A_520 : vector<16x1xi32> to vector<16xi32>
        %gather3A_522 = tpu.dynamic_gather %add3A_435[%gather3A_521] in [0] : vector<16xf32>, vector<16xi32> -> vector<16xf32>
        %add3A_523 = arith.addf %add3A_435, %gather3A_522 : vector<16xf32>
        %lt3A_524 = arith.constant 0 : i32
        %lt3A_525 = vector.broadcast %lt3A_524 : i32 to vector<16xi32>
        %lt3A_526 = arith.cmpi slt, %xor3A_106, %lt3A_525 : vector<16xi32>
        %add3A_527 = arith.constant 16 : i32
        %add3A_528 = vector.broadcast %add3A_527 : i32 to vector<16xi32>
        %add3A_529 = arith.addi %xor3A_106, %add3A_528 : vector<16xi32>
        %select_n3A_530 = arith.select %lt3A_526, %add3A_529, %xor3A_106 : vector<16xi1>, vector<16xi32>
        %broadcast_in_dim3A_531 = vector.shape_cast %select_n3A_530 : vector<16xi32> to vector<16x1xi32>
        %gather3A_532 = vector.shape_cast %broadcast_in_dim3A_531 : vector<16x1xi32> to vector<16xi32>
        %gather3A_533 = tpu.dynamic_gather %add3A_446[%gather3A_532] in [0] : vector<16xf32>, vector<16xi32> -> vector<16xf32>
        %add3A_534 = arith.addf %add3A_446, %gather3A_533 : vector<16xf32>
        %lt3A_535 = arith.constant 0 : i32
        %lt3A_536 = vector.broadcast %lt3A_535 : i32 to vector<16xi32>
        %lt3A_537 = arith.cmpi slt, %xor3A_106, %lt3A_536 : vector<16xi32>
        %add3A_538 = arith.constant 16 : i32
        %add3A_539 = vector.broadcast %add3A_538 : i32 to vector<16xi32>
        %add3A_540 = arith.addi %xor3A_106, %add3A_539 : vector<16xi32>
        %select_n3A_541 = arith.select %lt3A_537, %add3A_540, %xor3A_106 : vector<16xi1>, vector<16xi32>
        %broadcast_in_dim3A_542 = vector.shape_cast %select_n3A_541 : vector<16xi32> to vector<16x1xi32>
        %gather3A_543 = vector.shape_cast %broadcast_in_dim3A_542 : vector<16x1xi32> to vector<16xi32>
        %gather3A_544 = tpu.dynamic_gather %add3A_457[%gather3A_543] in [0] : vector<16xf32>, vector<16xi32> -> vector<16xf32>
        %add3A_545 = arith.addf %add3A_457, %gather3A_544 : vector<16xf32>
        %lt3A_546 = arith.constant 0 : i32
        %lt3A_547 = vector.broadcast %lt3A_546 : i32 to vector<16xi32>
        %lt3A_548 = arith.cmpi slt, %xor3A_106, %lt3A_547 : vector<16xi32>
        %add3A_549 = arith.constant 16 : i32
        %add3A_550 = vector.broadcast %add3A_549 : i32 to vector<16xi32>
        %add3A_551 = arith.addi %xor3A_106, %add3A_550 : vector<16xi32>
        %select_n3A_552 = arith.select %lt3A_548, %add3A_551, %xor3A_106 : vector<16xi1>, vector<16xi32>
        %broadcast_in_dim3A_553 = vector.shape_cast %select_n3A_552 : vector<16xi32> to vector<16x1xi32>
        %gather3A_554 = vector.shape_cast %broadcast_in_dim3A_553 : vector<16x1xi32> to vector<16xi32>
        %gather3A_555 = tpu.dynamic_gather %add3A_468[%gather3A_554] in [0] : vector<16xf32>, vector<16xi32> -> vector<16xf32>
        %add3A_556 = arith.addf %add3A_468, %gather3A_555 : vector<16xf32>
        %lt3A_557 = arith.constant 0 : i32
        %lt3A_558 = vector.broadcast %lt3A_557 : i32 to vector<16xi32>
        %lt3A_559 = arith.cmpi slt, %xor3A_106, %lt3A_558 : vector<16xi32>
        %add3A_560 = arith.constant 16 : i32
        %add3A_561 = vector.broadcast %add3A_560 : i32 to vector<16xi32>
        %add3A_562 = arith.addi %xor3A_106, %add3A_561 : vector<16xi32>
        %select_n3A_563 = arith.select %lt3A_559, %add3A_562, %xor3A_106 : vector<16xi1>, vector<16xi32>
        %broadcast_in_dim3A_564 = vector.shape_cast %select_n3A_563 : vector<16xi32> to vector<16x1xi32>
        %gather3A_565 = vector.shape_cast %broadcast_in_dim3A_564 : vector<16x1xi32> to vector<16xi32>
        %gather3A_566 = tpu.dynamic_gather %add3A_479[%gather3A_565] in [0] : vector<16xf32>, vector<16xi32> -> vector<16xf32>
        %add3A_567 = arith.addf %add3A_479, %gather3A_566 : vector<16xf32>
        %lt3A_568 = arith.constant 0 : i32
        %lt3A_569 = vector.broadcast %lt3A_568 : i32 to vector<16xi32>
        %lt3A_570 = arith.cmpi slt, %xor3A_106, %lt3A_569 : vector<16xi32>
        %add3A_571 = arith.constant 16 : i32
        %add3A_572 = vector.broadcast %add3A_571 : i32 to vector<16xi32>
        %add3A_573 = arith.addi %xor3A_106, %add3A_572 : vector<16xi32>
        %select_n3A_574 = arith.select %lt3A_570, %add3A_573, %xor3A_106 : vector<16xi1>, vector<16xi32>
        %broadcast_in_dim3A_575 = vector.shape_cast %select_n3A_574 : vector<16xi32> to vector<16x1xi32>
        %gather3A_576 = vector.shape_cast %broadcast_in_dim3A_575 : vector<16x1xi32> to vector<16xi32>
        %gather3A_577 = tpu.dynamic_gather %add3A_490[%gather3A_576] in [0] : vector<16xf32>, vector<16xi32> -> vector<16xf32>
        %add3A_578 = arith.addf %add3A_490, %gather3A_577 : vector<16xf32>
        %lt3A_579 = arith.constant 0 : i32
        %lt3A_580 = vector.broadcast %lt3A_579 : i32 to vector<16xi32>
        %lt3A_581 = arith.cmpi slt, %xor3A_106, %lt3A_580 : vector<16xi32>
        %add3A_582 = arith.constant 16 : i32
        %add3A_583 = vector.broadcast %add3A_582 : i32 to vector<16xi32>
        %add3A_584 = arith.addi %xor3A_106, %add3A_583 : vector<16xi32>
        %select_n3A_585 = arith.select %lt3A_581, %add3A_584, %xor3A_106 : vector<16xi1>, vector<16xi32>
        %broadcast_in_dim3A_586 = vector.shape_cast %select_n3A_585 : vector<16xi32> to vector<16x1xi32>
        %gather3A_587 = vector.shape_cast %broadcast_in_dim3A_586 : vector<16x1xi32> to vector<16xi32>
        %gather3A_588 = tpu.dynamic_gather %add3A_501[%gather3A_587] in [0] : vector<16xf32>, vector<16xi32> -> vector<16xf32>
        %add3A_589 = arith.addf %add3A_501, %gather3A_588 : vector<16xf32>
        %lt3A_590 = arith.constant 0 : i32
        %lt3A_591 = vector.broadcast %lt3A_590 : i32 to vector<16xi32>
        %lt3A_592 = arith.cmpi slt, %xor3A_109, %lt3A_591 : vector<16xi32>
        %add3A_593 = arith.constant 16 : i32
        %add3A_594 = vector.broadcast %add3A_593 : i32 to vector<16xi32>
        %add3A_595 = arith.addi %xor3A_109, %add3A_594 : vector<16xi32>
        %select_n3A_596 = arith.select %lt3A_592, %add3A_595, %xor3A_109 : vector<16xi1>, vector<16xi32>
        %broadcast_in_dim3A_597 = vector.shape_cast %select_n3A_596 : vector<16xi32> to vector<16x1xi32>
        %gather3A_598 = vector.shape_cast %broadcast_in_dim3A_597 : vector<16x1xi32> to vector<16xi32>
        %gather3A_599 = tpu.dynamic_gather %add3A_512[%gather3A_598] in [0] : vector<16xf32>, vector<16xi32> -> vector<16xf32>
        %add3A_600 = arith.addf %add3A_512, %gather3A_599 : vector<16xf32>
        %lt3A_601 = arith.constant 0 : i32
        %lt3A_602 = vector.broadcast %lt3A_601 : i32 to vector<16xi32>
        %lt3A_603 = arith.cmpi slt, %xor3A_109, %lt3A_602 : vector<16xi32>
        %add3A_604 = arith.constant 16 : i32
        %add3A_605 = vector.broadcast %add3A_604 : i32 to vector<16xi32>
        %add3A_606 = arith.addi %xor3A_109, %add3A_605 : vector<16xi32>
        %select_n3A_607 = arith.select %lt3A_603, %add3A_606, %xor3A_109 : vector<16xi1>, vector<16xi32>
        %broadcast_in_dim3A_608 = vector.shape_cast %select_n3A_607 : vector<16xi32> to vector<16x1xi32>
        %gather3A_609 = vector.shape_cast %broadcast_in_dim3A_608 : vector<16x1xi32> to vector<16xi32>
        %gather3A_610 = tpu.dynamic_gather %add3A_523[%gather3A_609] in [0] : vector<16xf32>, vector<16xi32> -> vector<16xf32>
        %add3A_611 = arith.addf %add3A_523, %gather3A_610 : vector<16xf32>
        %lt3A_612 = arith.constant 0 : i32
        %lt3A_613 = vector.broadcast %lt3A_612 : i32 to vector<16xi32>
        %lt3A_614 = arith.cmpi slt, %xor3A_109, %lt3A_613 : vector<16xi32>
        %add3A_615 = arith.constant 16 : i32
        %add3A_616 = vector.broadcast %add3A_615 : i32 to vector<16xi32>
        %add3A_617 = arith.addi %xor3A_109, %add3A_616 : vector<16xi32>
        %select_n3A_618 = arith.select %lt3A_614, %add3A_617, %xor3A_109 : vector<16xi1>, vector<16xi32>
        %broadcast_in_dim3A_619 = vector.shape_cast %select_n3A_618 : vector<16xi32> to vector<16x1xi32>
        %gather3A_620 = vector.shape_cast %broadcast_in_dim3A_619 : vector<16x1xi32> to vector<16xi32>
        %gather3A_621 = tpu.dynamic_gather %add3A_534[%gather3A_620] in [0] : vector<16xf32>, vector<16xi32> -> vector<16xf32>
        %add3A_622 = arith.addf %add3A_534, %gather3A_621 : vector<16xf32>
        %lt3A_623 = arith.constant 0 : i32
        %lt3A_624 = vector.broadcast %lt3A_623 : i32 to vector<16xi32>
        %lt3A_625 = arith.cmpi slt, %xor3A_109, %lt3A_624 : vector<16xi32>
        %add3A_626 = arith.constant 16 : i32
        %add3A_627 = vector.broadcast %add3A_626 : i32 to vector<16xi32>
        %add3A_628 = arith.addi %xor3A_109, %add3A_627 : vector<16xi32>
        %select_n3A_629 = arith.select %lt3A_625, %add3A_628, %xor3A_109 : vector<16xi1>, vector<16xi32>
        %broadcast_in_dim3A_630 = vector.shape_cast %select_n3A_629 : vector<16xi32> to vector<16x1xi32>
        %gather3A_631 = vector.shape_cast %broadcast_in_dim3A_630 : vector<16x1xi32> to vector<16xi32>
        %gather3A_632 = tpu.dynamic_gather %add3A_545[%gather3A_631] in [0] : vector<16xf32>, vector<16xi32> -> vector<16xf32>
        %add3A_633 = arith.addf %add3A_545, %gather3A_632 : vector<16xf32>
        %lt3A_634 = arith.constant 0 : i32
        %lt3A_635 = vector.broadcast %lt3A_634 : i32 to vector<16xi32>
        %lt3A_636 = arith.cmpi slt, %xor3A_109, %lt3A_635 : vector<16xi32>
        %add3A_637 = arith.constant 16 : i32
        %add3A_638 = vector.broadcast %add3A_637 : i32 to vector<16xi32>
        %add3A_639 = arith.addi %xor3A_109, %add3A_638 : vector<16xi32>
        %select_n3A_640 = arith.select %lt3A_636, %add3A_639, %xor3A_109 : vector<16xi1>, vector<16xi32>
        %broadcast_in_dim3A_641 = vector.shape_cast %select_n3A_640 : vector<16xi32> to vector<16x1xi32>
        %gather3A_642 = vector.shape_cast %broadcast_in_dim3A_641 : vector<16x1xi32> to vector<16xi32>
        %gather3A_643 = tpu.dynamic_gather %add3A_556[%gather3A_642] in [0] : vector<16xf32>, vector<16xi32> -> vector<16xf32>
        %add3A_644 = arith.addf %add3A_556, %gather3A_643 : vector<16xf32>
        %lt3A_645 = arith.constant 0 : i32
        %lt3A_646 = vector.broadcast %lt3A_645 : i32 to vector<16xi32>
        %lt3A_647 = arith.cmpi slt, %xor3A_109, %lt3A_646 : vector<16xi32>
        %add3A_648 = arith.constant 16 : i32
        %add3A_649 = vector.broadcast %add3A_648 : i32 to vector<16xi32>
        %add3A_650 = arith.addi %xor3A_109, %add3A_649 : vector<16xi32>
        %select_n3A_651 = arith.select %lt3A_647, %add3A_650, %xor3A_109 : vector<16xi1>, vector<16xi32>
        %broadcast_in_dim3A_652 = vector.shape_cast %select_n3A_651 : vector<16xi32> to vector<16x1xi32>
        %gather3A_653 = vector.shape_cast %broadcast_in_dim3A_652 : vector<16x1xi32> to vector<16xi32>
        %gather3A_654 = tpu.dynamic_gather %add3A_567[%gather3A_653] in [0] : vector<16xf32>, vector<16xi32> -> vector<16xf32>
        %add3A_655 = arith.addf %add3A_567, %gather3A_654 : vector<16xf32>
        %lt3A_656 = arith.constant 0 : i32
        %lt3A_657 = vector.broadcast %lt3A_656 : i32 to vector<16xi32>
        %lt3A_658 = arith.cmpi slt, %xor3A_109, %lt3A_657 : vector<16xi32>
        %add3A_659 = arith.constant 16 : i32
        %add3A_660 = vector.broadcast %add3A_659 : i32 to vector<16xi32>
        %add3A_661 = arith.addi %xor3A_109, %add3A_660 : vector<16xi32>
        %select_n3A_662 = arith.select %lt3A_658, %add3A_661, %xor3A_109 : vector<16xi1>, vector<16xi32>
        %broadcast_in_dim3A_663 = vector.shape_cast %select_n3A_662 : vector<16xi32> to vector<16x1xi32>
        %gather3A_664 = vector.shape_cast %broadcast_in_dim3A_663 : vector<16x1xi32> to vector<16xi32>
        %gather3A_665 = tpu.dynamic_gather %add3A_578[%gather3A_664] in [0] : vector<16xf32>, vector<16xi32> -> vector<16xf32>
        %add3A_666 = arith.addf %add3A_578, %gather3A_665 : vector<16xf32>
        %lt3A_667 = arith.constant 0 : i32
        %lt3A_668 = vector.broadcast %lt3A_667 : i32 to vector<16xi32>
        %lt3A_669 = arith.cmpi slt, %xor3A_109, %lt3A_668 : vector<16xi32>
        %add3A_670 = arith.constant 16 : i32
        %add3A_671 = vector.broadcast %add3A_670 : i32 to vector<16xi32>
        %add3A_672 = arith.addi %xor3A_109, %add3A_671 : vector<16xi32>
        %select_n3A_673 = arith.select %lt3A_669, %add3A_672, %xor3A_109 : vector<16xi1>, vector<16xi32>
        %broadcast_in_dim3A_674 = vector.shape_cast %select_n3A_673 : vector<16xi32> to vector<16x1xi32>
        %gather3A_675 = vector.shape_cast %broadcast_in_dim3A_674 : vector<16x1xi32> to vector<16xi32>
        %gather3A_676 = tpu.dynamic_gather %add3A_589[%gather3A_675] in [0] : vector<16xf32>, vector<16xi32> -> vector<16xf32>
        %add3A_677 = arith.addf %add3A_589, %gather3A_676 : vector<16xf32>
        %mul3A_678 = arith.mulf %add3A_600, %convert_element_type3A_63 : vector<16xf32>
        %mul3A_679 = arith.mulf %add3A_611, %convert_element_type3A_68 : vector<16xf32>
        %add3A_680 = arith.addf %mul3A_678, %mul3A_679 : vector<16xf32>
        %mul3A_681 = arith.mulf %add3A_622, %convert_element_type3A_73 : vector<16xf32>
        %add3A_682 = arith.addf %add3A_680, %mul3A_681 : vector<16xf32>
        %mul3A_683 = arith.mulf %add3A_633, %convert_element_type3A_78 : vector<16xf32>
        %add3A_684 = arith.addf %add3A_682, %mul3A_683 : vector<16xf32>
        %mul3A_685 = arith.mulf %add3A_644, %convert_element_type3A_83 : vector<16xf32>
        %add3A_686 = arith.addf %add3A_684, %mul3A_685 : vector<16xf32>
        %mul3A_687 = arith.mulf %add3A_655, %convert_element_type3A_88 : vector<16xf32>
        %add3A_688 = arith.addf %add3A_686, %mul3A_687 : vector<16xf32>
        %mul3A_689 = arith.mulf %add3A_666, %convert_element_type3A_93 : vector<16xf32>
        %add3A_690 = arith.addf %add3A_688, %mul3A_689 : vector<16xf32>
        %mul3A_691 = arith.mulf %add3A_677, %convert_element_type3A_98 : vector<16xf32>
        %add3A_692 = arith.addf %add3A_690, %mul3A_691 : vector<16xf32>
        %mul3A_693 = arith.constant 2.500000e-01 : f32
        %mul3A_694 = vector.broadcast %mul3A_693 : f32 to vector<16xf32>
        %mul3A_695 = arith.mulf %add3A_692, %mul3A_694 : vector<16xf32>
        %exp3A = math.exp %mul3A_695 : vector<16xf32>
        %swap3A = arith.index_cast %scan3A_249 : i32 to index
        %swap3A_696 = arith.constant 0 : index
        %swap3A_697 = tpu.vector_load %arg16[%swap3A, %swap3A_696] {strides = array<i32>} : memref<80x16xf32, #tpu.memory_space<vmem>>, vector<16xf32>,
        tpu.vector_store %arg16[%swap3A, %swap3A_696], %exp3A {strides = array<i32>} : memref<80x16xf32, #tpu.memory_space<vmem>>, vector<16xf32>,
        %lt3A_698 = arith.constant 0 : i32
        %lt3A_699 = vector.broadcast %lt3A_698 : i32 to vector<16xi32>
        %lt3A_700 = arith.cmpi slt, %add3A_115, %lt3A_699 : vector<16xi32>
        %add3A_701 = arith.constant 16 : i32
        %add3A_702 = vector.broadcast %add3A_701 : i32 to vector<16xi32>
        %add3A_703 = arith.addi %add3A_115, %add3A_702 : vector<16xi32>
        %select_n3A_704 = arith.select %lt3A_700, %add3A_703, %add3A_115 : vector<16xi1>, vector<16xi32>
        %broadcast_in_dim3A_705 = vector.shape_cast %select_n3A_704 : vector<16xi32> to vector<16x1xi32>
        %gather3A_706 = vector.shape_cast %broadcast_in_dim3A_705 : vector<16x1xi32> to vector<16xi32>
        %gather3A_707 = tpu.dynamic_gather %exp3A[%gather3A_706] in [0] : vector<16xf32>, vector<16xi32> -> vector<16xf32>
        %get3A_708 = arith.index_cast %scan3A_249 : i32 to index
        %get3A_709 = arith.constant 0 : index
        %get3A_710 = tpu.vector_load %arg14[%get3A_708, %get3A_709] {strides = array<i32>} : memref<80x128xf32, #tpu.memory_space<vmem>>, vector<16xf32>,
        %mul3A_711 = arith.mulf %get3A_710, %gather3A_707 : vector<16xf32>
        %swap3A_712 = arith.index_cast %scan3A_249 : i32 to index
        %swap3A_713 = arith.constant 0 : index
        %swap3A_714 = tpu.vector_load %arg14[%swap3A_712, %swap3A_713] {strides = array<i32>} : memref<80x128xf32, #tpu.memory_space<vmem>>, vector<16xf32>,
        tpu.vector_store %arg14[%swap3A_712, %swap3A_713], %mul3A_711 {strides = array<i32>} : memref<80x128xf32, #tpu.memory_space<vmem>>, vector<16xf32>,
        %lt3A_715 = arith.constant 0 : i32
        %lt3A_716 = vector.broadcast %lt3A_715 : i32 to vector<16xi32>
        %lt3A_717 = arith.cmpi slt, %add3A_121, %lt3A_716 : vector<16xi32>
        %add3A_718 = arith.constant 16 : i32
        %add3A_719 = vector.broadcast %add3A_718 : i32 to vector<16xi32>
        %add3A_720 = arith.addi %add3A_121, %add3A_719 : vector<16xi32>
        %select_n3A_721 = arith.select %lt3A_717, %add3A_720, %add3A_121 : vector<16xi1>, vector<16xi32>
        %broadcast_in_dim3A_722 = vector.shape_cast %select_n3A_721 : vector<16xi32> to vector<16x1xi32>
        %gather3A_723 = vector.shape_cast %broadcast_in_dim3A_722 : vector<16x1xi32> to vector<16xi32>
        %gather3A_724 = tpu.dynamic_gather %exp3A[%gather3A_723] in [0] : vector<16xf32>, vector<16xi32> -> vector<16xf32>
        %get3A_725 = arith.index_cast %scan3A_249 : i32 to index
        %get3A_726 = arith.constant 16 : index
        %get3A_727 = tpu.vector_load %arg14[%get3A_725, %get3A_726] {strides = array<i32>} : memref<80x128xf32, #tpu.memory_space<vmem>>, vector<16xf32>,
        %mul3A_728 = arith.mulf %get3A_727, %gather3A_724 : vector<16xf32>
        %swap3A_729 = arith.index_cast %scan3A_249 : i32 to index
        %swap3A_730 = arith.constant 16 : index
        %swap3A_731 = tpu.vector_load %arg14[%swap3A_729, %swap3A_730] {strides = array<i32>} : memref<80x128xf32, #tpu.memory_space<vmem>>, vector<16xf32>,
        tpu.vector_store %arg14[%swap3A_729, %swap3A_730], %mul3A_728 {strides = array<i32>} : memref<80x128xf32, #tpu.memory_space<vmem>>, vector<16xf32>,
        %lt3A_732 = arith.constant 0 : i32
        %lt3A_733 = vector.broadcast %lt3A_732 : i32 to vector<16xi32>
        %lt3A_734 = arith.cmpi slt, %add3A_127, %lt3A_733 : vector<16xi32>
        %add3A_735 = arith.constant 16 : i32
        %add3A_736 = vector.broadcast %add3A_735 : i32 to vector<16xi32>
        %add3A_737 = arith.addi %add3A_127, %add3A_736 : vector<16xi32>
        %select_n3A_738 = arith.select %lt3A_734, %add3A_737, %add3A_127 : vector<16xi1>, vector<16xi32>
        %broadcast_in_dim3A_739 = vector.shape_cast %select_n3A_738 : vector<16xi32> to vector<16x1xi32>
        %gather3A_740 = vector.shape_cast %broadcast_in_dim3A_739 : vector<16x1xi32> to vector<16xi32>
        %gather3A_741 = tpu.dynamic_gather %exp3A[%gather3A_740] in [0] : vector<16xf32>, vector<16xi32> -> vector<16xf32>
        %get3A_742 = arith.index_cast %scan3A_249 : i32 to index
        %get3A_743 = arith.constant 32 : index
        %get3A_744 = tpu.vector_load %arg14[%get3A_742, %get3A_743] {strides = array<i32>} : memref<80x128xf32, #tpu.memory_space<vmem>>, vector<16xf32>,
        %mul3A_745 = arith.mulf %get3A_744, %gather3A_741 : vector<16xf32>
        %swap3A_746 = arith.index_cast %scan3A_249 : i32 to index
        %swap3A_747 = arith.constant 32 : index
        %swap3A_748 = tpu.vector_load %arg14[%swap3A_746, %swap3A_747] {strides = array<i32>} : memref<80x128xf32, #tpu.memory_space<vmem>>, vector<16xf32>,
        tpu.vector_store %arg14[%swap3A_746, %swap3A_747], %mul3A_745 {strides = array<i32>} : memref<80x128xf32, #tpu.memory_space<vmem>>, vector<16xf32>,
        %lt3A_749 = arith.constant 0 : i32
        %lt3A_750 = vector.broadcast %lt3A_749 : i32 to vector<16xi32>
        %lt3A_751 = arith.cmpi slt, %add3A_133, %lt3A_750 : vector<16xi32>
        %add3A_752 = arith.constant 16 : i32
        %add3A_753 = vector.broadcast %add3A_752 : i32 to vector<16xi32>
        %add3A_754 = arith.addi %add3A_133, %add3A_753 : vector<16xi32>
        %select_n3A_755 = arith.select %lt3A_751, %add3A_754, %add3A_133 : vector<16xi1>, vector<16xi32>
        %broadcast_in_dim3A_756 = vector.shape_cast %select_n3A_755 : vector<16xi32> to vector<16x1xi32>
        %gather3A_757 = vector.shape_cast %broadcast_in_dim3A_756 : vector<16x1xi32> to vector<16xi32>
        %gather3A_758 = tpu.dynamic_gather %exp3A[%gather3A_757] in [0] : vector<16xf32>, vector<16xi32> -> vector<16xf32>
        %get3A_759 = arith.index_cast %scan3A_249 : i32 to index
        %get3A_760 = arith.constant 48 : index
        %get3A_761 = tpu.vector_load %arg14[%get3A_759, %get3A_760] {strides = array<i32>} : memref<80x128xf32, #tpu.memory_space<vmem>>, vector<16xf32>,
        %mul3A_762 = arith.mulf %get3A_761, %gather3A_758 : vector<16xf32>
        %swap3A_763 = arith.index_cast %scan3A_249 : i32 to index
        %swap3A_764 = arith.constant 48 : index
        %swap3A_765 = tpu.vector_load %arg14[%swap3A_763, %swap3A_764] {strides = array<i32>} : memref<80x128xf32, #tpu.memory_space<vmem>>, vector<16xf32>,
        tpu.vector_store %arg14[%swap3A_763, %swap3A_764], %mul3A_762 {strides = array<i32>} : memref<80x128xf32, #tpu.memory_space<vmem>>, vector<16xf32>,
        %lt3A_766 = arith.constant 0 : i32
        %lt3A_767 = vector.broadcast %lt3A_766 : i32 to vector<16xi32>
        %lt3A_768 = arith.cmpi slt, %add3A_139, %lt3A_767 : vector<16xi32>
        %add3A_769 = arith.constant 16 : i32
        %add3A_770 = vector.broadcast %add3A_769 : i32 to vector<16xi32>
        %add3A_771 = arith.addi %add3A_139, %add3A_770 : vector<16xi32>
        %select_n3A_772 = arith.select %lt3A_768, %add3A_771, %add3A_139 : vector<16xi1>, vector<16xi32>
        %broadcast_in_dim3A_773 = vector.shape_cast %select_n3A_772 : vector<16xi32> to vector<16x1xi32>
        %gather3A_774 = vector.shape_cast %broadcast_in_dim3A_773 : vector<16x1xi32> to vector<16xi32>
        %gather3A_775 = tpu.dynamic_gather %exp3A[%gather3A_774] in [0] : vector<16xf32>, vector<16xi32> -> vector<16xf32>
        %get3A_776 = arith.index_cast %scan3A_249 : i32 to index
        %get3A_777 = arith.constant 64 : index
        %get3A_778 = tpu.vector_load %arg14[%get3A_776, %get3A_777] {strides = array<i32>} : memref<80x128xf32, #tpu.memory_space<vmem>>, vector<16xf32>,
        %mul3A_779 = arith.mulf %get3A_778, %gather3A_775 : vector<16xf32>
        %swap3A_780 = arith.index_cast %scan3A_249 : i32 to index
        %swap3A_781 = arith.constant 64 : index
        %swap3A_782 = tpu.vector_load %arg14[%swap3A_780, %swap3A_781] {strides = array<i32>} : memref<80x128xf32, #tpu.memory_space<vmem>>, vector<16xf32>,
        tpu.vector_store %arg14[%swap3A_780, %swap3A_781], %mul3A_779 {strides = array<i32>} : memref<80x128xf32, #tpu.memory_space<vmem>>, vector<16xf32>,
        %lt3A_783 = arith.constant 0 : i32
        %lt3A_784 = vector.broadcast %lt3A_783 : i32 to vector<16xi32>
        %lt3A_785 = arith.cmpi slt, %add3A_145, %lt3A_784 : vector<16xi32>
        %add3A_786 = arith.constant 16 : i32
        %add3A_787 = vector.broadcast %add3A_786 : i32 to vector<16xi32>
        %add3A_788 = arith.addi %add3A_145, %add3A_787 : vector<16xi32>
        %select_n3A_789 = arith.select %lt3A_785, %add3A_788, %add3A_145 : vector<16xi1>, vector<16xi32>
        %broadcast_in_dim3A_790 = vector.shape_cast %select_n3A_789 : vector<16xi32> to vector<16x1xi32>
        %gather3A_791 = vector.shape_cast %broadcast_in_dim3A_790 : vector<16x1xi32> to vector<16xi32>
        %gather3A_792 = tpu.dynamic_gather %exp3A[%gather3A_791] in [0] : vector<16xf32>, vector<16xi32> -> vector<16xf32>
        %get3A_793 = arith.index_cast %scan3A_249 : i32 to index
        %get3A_794 = arith.constant 80 : index
        %get3A_795 = tpu.vector_load %arg14[%get3A_793, %get3A_794] {strides = array<i32>} : memref<80x128xf32, #tpu.memory_space<vmem>>, vector<16xf32>,
        %mul3A_796 = arith.mulf %get3A_795, %gather3A_792 : vector<16xf32>
        %swap3A_797 = arith.index_cast %scan3A_249 : i32 to index
        %swap3A_798 = arith.constant 80 : index
        %swap3A_799 = tpu.vector_load %arg14[%swap3A_797, %swap3A_798] {strides = array<i32>} : memref<80x128xf32, #tpu.memory_space<vmem>>, vector<16xf32>,
        tpu.vector_store %arg14[%swap3A_797, %swap3A_798], %mul3A_796 {strides = array<i32>} : memref<80x128xf32, #tpu.memory_space<vmem>>, vector<16xf32>,
        %lt3A_800 = arith.constant 0 : i32
        %lt3A_801 = vector.broadcast %lt3A_800 : i32 to vector<16xi32>
        %lt3A_802 = arith.cmpi slt, %add3A_151, %lt3A_801 : vector<16xi32>
        %add3A_803 = arith.constant 16 : i32
        %add3A_804 = vector.broadcast %add3A_803 : i32 to vector<16xi32>
        %add3A_805 = arith.addi %add3A_151, %add3A_804 : vector<16xi32>
        %select_n3A_806 = arith.select %lt3A_802, %add3A_805, %add3A_151 : vector<16xi1>, vector<16xi32>
        %broadcast_in_dim3A_807 = vector.shape_cast %select_n3A_806 : vector<16xi32> to vector<16x1xi32>
        %gather3A_808 = vector.shape_cast %broadcast_in_dim3A_807 : vector<16x1xi32> to vector<16xi32>
        %gather3A_809 = tpu.dynamic_gather %exp3A[%gather3A_808] in [0] : vector<16xf32>, vector<16xi32> -> vector<16xf32>
        %get3A_810 = arith.index_cast %scan3A_249 : i32 to index
        %get3A_811 = arith.constant 96 : index
        %get3A_812 = tpu.vector_load %arg14[%get3A_810, %get3A_811] {strides = array<i32>} : memref<80x128xf32, #tpu.memory_space<vmem>>, vector<16xf32>,
        %mul3A_813 = arith.mulf %get3A_812, %gather3A_809 : vector<16xf32>
        %swap3A_814 = arith.index_cast %scan3A_249 : i32 to index
        %swap3A_815 = arith.constant 96 : index
        %swap3A_816 = tpu.vector_load %arg14[%swap3A_814, %swap3A_815] {strides = array<i32>} : memref<80x128xf32, #tpu.memory_space<vmem>>, vector<16xf32>,
        tpu.vector_store %arg14[%swap3A_814, %swap3A_815], %mul3A_813 {strides = array<i32>} : memref<80x128xf32, #tpu.memory_space<vmem>>, vector<16xf32>,
        %lt3A_817 = arith.constant 0 : i32
        %lt3A_818 = vector.broadcast %lt3A_817 : i32 to vector<16xi32>
        %lt3A_819 = arith.cmpi slt, %add3A_157, %lt3A_818 : vector<16xi32>
        %add3A_820 = arith.constant 16 : i32
        %add3A_821 = vector.broadcast %add3A_820 : i32 to vector<16xi32>
        %add3A_822 = arith.addi %add3A_157, %add3A_821 : vector<16xi32>
        %select_n3A_823 = arith.select %lt3A_819, %add3A_822, %add3A_157 : vector<16xi1>, vector<16xi32>
        %broadcast_in_dim3A_824 = vector.shape_cast %select_n3A_823 : vector<16xi32> to vector<16x1xi32>
        %gather3A_825 = vector.shape_cast %broadcast_in_dim3A_824 : vector<16x1xi32> to vector<16xi32>
        %gather3A_826 = tpu.dynamic_gather %exp3A[%gather3A_825] in [0] : vector<16xf32>, vector<16xi32> -> vector<16xf32>
        %get3A_827 = arith.index_cast %scan3A_249 : i32 to index
        %get3A_828 = arith.constant 112 : index
        %get3A_829 = tpu.vector_load %arg14[%get3A_827, %get3A_828] {strides = array<i32>} : memref<80x128xf32, #tpu.memory_space<vmem>>, vector<16xf32>,
        %mul3A_830 = arith.mulf %get3A_829, %gather3A_826 : vector<16xf32>
        %swap3A_831 = arith.index_cast %scan3A_249 : i32 to index
        %swap3A_832 = arith.constant 112 : index
        %swap3A_833 = tpu.vector_load %arg14[%swap3A_831, %swap3A_832] {strides = array<i32>} : memref<80x128xf32, #tpu.memory_space<vmem>>, vector<16xf32>,
        tpu.vector_store %arg14[%swap3A_831, %swap3A_832], %mul3A_830 {strides = array<i32>} : memref<80x128xf32, #tpu.memory_space<vmem>>, vector<16xf32>,
      }
      %scan3A_248 = arith.constant 80 : i32
      "tpu.region"() ({
        %run_scoped3A = tpu.sem_alloc : memref<!tpu.dma_semaphore, #tpu.memory_space<semaphore_mem>>
        %dma_start3A_249 = arith.constant 0 : i32
        %dma_start3A_250 = arith.constant 0 : i32
        %dma_start3A_251 = tpu.memref_slice %arg18[%dma_start3A_249, %dma_start3A_250] : memref<10000x128xf32, #tpu.memory_space<vmem_shared>> -> memref<10000x128xf32, #tpu.memory_space<vmem_shared>>
        tpu.enqueue_indirect_dma source(%arg14 : memref<80x128xf32, #tpu.memory_space<vmem>>) target(%dma_start3A_251 : memref<10000x128xf32, #tpu.memory_space<vmem_shared>>) offsets(%arg11 : memref<80xi32, #tpu.memory_space<vmem>>) semaphore(%run_scoped3A : memref<!tpu.dma_semaphore, #tpu.memory_space<semaphore_mem>>) {add = true}
        %dma_wait3A_252 = arith.constant 0 : i32
        %dma_wait3A_253 = arith.constant 0 : i32
        %dma_wait3A_254 = tpu.memref_slice %arg18[%dma_wait3A_252, %dma_wait3A_253] : memref<10000x128xf32, #tpu.memory_space<vmem_shared>> -> memref<10000x128xf32, #tpu.memory_space<vmem_shared>>
        tpu.wait_indirect_dma semaphore(%run_scoped3A : memref<!tpu.dma_semaphore, #tpu.memory_space<semaphore_mem>>) src(%arg14 : memref<80x128xf32, #tpu.memory_space<vmem>>) dst(%dma_wait3A_254 : memref<10000x128xf32, #tpu.memory_space<vmem_shared>>)
        tpu.yield
      }) : () -> ()
      "tpu.region"() ({
        %run_scoped3A = tpu.sem_alloc : memref<!tpu.dma_semaphore, #tpu.memory_space<semaphore_mem>>
        %dma_start3A_249 = arith.constant 0 : i32
        %dma_start3A_250 = arith.constant 0 : i32
        %dma_start3A_251 = tpu.memref_slice %arg19[%dma_start3A_249, %dma_start3A_250] : memref<10000x16xf32, #tpu.memory_space<vmem_shared>> -> memref<10000x16xf32, #tpu.memory_space<vmem_shared>>
        tpu.enqueue_indirect_dma source(%arg16 : memref<80x16xf32, #tpu.memory_space<vmem>>) target(%dma_start3A_251 : memref<10000x16xf32, #tpu.memory_space<vmem_shared>>) offsets(%arg11 : memref<80xi32, #tpu.memory_space<vmem>>) semaphore(%run_scoped3A : memref<!tpu.dma_semaphore, #tpu.memory_space<semaphore_mem>>) {add = true}
        %dma_wait3A_252 = arith.constant 0 : i32
        %dma_wait3A_253 = arith.constant 0 : i32
        %dma_wait3A_254 = tpu.memref_slice %arg19[%dma_wait3A_252, %dma_wait3A_253] : memref<10000x16xf32, #tpu.memory_space<vmem_shared>> -> memref<10000x16xf32, #tpu.memory_space<vmem_shared>>
        tpu.wait_indirect_dma semaphore(%run_scoped3A : memref<!tpu.dma_semaphore, #tpu.memory_space<semaphore_mem>>) src(%arg16 : memref<80x16xf32, #tpu.memory_space<vmem>>) dst(%dma_wait3A_254 : memref<10000x16xf32, #tpu.memory_space<vmem_shared>>)
        tpu.yield
      }) : () -> ()
    }
    %scan3A_165 = arith.constant 125 : i32
    %barrier3A_166 = arith.constant 0 : index
    tpu.barrier barrier_id(%barrier3A_166)
    %add3A_167 = arith.constant 0 : i32
    %add3A_168 = arith.addi %arg1, %add3A_167 : i32
    %lt3A_169 = arith.constant 125 : i32
    %lt3A_170 = arith.cmpi slt, %add3A_168, %lt3A_169 : i32
    %convert_element_type3A_171 = arith.extui %lt3A_170 : i1 to i32
    %cond3A_172 = arith.constant 0 : i32
    %cond3A_173 = arith.cmpi ne, %convert_element_type3A_171, %cond3A_172 : i32
    scf.if %cond3A_173 {
      %mul3A_223 = arith.constant 80 : i32
      %mul3A_224 = arith.muli %add3A_168, %mul3A_223 : i32
      "tpu.region"() ({
        %run_scoped3A = tpu.sem_alloc : memref<!tpu.dma_semaphore, #tpu.memory_space<semaphore_mem>>
        %dma_start3A = arith.constant 0 : i32
        %dma_start3A_231 = tpu.memref_slice %arg18[%mul3A_224, %dma_start3A] : memref<10000x128xf32, #tpu.memory_space<vmem_shared>> -> memref<80x128xf32, #tpu.memory_space<vmem_shared>>
        %dma_start3A_232 = arith.constant 0 : i32
        %dma_start3A_233 = tpu.memref_slice %arg18[%mul3A_224, %dma_start3A_232] : memref<10000x128xf32, #tpu.memory_space<vmem_shared>> -> memref<80x128xf32, #tpu.memory_space<vmem_shared>>
        tpu.enqueue_dma source(%dma_start3A_233 : memref<80x128xf32, #tpu.memory_space<vmem_shared>>) target(%arg15 : memref<80x128xf32, #tpu.memory_space<vmem>>) target_semaphore(%run_scoped3A : memref<!tpu.dma_semaphore, #tpu.memory_space<semaphore_mem>>)
        %dma_wait3A = arith.constant 0 : i32
        %dma_wait3A_234 = tpu.memref_slice %arg18[%mul3A_224, %dma_wait3A] : memref<10000x128xf32, #tpu.memory_space<vmem_shared>> -> memref<80x128xf32, #tpu.memory_space<vmem_shared>>
        %dma_wait3A_235 = arith.constant 0 : i32
        %dma_wait3A_236 = tpu.memref_slice %arg18[%mul3A_224, %dma_wait3A_235] : memref<10000x128xf32, #tpu.memory_space<vmem_shared>> -> memref<80x128xf32, #tpu.memory_space<vmem_shared>>
        tpu.wait_dma2 semaphore(%run_scoped3A : memref<!tpu.dma_semaphore, #tpu.memory_space<semaphore_mem>>) src(%dma_wait3A_236 : memref<80x128xf32, #tpu.memory_space<vmem_shared>>) dst(%arg15 : memref<80x128xf32, #tpu.memory_space<vmem>>)
        tpu.yield
      }) : () -> ()
      %mul3A_225 = arith.constant 10000 : i32
      %mul3A_226 = arith.muli %arg0, %mul3A_225 : i32
      %add3A_227 = arith.addi %mul3A_226, %mul3A_224 : i32
      "tpu.region"() ({
        %run_scoped3A = tpu.sem_alloc : memref<!tpu.dma_semaphore, #tpu.memory_space<semaphore_mem>>
        %dma_start3A = arith.constant 0 : i32
        %dma_start3A_231 = tpu.memref_slice %arg8[%add3A_227, %dma_start3A] : memref<20000x128xf32, #tpu.memory_space<hbm>> -> memref<80x128xf32, #tpu.memory_space<hbm>>
        %dma_start3A_232 = arith.constant 0 : i32
        %dma_start3A_233 = tpu.memref_slice %arg8[%add3A_227, %dma_start3A_232] : memref<20000x128xf32, #tpu.memory_space<hbm>> -> memref<80x128xf32, #tpu.memory_space<hbm>>
        tpu.enqueue_dma source(%arg15 : memref<80x128xf32, #tpu.memory_space<vmem>>) target(%dma_start3A_233 : memref<80x128xf32, #tpu.memory_space<hbm>>) target_semaphore(%run_scoped3A : memref<!tpu.dma_semaphore, #tpu.memory_space<semaphore_mem>>)
        %dma_wait3A = arith.constant 0 : i32
        %dma_wait3A_234 = tpu.memref_slice %arg8[%add3A_227, %dma_wait3A] : memref<20000x128xf32, #tpu.memory_space<hbm>> -> memref<80x128xf32, #tpu.memory_space<hbm>>
        %dma_wait3A_235 = arith.constant 0 : i32
        %dma_wait3A_236 = tpu.memref_slice %arg8[%add3A_227, %dma_wait3A_235] : memref<20000x128xf32, #tpu.memory_space<hbm>> -> memref<80x128xf32, #tpu.memory_space<hbm>>
        tpu.wait_dma2 semaphore(%run_scoped3A : memref<!tpu.dma_semaphore, #tpu.memory_space<semaphore_mem>>) src(%arg15 : memref<80x128xf32, #tpu.memory_space<vmem>>) dst(%dma_wait3A_236 : memref<80x128xf32, #tpu.memory_space<hbm>>)
        tpu.yield
      }) : () -> ()
      "tpu.region"() ({
        %run_scoped3A = tpu.sem_alloc : memref<!tpu.dma_semaphore, #tpu.memory_space<semaphore_mem>>
        %dma_start3A = arith.constant 0 : i32
        %dma_start3A_231 = tpu.memref_slice %arg19[%mul3A_224, %dma_start3A] : memref<10000x16xf32, #tpu.memory_space<vmem_shared>> -> memref<80x16xf32, #tpu.memory_space<vmem_shared>>
        %dma_start3A_232 = arith.constant 0 : i32
        %dma_start3A_233 = tpu.memref_slice %arg19[%mul3A_224, %dma_start3A_232] : memref<10000x16xf32, #tpu.memory_space<vmem_shared>> -> memref<80x16xf32, #tpu.memory_space<vmem_shared>>
        tpu.enqueue_dma source(%dma_start3A_233 : memref<80x16xf32, #tpu.memory_space<vmem_shared>>) target(%arg16 : memref<80x16xf32, #tpu.memory_space<vmem>>) target_semaphore(%run_scoped3A : memref<!tpu.dma_semaphore, #tpu.memory_space<semaphore_mem>>)
        %dma_wait3A = arith.constant 0 : i32
        %dma_wait3A_234 = tpu.memref_slice %arg19[%mul3A_224, %dma_wait3A] : memref<10000x16xf32, #tpu.memory_space<vmem_shared>> -> memref<80x16xf32, #tpu.memory_space<vmem_shared>>
        %dma_wait3A_235 = arith.constant 0 : i32
        %dma_wait3A_236 = tpu.memref_slice %arg19[%mul3A_224, %dma_wait3A_235] : memref<10000x16xf32, #tpu.memory_space<vmem_shared>> -> memref<80x16xf32, #tpu.memory_space<vmem_shared>>
        tpu.wait_dma2 semaphore(%run_scoped3A : memref<!tpu.dma_semaphore, #tpu.memory_space<semaphore_mem>>) src(%dma_wait3A_236 : memref<80x16xf32, #tpu.memory_space<vmem_shared>>) dst(%arg16 : memref<80x16xf32, #tpu.memory_space<vmem>>)
        tpu.yield
      }) : () -> ()
      %mul3A_228 = arith.constant 10000 : i32
      %mul3A_229 = arith.muli %arg0, %mul3A_228 : i32
      %add3A_230 = arith.addi %mul3A_229, %mul3A_224 : i32
      "tpu.region"() ({
        %run_scoped3A = tpu.sem_alloc : memref<!tpu.dma_semaphore, #tpu.memory_space<semaphore_mem>>
        %dma_start3A = arith.constant 0 : i32
        %dma_start3A_231 = tpu.memref_slice %arg9[%add3A_230, %dma_start3A] : memref<20000x16xf32, #tpu.memory_space<hbm>> -> memref<80x16xf32, #tpu.memory_space<hbm>>
        %dma_start3A_232 = arith.constant 0 : i32
        %dma_start3A_233 = tpu.memref_slice %arg9[%add3A_230, %dma_start3A_232] : memref<20000x16xf32, #tpu.memory_space<hbm>> -> memref<80x16xf32, #tpu.memory_space<hbm>>
        tpu.enqueue_dma source(%arg16 : memref<80x16xf32, #tpu.memory_space<vmem>>) target(%dma_start3A_233 : memref<80x16xf32, #tpu.memory_space<hbm>>) target_semaphore(%run_scoped3A : memref<!tpu.dma_semaphore, #tpu.memory_space<semaphore_mem>>)
        %dma_wait3A = arith.constant 0 : i32
        %dma_wait3A_234 = tpu.memref_slice %arg9[%add3A_230, %dma_wait3A] : memref<20000x16xf32, #tpu.memory_space<hbm>> -> memref<80x16xf32, #tpu.memory_space<hbm>>
        %dma_wait3A_235 = arith.constant 0 : i32
        %dma_wait3A_236 = tpu.memref_slice %arg9[%add3A_230, %dma_wait3A_235] : memref<20000x16xf32, #tpu.memory_space<hbm>> -> memref<80x16xf32, #tpu.memory_space<hbm>>
        tpu.wait_dma2 semaphore(%run_scoped3A : memref<!tpu.dma_semaphore, #tpu.memory_space<semaphore_mem>>) src(%arg16 : memref<80x16xf32, #tpu.memory_space<vmem>>) dst(%dma_wait3A_236 : memref<80x16xf32, #tpu.memory_space<hbm>>)
        tpu.yield
      }) : () -> ()
    } else {
    }
    %add3A_174 = arith.constant 16 : i32
    %add3A_175 = arith.addi %arg1, %add3A_174 : i32
    %lt3A_176 = arith.constant 125 : i32
    %lt3A_177 = arith.cmpi slt, %add3A_175, %lt3A_176 : i32
    %convert_element_type3A_178 = arith.extui %lt3A_177 : i1 to i32
    %cond3A_179 = arith.constant 0 : i32
    %cond3A_180 = arith.cmpi ne, %convert_element_type3A_178, %cond3A_179 : i32
    scf.if %cond3A_180 {
      %mul3A_223 = arith.constant 80 : i32
      %mul3A_224 = arith.muli %add3A_175, %mul3A_223 : i32
      "tpu.region"() ({
        %run_scoped3A = tpu.sem_alloc : memref<!tpu.dma_semaphore, #tpu.memory_space<semaphore_mem>>
        %dma_start3A = arith.constant 0 : i32
        %dma_start3A_231 = tpu.memref_slice %arg18[%mul3A_224, %dma_start3A] : memref<10000x128xf32, #tpu.memory_space<vmem_shared>> -> memref<80x128xf32, #tpu.memory_space<vmem_shared>>
        %dma_start3A_232 = arith.constant 0 : i32
        %dma_start3A_233 = tpu.memref_slice %arg18[%mul3A_224, %dma_start3A_232] : memref<10000x128xf32, #tpu.memory_space<vmem_shared>> -> memref<80x128xf32, #tpu.memory_space<vmem_shared>>
        tpu.enqueue_dma source(%dma_start3A_233 : memref<80x128xf32, #tpu.memory_space<vmem_shared>>) target(%arg15 : memref<80x128xf32, #tpu.memory_space<vmem>>) target_semaphore(%run_scoped3A : memref<!tpu.dma_semaphore, #tpu.memory_space<semaphore_mem>>)
        %dma_wait3A = arith.constant 0 : i32
        %dma_wait3A_234 = tpu.memref_slice %arg18[%mul3A_224, %dma_wait3A] : memref<10000x128xf32, #tpu.memory_space<vmem_shared>> -> memref<80x128xf32, #tpu.memory_space<vmem_shared>>
        %dma_wait3A_235 = arith.constant 0 : i32
        %dma_wait3A_236 = tpu.memref_slice %arg18[%mul3A_224, %dma_wait3A_235] : memref<10000x128xf32, #tpu.memory_space<vmem_shared>> -> memref<80x128xf32, #tpu.memory_space<vmem_shared>>
        tpu.wait_dma2 semaphore(%run_scoped3A : memref<!tpu.dma_semaphore, #tpu.memory_space<semaphore_mem>>) src(%dma_wait3A_236 : memref<80x128xf32, #tpu.memory_space<vmem_shared>>) dst(%arg15 : memref<80x128xf32, #tpu.memory_space<vmem>>)
        tpu.yield
      }) : () -> ()
      %mul3A_225 = arith.constant 10000 : i32
      %mul3A_226 = arith.muli %arg0, %mul3A_225 : i32
      %add3A_227 = arith.addi %mul3A_226, %mul3A_224 : i32
      "tpu.region"() ({
        %run_scoped3A = tpu.sem_alloc : memref<!tpu.dma_semaphore, #tpu.memory_space<semaphore_mem>>
        %dma_start3A = arith.constant 0 : i32
        %dma_start3A_231 = tpu.memref_slice %arg8[%add3A_227, %dma_start3A] : memref<20000x128xf32, #tpu.memory_space<hbm>> -> memref<80x128xf32, #tpu.memory_space<hbm>>
        %dma_start3A_232 = arith.constant 0 : i32
        %dma_start3A_233 = tpu.memref_slice %arg8[%add3A_227, %dma_start3A_232] : memref<20000x128xf32, #tpu.memory_space<hbm>> -> memref<80x128xf32, #tpu.memory_space<hbm>>
        tpu.enqueue_dma source(%arg15 : memref<80x128xf32, #tpu.memory_space<vmem>>) target(%dma_start3A_233 : memref<80x128xf32, #tpu.memory_space<hbm>>) target_semaphore(%run_scoped3A : memref<!tpu.dma_semaphore, #tpu.memory_space<semaphore_mem>>)
        %dma_wait3A = arith.constant 0 : i32
        %dma_wait3A_234 = tpu.memref_slice %arg8[%add3A_227, %dma_wait3A] : memref<20000x128xf32, #tpu.memory_space<hbm>> -> memref<80x128xf32, #tpu.memory_space<hbm>>
        %dma_wait3A_235 = arith.constant 0 : i32
        %dma_wait3A_236 = tpu.memref_slice %arg8[%add3A_227, %dma_wait3A_235] : memref<20000x128xf32, #tpu.memory_space<hbm>> -> memref<80x128xf32, #tpu.memory_space<hbm>>
        tpu.wait_dma2 semaphore(%run_scoped3A : memref<!tpu.dma_semaphore, #tpu.memory_space<semaphore_mem>>) src(%arg15 : memref<80x128xf32, #tpu.memory_space<vmem>>) dst(%dma_wait3A_236 : memref<80x128xf32, #tpu.memory_space<hbm>>)
        tpu.yield
      }) : () -> ()
      "tpu.region"() ({
        %run_scoped3A = tpu.sem_alloc : memref<!tpu.dma_semaphore, #tpu.memory_space<semaphore_mem>>
        %dma_start3A = arith.constant 0 : i32
        %dma_start3A_231 = tpu.memref_slice %arg19[%mul3A_224, %dma_start3A] : memref<10000x16xf32, #tpu.memory_space<vmem_shared>> -> memref<80x16xf32, #tpu.memory_space<vmem_shared>>
        %dma_start3A_232 = arith.constant 0 : i32
        %dma_start3A_233 = tpu.memref_slice %arg19[%mul3A_224, %dma_start3A_232] : memref<10000x16xf32, #tpu.memory_space<vmem_shared>> -> memref<80x16xf32, #tpu.memory_space<vmem_shared>>
        tpu.enqueue_dma source(%dma_start3A_233 : memref<80x16xf32, #tpu.memory_space<vmem_shared>>) target(%arg16 : memref<80x16xf32, #tpu.memory_space<vmem>>) target_semaphore(%run_scoped3A : memref<!tpu.dma_semaphore, #tpu.memory_space<semaphore_mem>>)
        %dma_wait3A = arith.constant 0 : i32
        %dma_wait3A_234 = tpu.memref_slice %arg19[%mul3A_224, %dma_wait3A] : memref<10000x16xf32, #tpu.memory_space<vmem_shared>> -> memref<80x16xf32, #tpu.memory_space<vmem_shared>>
        %dma_wait3A_235 = arith.constant 0 : i32
        %dma_wait3A_236 = tpu.memref_slice %arg19[%mul3A_224, %dma_wait3A_235] : memref<10000x16xf32, #tpu.memory_space<vmem_shared>> -> memref<80x16xf32, #tpu.memory_space<vmem_shared>>
        tpu.wait_dma2 semaphore(%run_scoped3A : memref<!tpu.dma_semaphore, #tpu.memory_space<semaphore_mem>>) src(%dma_wait3A_236 : memref<80x16xf32, #tpu.memory_space<vmem_shared>>) dst(%arg16 : memref<80x16xf32, #tpu.memory_space<vmem>>)
        tpu.yield
      }) : () -> ()
      %mul3A_228 = arith.constant 10000 : i32
      %mul3A_229 = arith.muli %arg0, %mul3A_228 : i32
      %add3A_230 = arith.addi %mul3A_229, %mul3A_224 : i32
      "tpu.region"() ({
        %run_scoped3A = tpu.sem_alloc : memref<!tpu.dma_semaphore, #tpu.memory_space<semaphore_mem>>
        %dma_start3A = arith.constant 0 : i32
        %dma_start3A_231 = tpu.memref_slice %arg9[%add3A_230, %dma_start3A] : memref<20000x16xf32, #tpu.memory_space<hbm>> -> memref<80x16xf32, #tpu.memory_space<hbm>>
        %dma_start3A_232 = arith.constant 0 : i32
        %dma_start3A_233 = tpu.memref_slice %arg9[%add3A_230, %dma_start3A_232] : memref<20000x16xf32, #tpu.memory_space<hbm>> -> memref<80x16xf32, #tpu.memory_space<hbm>>
        tpu.enqueue_dma source(%arg16 : memref<80x16xf32, #tpu.memory_space<vmem>>) target(%dma_start3A_233 : memref<80x16xf32, #tpu.memory_space<hbm>>) target_semaphore(%run_scoped3A : memref<!tpu.dma_semaphore, #tpu.memory_space<semaphore_mem>>)
        %dma_wait3A = arith.constant 0 : i32
        %dma_wait3A_234 = tpu.memref_slice %arg9[%add3A_230, %dma_wait3A] : memref<20000x16xf32, #tpu.memory_space<hbm>> -> memref<80x16xf32, #tpu.memory_space<hbm>>
        %dma_wait3A_235 = arith.constant 0 : i32
        %dma_wait3A_236 = tpu.memref_slice %arg9[%add3A_230, %dma_wait3A_235] : memref<20000x16xf32, #tpu.memory_space<hbm>> -> memref<80x16xf32, #tpu.memory_space<hbm>>
        tpu.wait_dma2 semaphore(%run_scoped3A : memref<!tpu.dma_semaphore, #tpu.memory_space<semaphore_mem>>) src(%arg16 : memref<80x16xf32, #tpu.memory_space<vmem>>) dst(%dma_wait3A_236 : memref<80x16xf32, #tpu.memory_space<hbm>>)
        tpu.yield
      }) : () -> ()
    } else {
    }
    %add3A_181 = arith.constant 32 : i32
    %add3A_182 = arith.addi %arg1, %add3A_181 : i32
    %lt3A_183 = arith.constant 125 : i32
    %lt3A_184 = arith.cmpi slt, %add3A_182, %lt3A_183 : i32
    %convert_element_type3A_185 = arith.extui %lt3A_184 : i1 to i32
    %cond3A_186 = arith.constant 0 : i32
    %cond3A_187 = arith.cmpi ne, %convert_element_type3A_185, %cond3A_186 : i32
    scf.if %cond3A_187 {
      %mul3A_223 = arith.constant 80 : i32
      %mul3A_224 = arith.muli %add3A_182, %mul3A_223 : i32
      "tpu.region"() ({
        %run_scoped3A = tpu.sem_alloc : memref<!tpu.dma_semaphore, #tpu.memory_space<semaphore_mem>>
        %dma_start3A = arith.constant 0 : i32
        %dma_start3A_231 = tpu.memref_slice %arg18[%mul3A_224, %dma_start3A] : memref<10000x128xf32, #tpu.memory_space<vmem_shared>> -> memref<80x128xf32, #tpu.memory_space<vmem_shared>>
        %dma_start3A_232 = arith.constant 0 : i32
        %dma_start3A_233 = tpu.memref_slice %arg18[%mul3A_224, %dma_start3A_232] : memref<10000x128xf32, #tpu.memory_space<vmem_shared>> -> memref<80x128xf32, #tpu.memory_space<vmem_shared>>
        tpu.enqueue_dma source(%dma_start3A_233 : memref<80x128xf32, #tpu.memory_space<vmem_shared>>) target(%arg15 : memref<80x128xf32, #tpu.memory_space<vmem>>) target_semaphore(%run_scoped3A : memref<!tpu.dma_semaphore, #tpu.memory_space<semaphore_mem>>)
        %dma_wait3A = arith.constant 0 : i32
        %dma_wait3A_234 = tpu.memref_slice %arg18[%mul3A_224, %dma_wait3A] : memref<10000x128xf32, #tpu.memory_space<vmem_shared>> -> memref<80x128xf32, #tpu.memory_space<vmem_shared>>
        %dma_wait3A_235 = arith.constant 0 : i32
        %dma_wait3A_236 = tpu.memref_slice %arg18[%mul3A_224, %dma_wait3A_235] : memref<10000x128xf32, #tpu.memory_space<vmem_shared>> -> memref<80x128xf32, #tpu.memory_space<vmem_shared>>
        tpu.wait_dma2 semaphore(%run_scoped3A : memref<!tpu.dma_semaphore, #tpu.memory_space<semaphore_mem>>) src(%dma_wait3A_236 : memref<80x128xf32, #tpu.memory_space<vmem_shared>>) dst(%arg15 : memref<80x128xf32, #tpu.memory_space<vmem>>)
        tpu.yield
      }) : () -> ()
      %mul3A_225 = arith.constant 10000 : i32
      %mul3A_226 = arith.muli %arg0, %mul3A_225 : i32
      %add3A_227 = arith.addi %mul3A_226, %mul3A_224 : i32
      "tpu.region"() ({
        %run_scoped3A = tpu.sem_alloc : memref<!tpu.dma_semaphore, #tpu.memory_space<semaphore_mem>>
        %dma_start3A = arith.constant 0 : i32
        %dma_start3A_231 = tpu.memref_slice %arg8[%add3A_227, %dma_start3A] : memref<20000x128xf32, #tpu.memory_space<hbm>> -> memref<80x128xf32, #tpu.memory_space<hbm>>
        %dma_start3A_232 = arith.constant 0 : i32
        %dma_start3A_233 = tpu.memref_slice %arg8[%add3A_227, %dma_start3A_232] : memref<20000x128xf32, #tpu.memory_space<hbm>> -> memref<80x128xf32, #tpu.memory_space<hbm>>
        tpu.enqueue_dma source(%arg15 : memref<80x128xf32, #tpu.memory_space<vmem>>) target(%dma_start3A_233 : memref<80x128xf32, #tpu.memory_space<hbm>>) target_semaphore(%run_scoped3A : memref<!tpu.dma_semaphore, #tpu.memory_space<semaphore_mem>>)
        %dma_wait3A = arith.constant 0 : i32
        %dma_wait3A_234 = tpu.memref_slice %arg8[%add3A_227, %dma_wait3A] : memref<20000x128xf32, #tpu.memory_space<hbm>> -> memref<80x128xf32, #tpu.memory_space<hbm>>
        %dma_wait3A_235 = arith.constant 0 : i32
        %dma_wait3A_236 = tpu.memref_slice %arg8[%add3A_227, %dma_wait3A_235] : memref<20000x128xf32, #tpu.memory_space<hbm>> -> memref<80x128xf32, #tpu.memory_space<hbm>>
        tpu.wait_dma2 semaphore(%run_scoped3A : memref<!tpu.dma_semaphore, #tpu.memory_space<semaphore_mem>>) src(%arg15 : memref<80x128xf32, #tpu.memory_space<vmem>>) dst(%dma_wait3A_236 : memref<80x128xf32, #tpu.memory_space<hbm>>)
        tpu.yield
      }) : () -> ()
      "tpu.region"() ({
        %run_scoped3A = tpu.sem_alloc : memref<!tpu.dma_semaphore, #tpu.memory_space<semaphore_mem>>
        %dma_start3A = arith.constant 0 : i32
        %dma_start3A_231 = tpu.memref_slice %arg19[%mul3A_224, %dma_start3A] : memref<10000x16xf32, #tpu.memory_space<vmem_shared>> -> memref<80x16xf32, #tpu.memory_space<vmem_shared>>
        %dma_start3A_232 = arith.constant 0 : i32
        %dma_start3A_233 = tpu.memref_slice %arg19[%mul3A_224, %dma_start3A_232] : memref<10000x16xf32, #tpu.memory_space<vmem_shared>> -> memref<80x16xf32, #tpu.memory_space<vmem_shared>>
        tpu.enqueue_dma source(%dma_start3A_233 : memref<80x16xf32, #tpu.memory_space<vmem_shared>>) target(%arg16 : memref<80x16xf32, #tpu.memory_space<vmem>>) target_semaphore(%run_scoped3A : memref<!tpu.dma_semaphore, #tpu.memory_space<semaphore_mem>>)
        %dma_wait3A = arith.constant 0 : i32
        %dma_wait3A_234 = tpu.memref_slice %arg19[%mul3A_224, %dma_wait3A] : memref<10000x16xf32, #tpu.memory_space<vmem_shared>> -> memref<80x16xf32, #tpu.memory_space<vmem_shared>>
        %dma_wait3A_235 = arith.constant 0 : i32
        %dma_wait3A_236 = tpu.memref_slice %arg19[%mul3A_224, %dma_wait3A_235] : memref<10000x16xf32, #tpu.memory_space<vmem_shared>> -> memref<80x16xf32, #tpu.memory_space<vmem_shared>>
        tpu.wait_dma2 semaphore(%run_scoped3A : memref<!tpu.dma_semaphore, #tpu.memory_space<semaphore_mem>>) src(%dma_wait3A_236 : memref<80x16xf32, #tpu.memory_space<vmem_shared>>) dst(%arg16 : memref<80x16xf32, #tpu.memory_space<vmem>>)
        tpu.yield
      }) : () -> ()
      %mul3A_228 = arith.constant 10000 : i32
      %mul3A_229 = arith.muli %arg0, %mul3A_228 : i32
      %add3A_230 = arith.addi %mul3A_229, %mul3A_224 : i32
      "tpu.region"() ({
        %run_scoped3A = tpu.sem_alloc : memref<!tpu.dma_semaphore, #tpu.memory_space<semaphore_mem>>
        %dma_start3A = arith.constant 0 : i32
        %dma_start3A_231 = tpu.memref_slice %arg9[%add3A_230, %dma_start3A] : memref<20000x16xf32, #tpu.memory_space<hbm>> -> memref<80x16xf32, #tpu.memory_space<hbm>>
        %dma_start3A_232 = arith.constant 0 : i32
        %dma_start3A_233 = tpu.memref_slice %arg9[%add3A_230, %dma_start3A_232] : memref<20000x16xf32, #tpu.memory_space<hbm>> -> memref<80x16xf32, #tpu.memory_space<hbm>>
        tpu.enqueue_dma source(%arg16 : memref<80x16xf32, #tpu.memory_space<vmem>>) target(%dma_start3A_233 : memref<80x16xf32, #tpu.memory_space<hbm>>) target_semaphore(%run_scoped3A : memref<!tpu.dma_semaphore, #tpu.memory_space<semaphore_mem>>)
        %dma_wait3A = arith.constant 0 : i32
        %dma_wait3A_234 = tpu.memref_slice %arg9[%add3A_230, %dma_wait3A] : memref<20000x16xf32, #tpu.memory_space<hbm>> -> memref<80x16xf32, #tpu.memory_space<hbm>>
        %dma_wait3A_235 = arith.constant 0 : i32
        %dma_wait3A_236 = tpu.memref_slice %arg9[%add3A_230, %dma_wait3A_235] : memref<20000x16xf32, #tpu.memory_space<hbm>> -> memref<80x16xf32, #tpu.memory_space<hbm>>
        tpu.wait_dma2 semaphore(%run_scoped3A : memref<!tpu.dma_semaphore, #tpu.memory_space<semaphore_mem>>) src(%arg16 : memref<80x16xf32, #tpu.memory_space<vmem>>) dst(%dma_wait3A_236 : memref<80x16xf32, #tpu.memory_space<hbm>>)
        tpu.yield
      }) : () -> ()
    } else {
    }
    %add3A_188 = arith.constant 48 : i32
    %add3A_189 = arith.addi %arg1, %add3A_188 : i32
    %lt3A_190 = arith.constant 125 : i32
    %lt3A_191 = arith.cmpi slt, %add3A_189, %lt3A_190 : i32
    %convert_element_type3A_192 = arith.extui %lt3A_191 : i1 to i32
    %cond3A_193 = arith.constant 0 : i32
    %cond3A_194 = arith.cmpi ne, %convert_element_type3A_192, %cond3A_193 : i32
    scf.if %cond3A_194 {
      %mul3A_223 = arith.constant 80 : i32
      %mul3A_224 = arith.muli %add3A_189, %mul3A_223 : i32
      "tpu.region"() ({
        %run_scoped3A = tpu.sem_alloc : memref<!tpu.dma_semaphore, #tpu.memory_space<semaphore_mem>>
        %dma_start3A = arith.constant 0 : i32
        %dma_start3A_231 = tpu.memref_slice %arg18[%mul3A_224, %dma_start3A] : memref<10000x128xf32, #tpu.memory_space<vmem_shared>> -> memref<80x128xf32, #tpu.memory_space<vmem_shared>>
        %dma_start3A_232 = arith.constant 0 : i32
        %dma_start3A_233 = tpu.memref_slice %arg18[%mul3A_224, %dma_start3A_232] : memref<10000x128xf32, #tpu.memory_space<vmem_shared>> -> memref<80x128xf32, #tpu.memory_space<vmem_shared>>
        tpu.enqueue_dma source(%dma_start3A_233 : memref<80x128xf32, #tpu.memory_space<vmem_shared>>) target(%arg15 : memref<80x128xf32, #tpu.memory_space<vmem>>) target_semaphore(%run_scoped3A : memref<!tpu.dma_semaphore, #tpu.memory_space<semaphore_mem>>)
        %dma_wait3A = arith.constant 0 : i32
        %dma_wait3A_234 = tpu.memref_slice %arg18[%mul3A_224, %dma_wait3A] : memref<10000x128xf32, #tpu.memory_space<vmem_shared>> -> memref<80x128xf32, #tpu.memory_space<vmem_shared>>
        %dma_wait3A_235 = arith.constant 0 : i32
        %dma_wait3A_236 = tpu.memref_slice %arg18[%mul3A_224, %dma_wait3A_235] : memref<10000x128xf32, #tpu.memory_space<vmem_shared>> -> memref<80x128xf32, #tpu.memory_space<vmem_shared>>
        tpu.wait_dma2 semaphore(%run_scoped3A : memref<!tpu.dma_semaphore, #tpu.memory_space<semaphore_mem>>) src(%dma_wait3A_236 : memref<80x128xf32, #tpu.memory_space<vmem_shared>>) dst(%arg15 : memref<80x128xf32, #tpu.memory_space<vmem>>)
        tpu.yield
      }) : () -> ()
      %mul3A_225 = arith.constant 10000 : i32
      %mul3A_226 = arith.muli %arg0, %mul3A_225 : i32
      %add3A_227 = arith.addi %mul3A_226, %mul3A_224 : i32
      "tpu.region"() ({
        %run_scoped3A = tpu.sem_alloc : memref<!tpu.dma_semaphore, #tpu.memory_space<semaphore_mem>>
        %dma_start3A = arith.constant 0 : i32
        %dma_start3A_231 = tpu.memref_slice %arg8[%add3A_227, %dma_start3A] : memref<20000x128xf32, #tpu.memory_space<hbm>> -> memref<80x128xf32, #tpu.memory_space<hbm>>
        %dma_start3A_232 = arith.constant 0 : i32
        %dma_start3A_233 = tpu.memref_slice %arg8[%add3A_227, %dma_start3A_232] : memref<20000x128xf32, #tpu.memory_space<hbm>> -> memref<80x128xf32, #tpu.memory_space<hbm>>
        tpu.enqueue_dma source(%arg15 : memref<80x128xf32, #tpu.memory_space<vmem>>) target(%dma_start3A_233 : memref<80x128xf32, #tpu.memory_space<hbm>>) target_semaphore(%run_scoped3A : memref<!tpu.dma_semaphore, #tpu.memory_space<semaphore_mem>>)
        %dma_wait3A = arith.constant 0 : i32
        %dma_wait3A_234 = tpu.memref_slice %arg8[%add3A_227, %dma_wait3A] : memref<20000x128xf32, #tpu.memory_space<hbm>> -> memref<80x128xf32, #tpu.memory_space<hbm>>
        %dma_wait3A_235 = arith.constant 0 : i32
        %dma_wait3A_236 = tpu.memref_slice %arg8[%add3A_227, %dma_wait3A_235] : memref<20000x128xf32, #tpu.memory_space<hbm>> -> memref<80x128xf32, #tpu.memory_space<hbm>>
        tpu.wait_dma2 semaphore(%run_scoped3A : memref<!tpu.dma_semaphore, #tpu.memory_space<semaphore_mem>>) src(%arg15 : memref<80x128xf32, #tpu.memory_space<vmem>>) dst(%dma_wait3A_236 : memref<80x128xf32, #tpu.memory_space<hbm>>)
        tpu.yield
      }) : () -> ()
      "tpu.region"() ({
        %run_scoped3A = tpu.sem_alloc : memref<!tpu.dma_semaphore, #tpu.memory_space<semaphore_mem>>
        %dma_start3A = arith.constant 0 : i32
        %dma_start3A_231 = tpu.memref_slice %arg19[%mul3A_224, %dma_start3A] : memref<10000x16xf32, #tpu.memory_space<vmem_shared>> -> memref<80x16xf32, #tpu.memory_space<vmem_shared>>
        %dma_start3A_232 = arith.constant 0 : i32
        %dma_start3A_233 = tpu.memref_slice %arg19[%mul3A_224, %dma_start3A_232] : memref<10000x16xf32, #tpu.memory_space<vmem_shared>> -> memref<80x16xf32, #tpu.memory_space<vmem_shared>>
        tpu.enqueue_dma source(%dma_start3A_233 : memref<80x16xf32, #tpu.memory_space<vmem_shared>>) target(%arg16 : memref<80x16xf32, #tpu.memory_space<vmem>>) target_semaphore(%run_scoped3A : memref<!tpu.dma_semaphore, #tpu.memory_space<semaphore_mem>>)
        %dma_wait3A = arith.constant 0 : i32
        %dma_wait3A_234 = tpu.memref_slice %arg19[%mul3A_224, %dma_wait3A] : memref<10000x16xf32, #tpu.memory_space<vmem_shared>> -> memref<80x16xf32, #tpu.memory_space<vmem_shared>>
        %dma_wait3A_235 = arith.constant 0 : i32
        %dma_wait3A_236 = tpu.memref_slice %arg19[%mul3A_224, %dma_wait3A_235] : memref<10000x16xf32, #tpu.memory_space<vmem_shared>> -> memref<80x16xf32, #tpu.memory_space<vmem_shared>>
        tpu.wait_dma2 semaphore(%run_scoped3A : memref<!tpu.dma_semaphore, #tpu.memory_space<semaphore_mem>>) src(%dma_wait3A_236 : memref<80x16xf32, #tpu.memory_space<vmem_shared>>) dst(%arg16 : memref<80x16xf32, #tpu.memory_space<vmem>>)
        tpu.yield
      }) : () -> ()
      %mul3A_228 = arith.constant 10000 : i32
      %mul3A_229 = arith.muli %arg0, %mul3A_228 : i32
      %add3A_230 = arith.addi %mul3A_229, %mul3A_224 : i32
      "tpu.region"() ({
        %run_scoped3A = tpu.sem_alloc : memref<!tpu.dma_semaphore, #tpu.memory_space<semaphore_mem>>
        %dma_start3A = arith.constant 0 : i32
        %dma_start3A_231 = tpu.memref_slice %arg9[%add3A_230, %dma_start3A] : memref<20000x16xf32, #tpu.memory_space<hbm>> -> memref<80x16xf32, #tpu.memory_space<hbm>>
        %dma_start3A_232 = arith.constant 0 : i32
        %dma_start3A_233 = tpu.memref_slice %arg9[%add3A_230, %dma_start3A_232] : memref<20000x16xf32, #tpu.memory_space<hbm>> -> memref<80x16xf32, #tpu.memory_space<hbm>>
        tpu.enqueue_dma source(%arg16 : memref<80x16xf32, #tpu.memory_space<vmem>>) target(%dma_start3A_233 : memref<80x16xf32, #tpu.memory_space<hbm>>) target_semaphore(%run_scoped3A : memref<!tpu.dma_semaphore, #tpu.memory_space<semaphore_mem>>)
        %dma_wait3A = arith.constant 0 : i32
        %dma_wait3A_234 = tpu.memref_slice %arg9[%add3A_230, %dma_wait3A] : memref<20000x16xf32, #tpu.memory_space<hbm>> -> memref<80x16xf32, #tpu.memory_space<hbm>>
        %dma_wait3A_235 = arith.constant 0 : i32
        %dma_wait3A_236 = tpu.memref_slice %arg9[%add3A_230, %dma_wait3A_235] : memref<20000x16xf32, #tpu.memory_space<hbm>> -> memref<80x16xf32, #tpu.memory_space<hbm>>
        tpu.wait_dma2 semaphore(%run_scoped3A : memref<!tpu.dma_semaphore, #tpu.memory_space<semaphore_mem>>) src(%arg16 : memref<80x16xf32, #tpu.memory_space<vmem>>) dst(%dma_wait3A_236 : memref<80x16xf32, #tpu.memory_space<hbm>>)
        tpu.yield
      }) : () -> ()
    } else {
    }
    %add3A_195 = arith.constant 64 : i32
    %add3A_196 = arith.addi %arg1, %add3A_195 : i32
    %lt3A_197 = arith.constant 125 : i32
    %lt3A_198 = arith.cmpi slt, %add3A_196, %lt3A_197 : i32
    %convert_element_type3A_199 = arith.extui %lt3A_198 : i1 to i32
    %cond3A_200 = arith.constant 0 : i32
    %cond3A_201 = arith.cmpi ne, %convert_element_type3A_199, %cond3A_200 : i32
    scf.if %cond3A_201 {
      %mul3A_223 = arith.constant 80 : i32
      %mul3A_224 = arith.muli %add3A_196, %mul3A_223 : i32
      "tpu.region"() ({
        %run_scoped3A = tpu.sem_alloc : memref<!tpu.dma_semaphore, #tpu.memory_space<semaphore_mem>>
        %dma_start3A = arith.constant 0 : i32
        %dma_start3A_231 = tpu.memref_slice %arg18[%mul3A_224, %dma_start3A] : memref<10000x128xf32, #tpu.memory_space<vmem_shared>> -> memref<80x128xf32, #tpu.memory_space<vmem_shared>>
        %dma_start3A_232 = arith.constant 0 : i32
        %dma_start3A_233 = tpu.memref_slice %arg18[%mul3A_224, %dma_start3A_232] : memref<10000x128xf32, #tpu.memory_space<vmem_shared>> -> memref<80x128xf32, #tpu.memory_space<vmem_shared>>
        tpu.enqueue_dma source(%dma_start3A_233 : memref<80x128xf32, #tpu.memory_space<vmem_shared>>) target(%arg15 : memref<80x128xf32, #tpu.memory_space<vmem>>) target_semaphore(%run_scoped3A : memref<!tpu.dma_semaphore, #tpu.memory_space<semaphore_mem>>)
        %dma_wait3A = arith.constant 0 : i32
        %dma_wait3A_234 = tpu.memref_slice %arg18[%mul3A_224, %dma_wait3A] : memref<10000x128xf32, #tpu.memory_space<vmem_shared>> -> memref<80x128xf32, #tpu.memory_space<vmem_shared>>
        %dma_wait3A_235 = arith.constant 0 : i32
        %dma_wait3A_236 = tpu.memref_slice %arg18[%mul3A_224, %dma_wait3A_235] : memref<10000x128xf32, #tpu.memory_space<vmem_shared>> -> memref<80x128xf32, #tpu.memory_space<vmem_shared>>
        tpu.wait_dma2 semaphore(%run_scoped3A : memref<!tpu.dma_semaphore, #tpu.memory_space<semaphore_mem>>) src(%dma_wait3A_236 : memref<80x128xf32, #tpu.memory_space<vmem_shared>>) dst(%arg15 : memref<80x128xf32, #tpu.memory_space<vmem>>)
        tpu.yield
      }) : () -> ()
      %mul3A_225 = arith.constant 10000 : i32
      %mul3A_226 = arith.muli %arg0, %mul3A_225 : i32
      %add3A_227 = arith.addi %mul3A_226, %mul3A_224 : i32
      "tpu.region"() ({
        %run_scoped3A = tpu.sem_alloc : memref<!tpu.dma_semaphore, #tpu.memory_space<semaphore_mem>>
        %dma_start3A = arith.constant 0 : i32
        %dma_start3A_231 = tpu.memref_slice %arg8[%add3A_227, %dma_start3A] : memref<20000x128xf32, #tpu.memory_space<hbm>> -> memref<80x128xf32, #tpu.memory_space<hbm>>
        %dma_start3A_232 = arith.constant 0 : i32
        %dma_start3A_233 = tpu.memref_slice %arg8[%add3A_227, %dma_start3A_232] : memref<20000x128xf32, #tpu.memory_space<hbm>> -> memref<80x128xf32, #tpu.memory_space<hbm>>
        tpu.enqueue_dma source(%arg15 : memref<80x128xf32, #tpu.memory_space<vmem>>) target(%dma_start3A_233 : memref<80x128xf32, #tpu.memory_space<hbm>>) target_semaphore(%run_scoped3A : memref<!tpu.dma_semaphore, #tpu.memory_space<semaphore_mem>>)
        %dma_wait3A = arith.constant 0 : i32
        %dma_wait3A_234 = tpu.memref_slice %arg8[%add3A_227, %dma_wait3A] : memref<20000x128xf32, #tpu.memory_space<hbm>> -> memref<80x128xf32, #tpu.memory_space<hbm>>
        %dma_wait3A_235 = arith.constant 0 : i32
        %dma_wait3A_236 = tpu.memref_slice %arg8[%add3A_227, %dma_wait3A_235] : memref<20000x128xf32, #tpu.memory_space<hbm>> -> memref<80x128xf32, #tpu.memory_space<hbm>>
        tpu.wait_dma2 semaphore(%run_scoped3A : memref<!tpu.dma_semaphore, #tpu.memory_space<semaphore_mem>>) src(%arg15 : memref<80x128xf32, #tpu.memory_space<vmem>>) dst(%dma_wait3A_236 : memref<80x128xf32, #tpu.memory_space<hbm>>)
        tpu.yield
      }) : () -> ()
      "tpu.region"() ({
        %run_scoped3A = tpu.sem_alloc : memref<!tpu.dma_semaphore, #tpu.memory_space<semaphore_mem>>
        %dma_start3A = arith.constant 0 : i32
        %dma_start3A_231 = tpu.memref_slice %arg19[%mul3A_224, %dma_start3A] : memref<10000x16xf32, #tpu.memory_space<vmem_shared>> -> memref<80x16xf32, #tpu.memory_space<vmem_shared>>
        %dma_start3A_232 = arith.constant 0 : i32
        %dma_start3A_233 = tpu.memref_slice %arg19[%mul3A_224, %dma_start3A_232] : memref<10000x16xf32, #tpu.memory_space<vmem_shared>> -> memref<80x16xf32, #tpu.memory_space<vmem_shared>>
        tpu.enqueue_dma source(%dma_start3A_233 : memref<80x16xf32, #tpu.memory_space<vmem_shared>>) target(%arg16 : memref<80x16xf32, #tpu.memory_space<vmem>>) target_semaphore(%run_scoped3A : memref<!tpu.dma_semaphore, #tpu.memory_space<semaphore_mem>>)
        %dma_wait3A = arith.constant 0 : i32
        %dma_wait3A_234 = tpu.memref_slice %arg19[%mul3A_224, %dma_wait3A] : memref<10000x16xf32, #tpu.memory_space<vmem_shared>> -> memref<80x16xf32, #tpu.memory_space<vmem_shared>>
        %dma_wait3A_235 = arith.constant 0 : i32
        %dma_wait3A_236 = tpu.memref_slice %arg19[%mul3A_224, %dma_wait3A_235] : memref<10000x16xf32, #tpu.memory_space<vmem_shared>> -> memref<80x16xf32, #tpu.memory_space<vmem_shared>>
        tpu.wait_dma2 semaphore(%run_scoped3A : memref<!tpu.dma_semaphore, #tpu.memory_space<semaphore_mem>>) src(%dma_wait3A_236 : memref<80x16xf32, #tpu.memory_space<vmem_shared>>) dst(%arg16 : memref<80x16xf32, #tpu.memory_space<vmem>>)
        tpu.yield
      }) : () -> ()
      %mul3A_228 = arith.constant 10000 : i32
      %mul3A_229 = arith.muli %arg0, %mul3A_228 : i32
      %add3A_230 = arith.addi %mul3A_229, %mul3A_224 : i32
      "tpu.region"() ({
        %run_scoped3A = tpu.sem_alloc : memref<!tpu.dma_semaphore, #tpu.memory_space<semaphore_mem>>
        %dma_start3A = arith.constant 0 : i32
        %dma_start3A_231 = tpu.memref_slice %arg9[%add3A_230, %dma_start3A] : memref<20000x16xf32, #tpu.memory_space<hbm>> -> memref<80x16xf32, #tpu.memory_space<hbm>>
        %dma_start3A_232 = arith.constant 0 : i32
        %dma_start3A_233 = tpu.memref_slice %arg9[%add3A_230, %dma_start3A_232] : memref<20000x16xf32, #tpu.memory_space<hbm>> -> memref<80x16xf32, #tpu.memory_space<hbm>>
        tpu.enqueue_dma source(%arg16 : memref<80x16xf32, #tpu.memory_space<vmem>>) target(%dma_start3A_233 : memref<80x16xf32, #tpu.memory_space<hbm>>) target_semaphore(%run_scoped3A : memref<!tpu.dma_semaphore, #tpu.memory_space<semaphore_mem>>)
        %dma_wait3A = arith.constant 0 : i32
        %dma_wait3A_234 = tpu.memref_slice %arg9[%add3A_230, %dma_wait3A] : memref<20000x16xf32, #tpu.memory_space<hbm>> -> memref<80x16xf32, #tpu.memory_space<hbm>>
        %dma_wait3A_235 = arith.constant 0 : i32
        %dma_wait3A_236 = tpu.memref_slice %arg9[%add3A_230, %dma_wait3A_235] : memref<20000x16xf32, #tpu.memory_space<hbm>> -> memref<80x16xf32, #tpu.memory_space<hbm>>
        tpu.wait_dma2 semaphore(%run_scoped3A : memref<!tpu.dma_semaphore, #tpu.memory_space<semaphore_mem>>) src(%arg16 : memref<80x16xf32, #tpu.memory_space<vmem>>) dst(%dma_wait3A_236 : memref<80x16xf32, #tpu.memory_space<hbm>>)
        tpu.yield
      }) : () -> ()
    } else {
    }
    %add3A_202 = arith.constant 80 : i32
    %add3A_203 = arith.addi %arg1, %add3A_202 : i32
    %lt3A_204 = arith.constant 125 : i32
    %lt3A_205 = arith.cmpi slt, %add3A_203, %lt3A_204 : i32
    %convert_element_type3A_206 = arith.extui %lt3A_205 : i1 to i32
    %cond3A_207 = arith.constant 0 : i32
    %cond3A_208 = arith.cmpi ne, %convert_element_type3A_206, %cond3A_207 : i32
    scf.if %cond3A_208 {
      %mul3A_223 = arith.constant 80 : i32
      %mul3A_224 = arith.muli %add3A_203, %mul3A_223 : i32
      "tpu.region"() ({
        %run_scoped3A = tpu.sem_alloc : memref<!tpu.dma_semaphore, #tpu.memory_space<semaphore_mem>>
        %dma_start3A = arith.constant 0 : i32
        %dma_start3A_231 = tpu.memref_slice %arg18[%mul3A_224, %dma_start3A] : memref<10000x128xf32, #tpu.memory_space<vmem_shared>> -> memref<80x128xf32, #tpu.memory_space<vmem_shared>>
        %dma_start3A_232 = arith.constant 0 : i32
        %dma_start3A_233 = tpu.memref_slice %arg18[%mul3A_224, %dma_start3A_232] : memref<10000x128xf32, #tpu.memory_space<vmem_shared>> -> memref<80x128xf32, #tpu.memory_space<vmem_shared>>
        tpu.enqueue_dma source(%dma_start3A_233 : memref<80x128xf32, #tpu.memory_space<vmem_shared>>) target(%arg15 : memref<80x128xf32, #tpu.memory_space<vmem>>) target_semaphore(%run_scoped3A : memref<!tpu.dma_semaphore, #tpu.memory_space<semaphore_mem>>)
        %dma_wait3A = arith.constant 0 : i32
        %dma_wait3A_234 = tpu.memref_slice %arg18[%mul3A_224, %dma_wait3A] : memref<10000x128xf32, #tpu.memory_space<vmem_shared>> -> memref<80x128xf32, #tpu.memory_space<vmem_shared>>
        %dma_wait3A_235 = arith.constant 0 : i32
        %dma_wait3A_236 = tpu.memref_slice %arg18[%mul3A_224, %dma_wait3A_235] : memref<10000x128xf32, #tpu.memory_space<vmem_shared>> -> memref<80x128xf32, #tpu.memory_space<vmem_shared>>
        tpu.wait_dma2 semaphore(%run_scoped3A : memref<!tpu.dma_semaphore, #tpu.memory_space<semaphore_mem>>) src(%dma_wait3A_236 : memref<80x128xf32, #tpu.memory_space<vmem_shared>>) dst(%arg15 : memref<80x128xf32, #tpu.memory_space<vmem>>)
        tpu.yield
      }) : () -> ()
      %mul3A_225 = arith.constant 10000 : i32
      %mul3A_226 = arith.muli %arg0, %mul3A_225 : i32
      %add3A_227 = arith.addi %mul3A_226, %mul3A_224 : i32
      "tpu.region"() ({
        %run_scoped3A = tpu.sem_alloc : memref<!tpu.dma_semaphore, #tpu.memory_space<semaphore_mem>>
        %dma_start3A = arith.constant 0 : i32
        %dma_start3A_231 = tpu.memref_slice %arg8[%add3A_227, %dma_start3A] : memref<20000x128xf32, #tpu.memory_space<hbm>> -> memref<80x128xf32, #tpu.memory_space<hbm>>
        %dma_start3A_232 = arith.constant 0 : i32
        %dma_start3A_233 = tpu.memref_slice %arg8[%add3A_227, %dma_start3A_232] : memref<20000x128xf32, #tpu.memory_space<hbm>> -> memref<80x128xf32, #tpu.memory_space<hbm>>
        tpu.enqueue_dma source(%arg15 : memref<80x128xf32, #tpu.memory_space<vmem>>) target(%dma_start3A_233 : memref<80x128xf32, #tpu.memory_space<hbm>>) target_semaphore(%run_scoped3A : memref<!tpu.dma_semaphore, #tpu.memory_space<semaphore_mem>>)
        %dma_wait3A = arith.constant 0 : i32
        %dma_wait3A_234 = tpu.memref_slice %arg8[%add3A_227, %dma_wait3A] : memref<20000x128xf32, #tpu.memory_space<hbm>> -> memref<80x128xf32, #tpu.memory_space<hbm>>
        %dma_wait3A_235 = arith.constant 0 : i32
        %dma_wait3A_236 = tpu.memref_slice %arg8[%add3A_227, %dma_wait3A_235] : memref<20000x128xf32, #tpu.memory_space<hbm>> -> memref<80x128xf32, #tpu.memory_space<hbm>>
        tpu.wait_dma2 semaphore(%run_scoped3A : memref<!tpu.dma_semaphore, #tpu.memory_space<semaphore_mem>>) src(%arg15 : memref<80x128xf32, #tpu.memory_space<vmem>>) dst(%dma_wait3A_236 : memref<80x128xf32, #tpu.memory_space<hbm>>)
        tpu.yield
      }) : () -> ()
      "tpu.region"() ({
        %run_scoped3A = tpu.sem_alloc : memref<!tpu.dma_semaphore, #tpu.memory_space<semaphore_mem>>
        %dma_start3A = arith.constant 0 : i32
        %dma_start3A_231 = tpu.memref_slice %arg19[%mul3A_224, %dma_start3A] : memref<10000x16xf32, #tpu.memory_space<vmem_shared>> -> memref<80x16xf32, #tpu.memory_space<vmem_shared>>
        %dma_start3A_232 = arith.constant 0 : i32
        %dma_start3A_233 = tpu.memref_slice %arg19[%mul3A_224, %dma_start3A_232] : memref<10000x16xf32, #tpu.memory_space<vmem_shared>> -> memref<80x16xf32, #tpu.memory_space<vmem_shared>>
        tpu.enqueue_dma source(%dma_start3A_233 : memref<80x16xf32, #tpu.memory_space<vmem_shared>>) target(%arg16 : memref<80x16xf32, #tpu.memory_space<vmem>>) target_semaphore(%run_scoped3A : memref<!tpu.dma_semaphore, #tpu.memory_space<semaphore_mem>>)
        %dma_wait3A = arith.constant 0 : i32
        %dma_wait3A_234 = tpu.memref_slice %arg19[%mul3A_224, %dma_wait3A] : memref<10000x16xf32, #tpu.memory_space<vmem_shared>> -> memref<80x16xf32, #tpu.memory_space<vmem_shared>>
        %dma_wait3A_235 = arith.constant 0 : i32
        %dma_wait3A_236 = tpu.memref_slice %arg19[%mul3A_224, %dma_wait3A_235] : memref<10000x16xf32, #tpu.memory_space<vmem_shared>> -> memref<80x16xf32, #tpu.memory_space<vmem_shared>>
        tpu.wait_dma2 semaphore(%run_scoped3A : memref<!tpu.dma_semaphore, #tpu.memory_space<semaphore_mem>>) src(%dma_wait3A_236 : memref<80x16xf32, #tpu.memory_space<vmem_shared>>) dst(%arg16 : memref<80x16xf32, #tpu.memory_space<vmem>>)
        tpu.yield
      }) : () -> ()
      %mul3A_228 = arith.constant 10000 : i32
      %mul3A_229 = arith.muli %arg0, %mul3A_228 : i32
      %add3A_230 = arith.addi %mul3A_229, %mul3A_224 : i32
      "tpu.region"() ({
        %run_scoped3A = tpu.sem_alloc : memref<!tpu.dma_semaphore, #tpu.memory_space<semaphore_mem>>
        %dma_start3A = arith.constant 0 : i32
        %dma_start3A_231 = tpu.memref_slice %arg9[%add3A_230, %dma_start3A] : memref<20000x16xf32, #tpu.memory_space<hbm>> -> memref<80x16xf32, #tpu.memory_space<hbm>>
        %dma_start3A_232 = arith.constant 0 : i32
        %dma_start3A_233 = tpu.memref_slice %arg9[%add3A_230, %dma_start3A_232] : memref<20000x16xf32, #tpu.memory_space<hbm>> -> memref<80x16xf32, #tpu.memory_space<hbm>>
        tpu.enqueue_dma source(%arg16 : memref<80x16xf32, #tpu.memory_space<vmem>>) target(%dma_start3A_233 : memref<80x16xf32, #tpu.memory_space<hbm>>) target_semaphore(%run_scoped3A : memref<!tpu.dma_semaphore, #tpu.memory_space<semaphore_mem>>)
        %dma_wait3A = arith.constant 0 : i32
        %dma_wait3A_234 = tpu.memref_slice %arg9[%add3A_230, %dma_wait3A] : memref<20000x16xf32, #tpu.memory_space<hbm>> -> memref<80x16xf32, #tpu.memory_space<hbm>>
        %dma_wait3A_235 = arith.constant 0 : i32
        %dma_wait3A_236 = tpu.memref_slice %arg9[%add3A_230, %dma_wait3A_235] : memref<20000x16xf32, #tpu.memory_space<hbm>> -> memref<80x16xf32, #tpu.memory_space<hbm>>
        tpu.wait_dma2 semaphore(%run_scoped3A : memref<!tpu.dma_semaphore, #tpu.memory_space<semaphore_mem>>) src(%arg16 : memref<80x16xf32, #tpu.memory_space<vmem>>) dst(%dma_wait3A_236 : memref<80x16xf32, #tpu.memory_space<hbm>>)
        tpu.yield
      }) : () -> ()
    } else {
    }
    %add3A_209 = arith.constant 96 : i32
    %add3A_210 = arith.addi %arg1, %add3A_209 : i32
    %lt3A_211 = arith.constant 125 : i32
    %lt3A_212 = arith.cmpi slt, %add3A_210, %lt3A_211 : i32
    %convert_element_type3A_213 = arith.extui %lt3A_212 : i1 to i32
    %cond3A_214 = arith.constant 0 : i32
    %cond3A_215 = arith.cmpi ne, %convert_element_type3A_213, %cond3A_214 : i32
    scf.if %cond3A_215 {
      %mul3A_223 = arith.constant 80 : i32
      %mul3A_224 = arith.muli %add3A_210, %mul3A_223 : i32
      "tpu.region"() ({
        %run_scoped3A = tpu.sem_alloc : memref<!tpu.dma_semaphore, #tpu.memory_space<semaphore_mem>>
        %dma_start3A = arith.constant 0 : i32
        %dma_start3A_231 = tpu.memref_slice %arg18[%mul3A_224, %dma_start3A] : memref<10000x128xf32, #tpu.memory_space<vmem_shared>> -> memref<80x128xf32, #tpu.memory_space<vmem_shared>>
        %dma_start3A_232 = arith.constant 0 : i32
        %dma_start3A_233 = tpu.memref_slice %arg18[%mul3A_224, %dma_start3A_232] : memref<10000x128xf32, #tpu.memory_space<vmem_shared>> -> memref<80x128xf32, #tpu.memory_space<vmem_shared>>
        tpu.enqueue_dma source(%dma_start3A_233 : memref<80x128xf32, #tpu.memory_space<vmem_shared>>) target(%arg15 : memref<80x128xf32, #tpu.memory_space<vmem>>) target_semaphore(%run_scoped3A : memref<!tpu.dma_semaphore, #tpu.memory_space<semaphore_mem>>)
        %dma_wait3A = arith.constant 0 : i32
        %dma_wait3A_234 = tpu.memref_slice %arg18[%mul3A_224, %dma_wait3A] : memref<10000x128xf32, #tpu.memory_space<vmem_shared>> -> memref<80x128xf32, #tpu.memory_space<vmem_shared>>
        %dma_wait3A_235 = arith.constant 0 : i32
        %dma_wait3A_236 = tpu.memref_slice %arg18[%mul3A_224, %dma_wait3A_235] : memref<10000x128xf32, #tpu.memory_space<vmem_shared>> -> memref<80x128xf32, #tpu.memory_space<vmem_shared>>
        tpu.wait_dma2 semaphore(%run_scoped3A : memref<!tpu.dma_semaphore, #tpu.memory_space<semaphore_mem>>) src(%dma_wait3A_236 : memref<80x128xf32, #tpu.memory_space<vmem_shared>>) dst(%arg15 : memref<80x128xf32, #tpu.memory_space<vmem>>)
        tpu.yield
      }) : () -> ()
      %mul3A_225 = arith.constant 10000 : i32
      %mul3A_226 = arith.muli %arg0, %mul3A_225 : i32
      %add3A_227 = arith.addi %mul3A_226, %mul3A_224 : i32
      "tpu.region"() ({
        %run_scoped3A = tpu.sem_alloc : memref<!tpu.dma_semaphore, #tpu.memory_space<semaphore_mem>>
        %dma_start3A = arith.constant 0 : i32
        %dma_start3A_231 = tpu.memref_slice %arg8[%add3A_227, %dma_start3A] : memref<20000x128xf32, #tpu.memory_space<hbm>> -> memref<80x128xf32, #tpu.memory_space<hbm>>
        %dma_start3A_232 = arith.constant 0 : i32
        %dma_start3A_233 = tpu.memref_slice %arg8[%add3A_227, %dma_start3A_232] : memref<20000x128xf32, #tpu.memory_space<hbm>> -> memref<80x128xf32, #tpu.memory_space<hbm>>
        tpu.enqueue_dma source(%arg15 : memref<80x128xf32, #tpu.memory_space<vmem>>) target(%dma_start3A_233 : memref<80x128xf32, #tpu.memory_space<hbm>>) target_semaphore(%run_scoped3A : memref<!tpu.dma_semaphore, #tpu.memory_space<semaphore_mem>>)
        %dma_wait3A = arith.constant 0 : i32
        %dma_wait3A_234 = tpu.memref_slice %arg8[%add3A_227, %dma_wait3A] : memref<20000x128xf32, #tpu.memory_space<hbm>> -> memref<80x128xf32, #tpu.memory_space<hbm>>
        %dma_wait3A_235 = arith.constant 0 : i32
        %dma_wait3A_236 = tpu.memref_slice %arg8[%add3A_227, %dma_wait3A_235] : memref<20000x128xf32, #tpu.memory_space<hbm>> -> memref<80x128xf32, #tpu.memory_space<hbm>>
        tpu.wait_dma2 semaphore(%run_scoped3A : memref<!tpu.dma_semaphore, #tpu.memory_space<semaphore_mem>>) src(%arg15 : memref<80x128xf32, #tpu.memory_space<vmem>>) dst(%dma_wait3A_236 : memref<80x128xf32, #tpu.memory_space<hbm>>)
        tpu.yield
      }) : () -> ()
      "tpu.region"() ({
        %run_scoped3A = tpu.sem_alloc : memref<!tpu.dma_semaphore, #tpu.memory_space<semaphore_mem>>
        %dma_start3A = arith.constant 0 : i32
        %dma_start3A_231 = tpu.memref_slice %arg19[%mul3A_224, %dma_start3A] : memref<10000x16xf32, #tpu.memory_space<vmem_shared>> -> memref<80x16xf32, #tpu.memory_space<vmem_shared>>
        %dma_start3A_232 = arith.constant 0 : i32
        %dma_start3A_233 = tpu.memref_slice %arg19[%mul3A_224, %dma_start3A_232] : memref<10000x16xf32, #tpu.memory_space<vmem_shared>> -> memref<80x16xf32, #tpu.memory_space<vmem_shared>>
        tpu.enqueue_dma source(%dma_start3A_233 : memref<80x16xf32, #tpu.memory_space<vmem_shared>>) target(%arg16 : memref<80x16xf32, #tpu.memory_space<vmem>>) target_semaphore(%run_scoped3A : memref<!tpu.dma_semaphore, #tpu.memory_space<semaphore_mem>>)
        %dma_wait3A = arith.constant 0 : i32
        %dma_wait3A_234 = tpu.memref_slice %arg19[%mul3A_224, %dma_wait3A] : memref<10000x16xf32, #tpu.memory_space<vmem_shared>> -> memref<80x16xf32, #tpu.memory_space<vmem_shared>>
        %dma_wait3A_235 = arith.constant 0 : i32
        %dma_wait3A_236 = tpu.memref_slice %arg19[%mul3A_224, %dma_wait3A_235] : memref<10000x16xf32, #tpu.memory_space<vmem_shared>> -> memref<80x16xf32, #tpu.memory_space<vmem_shared>>
        tpu.wait_dma2 semaphore(%run_scoped3A : memref<!tpu.dma_semaphore, #tpu.memory_space<semaphore_mem>>) src(%dma_wait3A_236 : memref<80x16xf32, #tpu.memory_space<vmem_shared>>) dst(%arg16 : memref<80x16xf32, #tpu.memory_space<vmem>>)
        tpu.yield
      }) : () -> ()
      %mul3A_228 = arith.constant 10000 : i32
      %mul3A_229 = arith.muli %arg0, %mul3A_228 : i32
      %add3A_230 = arith.addi %mul3A_229, %mul3A_224 : i32
      "tpu.region"() ({
        %run_scoped3A = tpu.sem_alloc : memref<!tpu.dma_semaphore, #tpu.memory_space<semaphore_mem>>
        %dma_start3A = arith.constant 0 : i32
        %dma_start3A_231 = tpu.memref_slice %arg9[%add3A_230, %dma_start3A] : memref<20000x16xf32, #tpu.memory_space<hbm>> -> memref<80x16xf32, #tpu.memory_space<hbm>>
        %dma_start3A_232 = arith.constant 0 : i32
        %dma_start3A_233 = tpu.memref_slice %arg9[%add3A_230, %dma_start3A_232] : memref<20000x16xf32, #tpu.memory_space<hbm>> -> memref<80x16xf32, #tpu.memory_space<hbm>>
        tpu.enqueue_dma source(%arg16 : memref<80x16xf32, #tpu.memory_space<vmem>>) target(%dma_start3A_233 : memref<80x16xf32, #tpu.memory_space<hbm>>) target_semaphore(%run_scoped3A : memref<!tpu.dma_semaphore, #tpu.memory_space<semaphore_mem>>)
        %dma_wait3A = arith.constant 0 : i32
        %dma_wait3A_234 = tpu.memref_slice %arg9[%add3A_230, %dma_wait3A] : memref<20000x16xf32, #tpu.memory_space<hbm>> -> memref<80x16xf32, #tpu.memory_space<hbm>>
        %dma_wait3A_235 = arith.constant 0 : i32
        %dma_wait3A_236 = tpu.memref_slice %arg9[%add3A_230, %dma_wait3A_235] : memref<20000x16xf32, #tpu.memory_space<hbm>> -> memref<80x16xf32, #tpu.memory_space<hbm>>
        tpu.wait_dma2 semaphore(%run_scoped3A : memref<!tpu.dma_semaphore, #tpu.memory_space<semaphore_mem>>) src(%arg16 : memref<80x16xf32, #tpu.memory_space<vmem>>) dst(%dma_wait3A_236 : memref<80x16xf32, #tpu.memory_space<hbm>>)
        tpu.yield
      }) : () -> ()
    } else {
    }
    %add3A_216 = arith.constant 112 : i32
    %add3A_217 = arith.addi %arg1, %add3A_216 : i32
    %lt3A_218 = arith.constant 125 : i32
    %lt3A_219 = arith.cmpi slt, %add3A_217, %lt3A_218 : i32
    %convert_element_type3A_220 = arith.extui %lt3A_219 : i1 to i32
    %cond3A_221 = arith.constant 0 : i32
    %cond3A_222 = arith.cmpi ne, %convert_element_type3A_220, %cond3A_221 : i32
    scf.if %cond3A_222 {
      %mul3A_223 = arith.constant 80 : i32
      %mul3A_224 = arith.muli %add3A_217, %mul3A_223 : i32
      "tpu.region"() ({
        %run_scoped3A = tpu.sem_alloc : memref<!tpu.dma_semaphore, #tpu.memory_space<semaphore_mem>>
        %dma_start3A = arith.constant 0 : i32
        %dma_start3A_231 = tpu.memref_slice %arg18[%mul3A_224, %dma_start3A] : memref<10000x128xf32, #tpu.memory_space<vmem_shared>> -> memref<80x128xf32, #tpu.memory_space<vmem_shared>>
        %dma_start3A_232 = arith.constant 0 : i32
        %dma_start3A_233 = tpu.memref_slice %arg18[%mul3A_224, %dma_start3A_232] : memref<10000x128xf32, #tpu.memory_space<vmem_shared>> -> memref<80x128xf32, #tpu.memory_space<vmem_shared>>
        tpu.enqueue_dma source(%dma_start3A_233 : memref<80x128xf32, #tpu.memory_space<vmem_shared>>) target(%arg15 : memref<80x128xf32, #tpu.memory_space<vmem>>) target_semaphore(%run_scoped3A : memref<!tpu.dma_semaphore, #tpu.memory_space<semaphore_mem>>)
        %dma_wait3A = arith.constant 0 : i32
        %dma_wait3A_234 = tpu.memref_slice %arg18[%mul3A_224, %dma_wait3A] : memref<10000x128xf32, #tpu.memory_space<vmem_shared>> -> memref<80x128xf32, #tpu.memory_space<vmem_shared>>
        %dma_wait3A_235 = arith.constant 0 : i32
        %dma_wait3A_236 = tpu.memref_slice %arg18[%mul3A_224, %dma_wait3A_235] : memref<10000x128xf32, #tpu.memory_space<vmem_shared>> -> memref<80x128xf32, #tpu.memory_space<vmem_shared>>
        tpu.wait_dma2 semaphore(%run_scoped3A : memref<!tpu.dma_semaphore, #tpu.memory_space<semaphore_mem>>) src(%dma_wait3A_236 : memref<80x128xf32, #tpu.memory_space<vmem_shared>>) dst(%arg15 : memref<80x128xf32, #tpu.memory_space<vmem>>)
        tpu.yield
      }) : () -> ()
      %mul3A_225 = arith.constant 10000 : i32
      %mul3A_226 = arith.muli %arg0, %mul3A_225 : i32
      %add3A_227 = arith.addi %mul3A_226, %mul3A_224 : i32
      "tpu.region"() ({
        %run_scoped3A = tpu.sem_alloc : memref<!tpu.dma_semaphore, #tpu.memory_space<semaphore_mem>>
        %dma_start3A = arith.constant 0 : i32
        %dma_start3A_231 = tpu.memref_slice %arg8[%add3A_227, %dma_start3A] : memref<20000x128xf32, #tpu.memory_space<hbm>> -> memref<80x128xf32, #tpu.memory_space<hbm>>
        %dma_start3A_232 = arith.constant 0 : i32
        %dma_start3A_233 = tpu.memref_slice %arg8[%add3A_227, %dma_start3A_232] : memref<20000x128xf32, #tpu.memory_space<hbm>> -> memref<80x128xf32, #tpu.memory_space<hbm>>
        tpu.enqueue_dma source(%arg15 : memref<80x128xf32, #tpu.memory_space<vmem>>) target(%dma_start3A_233 : memref<80x128xf32, #tpu.memory_space<hbm>>) target_semaphore(%run_scoped3A : memref<!tpu.dma_semaphore, #tpu.memory_space<semaphore_mem>>)
        %dma_wait3A = arith.constant 0 : i32
        %dma_wait3A_234 = tpu.memref_slice %arg8[%add3A_227, %dma_wait3A] : memref<20000x128xf32, #tpu.memory_space<hbm>> -> memref<80x128xf32, #tpu.memory_space<hbm>>
        %dma_wait3A_235 = arith.constant 0 : i32
        %dma_wait3A_236 = tpu.memref_slice %arg8[%add3A_227, %dma_wait3A_235] : memref<20000x128xf32, #tpu.memory_space<hbm>> -> memref<80x128xf32, #tpu.memory_space<hbm>>
        tpu.wait_dma2 semaphore(%run_scoped3A : memref<!tpu.dma_semaphore, #tpu.memory_space<semaphore_mem>>) src(%arg15 : memref<80x128xf32, #tpu.memory_space<vmem>>) dst(%dma_wait3A_236 : memref<80x128xf32, #tpu.memory_space<hbm>>)
        tpu.yield
      }) : () -> ()
      "tpu.region"() ({
        %run_scoped3A = tpu.sem_alloc : memref<!tpu.dma_semaphore, #tpu.memory_space<semaphore_mem>>
        %dma_start3A = arith.constant 0 : i32
        %dma_start3A_231 = tpu.memref_slice %arg19[%mul3A_224, %dma_start3A] : memref<10000x16xf32, #tpu.memory_space<vmem_shared>> -> memref<80x16xf32, #tpu.memory_space<vmem_shared>>
        %dma_start3A_232 = arith.constant 0 : i32
        %dma_start3A_233 = tpu.memref_slice %arg19[%mul3A_224, %dma_start3A_232] : memref<10000x16xf32, #tpu.memory_space<vmem_shared>> -> memref<80x16xf32, #tpu.memory_space<vmem_shared>>
        tpu.enqueue_dma source(%dma_start3A_233 : memref<80x16xf32, #tpu.memory_space<vmem_shared>>) target(%arg16 : memref<80x16xf32, #tpu.memory_space<vmem>>) target_semaphore(%run_scoped3A : memref<!tpu.dma_semaphore, #tpu.memory_space<semaphore_mem>>)
        %dma_wait3A = arith.constant 0 : i32
        %dma_wait3A_234 = tpu.memref_slice %arg19[%mul3A_224, %dma_wait3A] : memref<10000x16xf32, #tpu.memory_space<vmem_shared>> -> memref<80x16xf32, #tpu.memory_space<vmem_shared>>
        %dma_wait3A_235 = arith.constant 0 : i32
        %dma_wait3A_236 = tpu.memref_slice %arg19[%mul3A_224, %dma_wait3A_235] : memref<10000x16xf32, #tpu.memory_space<vmem_shared>> -> memref<80x16xf32, #tpu.memory_space<vmem_shared>>
        tpu.wait_dma2 semaphore(%run_scoped3A : memref<!tpu.dma_semaphore, #tpu.memory_space<semaphore_mem>>) src(%dma_wait3A_236 : memref<80x16xf32, #tpu.memory_space<vmem_shared>>) dst(%arg16 : memref<80x16xf32, #tpu.memory_space<vmem>>)
        tpu.yield
      }) : () -> ()
      %mul3A_228 = arith.constant 10000 : i32
      %mul3A_229 = arith.muli %arg0, %mul3A_228 : i32
      %add3A_230 = arith.addi %mul3A_229, %mul3A_224 : i32
      "tpu.region"() ({
        %run_scoped3A = tpu.sem_alloc : memref<!tpu.dma_semaphore, #tpu.memory_space<semaphore_mem>>
        %dma_start3A = arith.constant 0 : i32
        %dma_start3A_231 = tpu.memref_slice %arg9[%add3A_230, %dma_start3A] : memref<20000x16xf32, #tpu.memory_space<hbm>> -> memref<80x16xf32, #tpu.memory_space<hbm>>
        %dma_start3A_232 = arith.constant 0 : i32
        %dma_start3A_233 = tpu.memref_slice %arg9[%add3A_230, %dma_start3A_232] : memref<20000x16xf32, #tpu.memory_space<hbm>> -> memref<80x16xf32, #tpu.memory_space<hbm>>
        tpu.enqueue_dma source(%arg16 : memref<80x16xf32, #tpu.memory_space<vmem>>) target(%dma_start3A_233 : memref<80x16xf32, #tpu.memory_space<hbm>>) target_semaphore(%run_scoped3A : memref<!tpu.dma_semaphore, #tpu.memory_space<semaphore_mem>>)
        %dma_wait3A = arith.constant 0 : i32
        %dma_wait3A_234 = tpu.memref_slice %arg9[%add3A_230, %dma_wait3A] : memref<20000x16xf32, #tpu.memory_space<hbm>> -> memref<80x16xf32, #tpu.memory_space<hbm>>
        %dma_wait3A_235 = arith.constant 0 : i32
        %dma_wait3A_236 = tpu.memref_slice %arg9[%add3A_230, %dma_wait3A_235] : memref<20000x16xf32, #tpu.memory_space<hbm>> -> memref<80x16xf32, #tpu.memory_space<hbm>>
        tpu.wait_dma2 semaphore(%run_scoped3A : memref<!tpu.dma_semaphore, #tpu.memory_space<semaphore_mem>>) src(%arg16 : memref<80x16xf32, #tpu.memory_space<vmem>>) dst(%dma_wait3A_236 : memref<80x16xf32, #tpu.memory_space<hbm>>)
        tpu.yield
      }) : () -> ()
    } else {
    }
    return
  }
}

module attributes {stable_mosaic.version = 14 : i64} {
  func.func @_proj_body(%arg0: i32, %arg1: memref<1000x128xf32, #tpu.memory_space<vmem>>, %arg2: memref<128x128xf32, #tpu.memory_space<vmem>>, %arg3: memref<1x128xf32, #tpu.memory_space<vmem>>, %arg4: memref<128x128xf32, #tpu.memory_space<vmem>>, %arg5: memref<1x128xf32, #tpu.memory_space<vmem>>, %arg6: memref<128x128xf32, #tpu.memory_space<vmem>>, %arg7: memref<1x128xf32, #tpu.memory_space<vmem>>, %arg8: memref<1000x128xbf16, #tpu.memory_space<vmem>>, %arg9: memref<1000x128xbf16, #tpu.memory_space<vmem>>, %arg10: memref<1000x128xf32, #tpu.memory_space<vmem>>) attributes {dimension_semantics = [#tpu.dimension_semantics<arbitrary>], iteration_bounds = array<i64: 10>, scalar_prefetch = 0 : i64, scratch_operands = 0 : i64, tpu.core_type = #tpu.core_type<tc>, window_params = [{transform_indices = @transform_0, window_bounds = array<i64: 1000, 128>}, {pipeline_mode = #tpu.pipeline_mode<synchronous>, transform_indices = @transform_1, window_bounds = array<i64: 128, 128>}, {pipeline_mode = #tpu.pipeline_mode<synchronous>, transform_indices = @transform_2, window_bounds = array<i64: 1, 128>}, {pipeline_mode = #tpu.pipeline_mode<synchronous>, transform_indices = @transform_3, window_bounds = array<i64: 128, 128>}, {pipeline_mode = #tpu.pipeline_mode<synchronous>, transform_indices = @transform_4, window_bounds = array<i64: 1, 128>}, {pipeline_mode = #tpu.pipeline_mode<synchronous>, transform_indices = @transform_5, window_bounds = array<i64: 128, 128>}, {pipeline_mode = #tpu.pipeline_mode<synchronous>, transform_indices = @transform_6, window_bounds = array<i64: 1, 128>}, {transform_indices = @transform_7, window_bounds = array<i64: 1000, 128>}, {transform_indices = @transform_8, window_bounds = array<i64: 1000, 128>}, {transform_indices = @transform_9, window_bounds = array<i64: 1000, 128>}]} {
    %get3A = arith.constant 0 : index
    %get3A_0 = arith.constant 0 : index
    %get3A_1 = vector.load %arg1[%get3A, %get3A_0] : memref<1000x128xf32, #tpu.memory_space<vmem>>, vector<1000x128xf32>
    %get3A_2 = arith.constant 0 : index
    %get3A_3 = arith.constant 0 : index
    %get3A_4 = vector.load %arg2[%get3A_2, %get3A_3] : memref<128x128xf32, #tpu.memory_space<vmem>>, vector<128x128xf32>
    %dot_general3A = arith.constant dense<0.000000e+00> : vector<1000x128xf32>
    %dot_general3A_5 = tpu.matmul %get3A_1, %get3A_4, %dot_general3A {dimension_numbers = #tpu.dot_dimension_numbers<[1], [0], [0], [1], [0, 0, 1, 1], [], []>, transpose_lhs_hint = false} : vector<1000x128xf32>, vector<128x128xf32>, vector<1000x128xf32> -> vector<1000x128xf32>
    %get3A_6 = arith.constant 0 : index
    %get3A_7 = arith.constant 0 : index
    %get3A_8 = vector.load %arg3[%get3A_6, %get3A_7] : memref<1x128xf32, #tpu.memory_space<vmem>>, vector<1x128xf32>
    %add3A = vector.broadcast %get3A_8 : vector<1x128xf32> to vector<1000x128xf32>
    %add3A_9 = arith.addf %dot_general3A_5, %add3A : vector<1000x128xf32>
    %convert_element_type3A = arith.truncf %add3A_9 : vector<1000x128xf32> to vector<1000x128xbf16>
    %swap3A = arith.constant 0 : index
    %swap3A_10 = arith.constant 0 : index
    %swap3A_11 = vector.load %arg8[%swap3A, %swap3A_10] : memref<1000x128xbf16, #tpu.memory_space<vmem>>, vector<1000x128xbf16>
    tpu.vector_store %arg8[%swap3A, %swap3A_10], %convert_element_type3A {strides = array<i32>} : memref<1000x128xbf16, #tpu.memory_space<vmem>>, vector<1000x128xbf16>,
    %get3A_12 = arith.constant 0 : index
    %get3A_13 = arith.constant 0 : index
    %get3A_14 = vector.load %arg4[%get3A_12, %get3A_13] : memref<128x128xf32, #tpu.memory_space<vmem>>, vector<128x128xf32>
    %dot_general3A_15 = arith.constant dense<0.000000e+00> : vector<1000x128xf32>
    %dot_general3A_16 = tpu.matmul %get3A_1, %get3A_14, %dot_general3A_15 {dimension_numbers = #tpu.dot_dimension_numbers<[1], [0], [0], [1], [0, 0, 1, 1], [], []>, transpose_lhs_hint = false} : vector<1000x128xf32>, vector<128x128xf32>, vector<1000x128xf32> -> vector<1000x128xf32>
    %get3A_17 = arith.constant 0 : index
    %get3A_18 = arith.constant 0 : index
    %get3A_19 = vector.load %arg5[%get3A_17, %get3A_18] : memref<1x128xf32, #tpu.memory_space<vmem>>, vector<1x128xf32>
    %add3A_20 = vector.broadcast %get3A_19 : vector<1x128xf32> to vector<1000x128xf32>
    %add3A_21 = arith.addf %dot_general3A_16, %add3A_20 : vector<1000x128xf32>
    %convert_element_type3A_22 = arith.truncf %add3A_21 : vector<1000x128xf32> to vector<1000x128xbf16>
    %swap3A_23 = arith.constant 0 : index
    %swap3A_24 = arith.constant 0 : index
    %swap3A_25 = vector.load %arg9[%swap3A_23, %swap3A_24] : memref<1000x128xbf16, #tpu.memory_space<vmem>>, vector<1000x128xbf16>
    tpu.vector_store %arg9[%swap3A_23, %swap3A_24], %convert_element_type3A_22 {strides = array<i32>} : memref<1000x128xbf16, #tpu.memory_space<vmem>>, vector<1000x128xbf16>,
    %get3A_26 = arith.constant 0 : index
    %get3A_27 = arith.constant 0 : index
    %get3A_28 = vector.load %arg6[%get3A_26, %get3A_27] : memref<128x128xf32, #tpu.memory_space<vmem>>, vector<128x128xf32>
    %dot_general3A_29 = arith.constant dense<0.000000e+00> : vector<1000x128xf32>
    %dot_general3A_30 = tpu.matmul %get3A_1, %get3A_28, %dot_general3A_29 {dimension_numbers = #tpu.dot_dimension_numbers<[1], [0], [0], [1], [0, 0, 1, 1], [], []>, transpose_lhs_hint = false} : vector<1000x128xf32>, vector<128x128xf32>, vector<1000x128xf32> -> vector<1000x128xf32>
    %get3A_31 = arith.constant 0 : index
    %get3A_32 = arith.constant 0 : index
    %get3A_33 = vector.load %arg7[%get3A_31, %get3A_32] : memref<1x128xf32, #tpu.memory_space<vmem>>, vector<1x128xf32>
    %add3A_34 = vector.broadcast %get3A_33 : vector<1x128xf32> to vector<1000x128xf32>
    %add3A_35 = arith.addf %dot_general3A_30, %add3A_34 : vector<1000x128xf32>
    %swap3A_36 = arith.constant 0 : index
    %swap3A_37 = arith.constant 0 : index
    %swap3A_38 = vector.load %arg10[%swap3A_36, %swap3A_37] : memref<1000x128xf32, #tpu.memory_space<vmem>>, vector<1000x128xf32>
    tpu.vector_store %arg10[%swap3A_36, %swap3A_37], %add3A_35 {strides = array<i32>} : memref<1000x128xf32, #tpu.memory_space<vmem>>, vector<1000x128xf32>,
    return
  }
  func.func @transform_0(%arg0: i32) -> (i32, i32) {
    %c0_i32 = arith.constant 0 : i32
    %c0_i32_0 = arith.constant 0 : i32
    return %arg0, %c0_i32 : i32, i32
  }
  func.func @transform_1(%arg0: i32) -> (i32, i32) {
    %c0_i32 = arith.constant 0 : i32
    %c0_i32_0 = arith.constant 0 : i32
    %c0_i32_1 = arith.constant 0 : i32
    return %c0_i32, %c0_i32_0 : i32, i32
  }
  func.func @transform_2(%arg0: i32) -> (i32, i32) {
    %c0_i32 = arith.constant 0 : i32
    %c0_i32_0 = arith.constant 0 : i32
    %c0_i32_1 = arith.constant 0 : i32
    return %c0_i32, %c0_i32_0 : i32, i32
  }
  func.func @transform_3(%arg0: i32) -> (i32, i32) {
    %c0_i32 = arith.constant 0 : i32
    %c0_i32_0 = arith.constant 0 : i32
    %c0_i32_1 = arith.constant 0 : i32
    return %c0_i32, %c0_i32_0 : i32, i32
  }
  func.func @transform_4(%arg0: i32) -> (i32, i32) {
    %c0_i32 = arith.constant 0 : i32
    %c0_i32_0 = arith.constant 0 : i32
    %c0_i32_1 = arith.constant 0 : i32
    return %c0_i32, %c0_i32_0 : i32, i32
  }
  func.func @transform_5(%arg0: i32) -> (i32, i32) {
    %c0_i32 = arith.constant 0 : i32
    %c0_i32_0 = arith.constant 0 : i32
    %c0_i32_1 = arith.constant 0 : i32
    return %c0_i32, %c0_i32_0 : i32, i32
  }
  func.func @transform_6(%arg0: i32) -> (i32, i32) {
    %c0_i32 = arith.constant 0 : i32
    %c0_i32_0 = arith.constant 0 : i32
    %c0_i32_1 = arith.constant 0 : i32
    return %c0_i32, %c0_i32_0 : i32, i32
  }
  func.func @transform_7(%arg0: i32) -> (i32, i32) {
    %c0_i32 = arith.constant 0 : i32
    %c0_i32_0 = arith.constant 0 : i32
    return %arg0, %c0_i32 : i32, i32
  }
  func.func @transform_8(%arg0: i32) -> (i32, i32) {
    %c0_i32 = arith.constant 0 : i32
    %c0_i32_0 = arith.constant 0 : i32
    return %arg0, %c0_i32 : i32, i32
  }
  func.func @transform_9(%arg0: i32) -> (i32, i32) {
    %c0_i32 = arith.constant 0 : i32
    %c0_i32_0 = arith.constant 0 : i32
    return %arg0, %c0_i32 : i32, i32
  }
}

module attributes {stable_mosaic.version = 14 : i64} {
  func.func @_edge_proj_body(%arg0: i32, %arg1: memref<4000x128xf32, #tpu.memory_space<vmem>>, %arg2: memref<128x128xf32, #tpu.memory_space<vmem>>, %arg3: memref<1x128xf32, #tpu.memory_space<vmem>>, %arg4: memref<4000x128xf32, #tpu.memory_space<vmem>>) attributes {dimension_semantics = [#tpu.dimension_semantics<arbitrary>], iteration_bounds = array<i64: 80>, scalar_prefetch = 0 : i64, scratch_operands = 0 : i64, tpu.core_type = #tpu.core_type<tc>, window_params = [{transform_indices = @transform_0, window_bounds = array<i64: 4000, 128>}, {pipeline_mode = #tpu.pipeline_mode<synchronous>, transform_indices = @transform_1, window_bounds = array<i64: 128, 128>}, {pipeline_mode = #tpu.pipeline_mode<synchronous>, transform_indices = @transform_2, window_bounds = array<i64: 1, 128>}, {transform_indices = @transform_3, window_bounds = array<i64: 4000, 128>}]} {
    %get3A = arith.constant 0 : index
    %get3A_0 = arith.constant 0 : index
    %get3A_1 = vector.load %arg1[%get3A, %get3A_0] : memref<4000x128xf32, #tpu.memory_space<vmem>>, vector<4000x128xf32>
    %get3A_2 = arith.constant 0 : index
    %get3A_3 = arith.constant 0 : index
    %get3A_4 = vector.load %arg2[%get3A_2, %get3A_3] : memref<128x128xf32, #tpu.memory_space<vmem>>, vector<128x128xf32>
    %dot_general3A = arith.constant dense<0.000000e+00> : vector<4000x128xf32>
    %dot_general3A_5 = tpu.matmul %get3A_1, %get3A_4, %dot_general3A {dimension_numbers = #tpu.dot_dimension_numbers<[1], [0], [0], [1], [0, 0, 1, 1], [], []>, transpose_lhs_hint = false} : vector<4000x128xf32>, vector<128x128xf32>, vector<4000x128xf32> -> vector<4000x128xf32>
    %get3A_6 = arith.constant 0 : index
    %get3A_7 = arith.constant 0 : index
    %get3A_8 = vector.load %arg3[%get3A_6, %get3A_7] : memref<1x128xf32, #tpu.memory_space<vmem>>, vector<1x128xf32>
    %add3A = vector.broadcast %get3A_8 : vector<1x128xf32> to vector<4000x128xf32>
    %add3A_9 = arith.addf %dot_general3A_5, %add3A : vector<4000x128xf32>
    %swap3A = arith.constant 0 : index
    %swap3A_10 = arith.constant 0 : index
    %swap3A_11 = vector.load %arg4[%swap3A, %swap3A_10] : memref<4000x128xf32, #tpu.memory_space<vmem>>, vector<4000x128xf32>
    tpu.vector_store %arg4[%swap3A, %swap3A_10], %add3A_9 {strides = array<i32>} : memref<4000x128xf32, #tpu.memory_space<vmem>>, vector<4000x128xf32>,
    return
  }
  func.func @transform_0(%arg0: i32) -> (i32, i32) {
    %c0_i32 = arith.constant 0 : i32
    %c0_i32_0 = arith.constant 0 : i32
    return %arg0, %c0_i32 : i32, i32
  }
  func.func @transform_1(%arg0: i32) -> (i32, i32) {
    %c0_i32 = arith.constant 0 : i32
    %c0_i32_0 = arith.constant 0 : i32
    %c0_i32_1 = arith.constant 0 : i32
    return %c0_i32, %c0_i32_0 : i32, i32
  }
  func.func @transform_2(%arg0: i32) -> (i32, i32) {
    %c0_i32 = arith.constant 0 : i32
    %c0_i32_0 = arith.constant 0 : i32
    %c0_i32_1 = arith.constant 0 : i32
    return %c0_i32, %c0_i32_0 : i32, i32
  }
  func.func @transform_3(%arg0: i32) -> (i32, i32) {
    %c0_i32 = arith.constant 0 : i32
    %c0_i32_0 = arith.constant 0 : i32
    return %arg0, %c0_i32 : i32, i32
  }
}

module attributes {stable_mosaic.version = 14 : i64} {
  func.func @_final_body(%arg0: i32, %arg1: memref<2x1000x128xf32, #tpu.memory_space<vmem>>, %arg2: memref<2x1000x16xf32, #tpu.memory_space<vmem>>, %arg3: memref<1000x128xf32, #tpu.memory_space<vmem>>) attributes {dimension_semantics = [#tpu.dimension_semantics<arbitrary>], iteration_bounds = array<i64: 10>, scalar_prefetch = 0 : i64, scratch_operands = 0 : i64, tpu.core_type = #tpu.core_type<tc>, window_params = [{transform_indices = @transform_0, window_bounds = array<i64: 2, 1000, 128>}, {transform_indices = @transform_1, window_bounds = array<i64: 2, 1000, 16>}, {transform_indices = @transform_2, window_bounds = array<i64: 1000, 128>}]} {
    %get3A = arith.constant 0 : index
    %get3A_0 = arith.constant 0 : index
    %get3A_1 = arith.constant 0 : index
    %get3A_2 = vector.load %arg1[%get3A, %get3A_0, %get3A_1] : memref<2x1000x128xf32, #tpu.memory_space<vmem>>, vector<1x1000x128xf32>
    %get3A_3 = vector.shape_cast %get3A_2 : vector<1x1000x128xf32> to vector<1000x128xf32>
    %get3A_4 = arith.constant 1 : index
    %get3A_5 = arith.constant 0 : index
    %get3A_6 = arith.constant 0 : index
    %get3A_7 = vector.load %arg1[%get3A_4, %get3A_5, %get3A_6] : memref<2x1000x128xf32, #tpu.memory_space<vmem>>, vector<1x1000x128xf32>
    %get3A_8 = vector.shape_cast %get3A_7 : vector<1x1000x128xf32> to vector<1000x128xf32>
    %add3A = arith.addf %get3A_3, %get3A_8 : vector<1000x128xf32>
    %get3A_9 = arith.constant 0 : index
    %get3A_10 = arith.constant 0 : index
    %get3A_11 = arith.constant 0 : index
    %get3A_12 = vector.load %arg2[%get3A_9, %get3A_10, %get3A_11] : memref<2x1000x16xf32, #tpu.memory_space<vmem>>, vector<1x1000x16xf32>
    %get3A_13 = vector.shape_cast %get3A_12 : vector<1x1000x16xf32> to vector<1000x16xf32>
    %get3A_14 = arith.constant 1 : index
    %get3A_15 = arith.constant 0 : index
    %get3A_16 = arith.constant 0 : index
    %get3A_17 = vector.load %arg2[%get3A_14, %get3A_15, %get3A_16] : memref<2x1000x16xf32, #tpu.memory_space<vmem>>, vector<1x1000x16xf32>
    %get3A_18 = vector.shape_cast %get3A_17 : vector<1x1000x16xf32> to vector<1000x16xf32>
    %add3A_19 = arith.addf %get3A_13, %get3A_18 : vector<1000x16xf32>
    %slice3A = vector.extract_strided_slice %add3A_19 {offsets = [0, 0], sizes = [1000, 1], strides = [1, 1]} : vector<1000x16xf32> to vector<1000x1xf32>
    %add3A_20 = arith.constant 9.99999971E-10 : f32
    %add3A_21 = vector.broadcast %add3A_20 : f32 to vector<1000x1xf32>
    %add3A_22 = arith.addf %slice3A, %add3A_21 : vector<1000x1xf32>
    %slice3A_23 = vector.extract_strided_slice %add3A {offsets = [0, 0], sizes = [1000, 16], strides = [1, 1]} : vector<1000x128xf32> to vector<1000x16xf32>
    %div3A = vector.broadcast %add3A_22 : vector<1000x1xf32> to vector<1000x16xf32>
    %div3A_24 = arith.divf %slice3A_23, %div3A : vector<1000x16xf32>
    %swap3A = arith.constant 0 : index
    %swap3A_25 = arith.constant 0 : index
    %swap3A_26 = vector.load %arg3[%swap3A, %swap3A_25] : memref<1000x128xf32, #tpu.memory_space<vmem>>, vector<1000x16xf32>
    tpu.vector_store %arg3[%swap3A, %swap3A_25], %div3A_24 {strides = array<i32>} : memref<1000x128xf32, #tpu.memory_space<vmem>>, vector<1000x16xf32>,
    %slice3A_27 = vector.extract_strided_slice %add3A_19 {offsets = [0, 1], sizes = [1000, 1], strides = [1, 1]} : vector<1000x16xf32> to vector<1000x1xf32>
    %add3A_28 = arith.constant 9.99999971E-10 : f32
    %add3A_29 = vector.broadcast %add3A_28 : f32 to vector<1000x1xf32>
    %add3A_30 = arith.addf %slice3A_27, %add3A_29 : vector<1000x1xf32>
    %slice3A_31 = vector.extract_strided_slice %add3A {offsets = [0, 16], sizes = [1000, 16], strides = [1, 1]} : vector<1000x128xf32> to vector<1000x16xf32>
    %div3A_32 = vector.broadcast %add3A_30 : vector<1000x1xf32> to vector<1000x16xf32>
    %div3A_33 = arith.divf %slice3A_31, %div3A_32 : vector<1000x16xf32>
    %swap3A_34 = arith.constant 0 : index
    %swap3A_35 = arith.constant 16 : index
    %swap3A_36 = vector.load %arg3[%swap3A_34, %swap3A_35] : memref<1000x128xf32, #tpu.memory_space<vmem>>, vector<1000x16xf32>
    tpu.vector_store %arg3[%swap3A_34, %swap3A_35], %div3A_33 {strides = array<i32>} : memref<1000x128xf32, #tpu.memory_space<vmem>>, vector<1000x16xf32>,
    %slice3A_37 = vector.extract_strided_slice %add3A_19 {offsets = [0, 2], sizes = [1000, 1], strides = [1, 1]} : vector<1000x16xf32> to vector<1000x1xf32>
    %add3A_38 = arith.constant 9.99999971E-10 : f32
    %add3A_39 = vector.broadcast %add3A_38 : f32 to vector<1000x1xf32>
    %add3A_40 = arith.addf %slice3A_37, %add3A_39 : vector<1000x1xf32>
    %slice3A_41 = vector.extract_strided_slice %add3A {offsets = [0, 32], sizes = [1000, 16], strides = [1, 1]} : vector<1000x128xf32> to vector<1000x16xf32>
    %div3A_42 = vector.broadcast %add3A_40 : vector<1000x1xf32> to vector<1000x16xf32>
    %div3A_43 = arith.divf %slice3A_41, %div3A_42 : vector<1000x16xf32>
    %swap3A_44 = arith.constant 0 : index
    %swap3A_45 = arith.constant 32 : index
    %swap3A_46 = vector.load %arg3[%swap3A_44, %swap3A_45] : memref<1000x128xf32, #tpu.memory_space<vmem>>, vector<1000x16xf32>
    tpu.vector_store %arg3[%swap3A_44, %swap3A_45], %div3A_43 {strides = array<i32>} : memref<1000x128xf32, #tpu.memory_space<vmem>>, vector<1000x16xf32>,
    %slice3A_47 = vector.extract_strided_slice %add3A_19 {offsets = [0, 3], sizes = [1000, 1], strides = [1, 1]} : vector<1000x16xf32> to vector<1000x1xf32>
    %add3A_48 = arith.constant 9.99999971E-10 : f32
    %add3A_49 = vector.broadcast %add3A_48 : f32 to vector<1000x1xf32>
    %add3A_50 = arith.addf %slice3A_47, %add3A_49 : vector<1000x1xf32>
    %slice3A_51 = vector.extract_strided_slice %add3A {offsets = [0, 48], sizes = [1000, 16], strides = [1, 1]} : vector<1000x128xf32> to vector<1000x16xf32>
    %div3A_52 = vector.broadcast %add3A_50 : vector<1000x1xf32> to vector<1000x16xf32>
    %div3A_53 = arith.divf %slice3A_51, %div3A_52 : vector<1000x16xf32>
    %swap3A_54 = arith.constant 0 : index
    %swap3A_55 = arith.constant 48 : index
    %swap3A_56 = vector.load %arg3[%swap3A_54, %swap3A_55] : memref<1000x128xf32, #tpu.memory_space<vmem>>, vector<1000x16xf32>
    tpu.vector_store %arg3[%swap3A_54, %swap3A_55], %div3A_53 {strides = array<i32>} : memref<1000x128xf32, #tpu.memory_space<vmem>>, vector<1000x16xf32>,
    %slice3A_57 = vector.extract_strided_slice %add3A_19 {offsets = [0, 4], sizes = [1000, 1], strides = [1, 1]} : vector<1000x16xf32> to vector<1000x1xf32>
    %add3A_58 = arith.constant 9.99999971E-10 : f32
    %add3A_59 = vector.broadcast %add3A_58 : f32 to vector<1000x1xf32>
    %add3A_60 = arith.addf %slice3A_57, %add3A_59 : vector<1000x1xf32>
    %slice3A_61 = vector.extract_strided_slice %add3A {offsets = [0, 64], sizes = [1000, 16], strides = [1, 1]} : vector<1000x128xf32> to vector<1000x16xf32>
    %div3A_62 = vector.broadcast %add3A_60 : vector<1000x1xf32> to vector<1000x16xf32>
    %div3A_63 = arith.divf %slice3A_61, %div3A_62 : vector<1000x16xf32>
    %swap3A_64 = arith.constant 0 : index
    %swap3A_65 = arith.constant 64 : index
    %swap3A_66 = vector.load %arg3[%swap3A_64, %swap3A_65] : memref<1000x128xf32, #tpu.memory_space<vmem>>, vector<1000x16xf32>
    tpu.vector_store %arg3[%swap3A_64, %swap3A_65], %div3A_63 {strides = array<i32>} : memref<1000x128xf32, #tpu.memory_space<vmem>>, vector<1000x16xf32>,
    %slice3A_67 = vector.extract_strided_slice %add3A_19 {offsets = [0, 5], sizes = [1000, 1], strides = [1, 1]} : vector<1000x16xf32> to vector<1000x1xf32>
    %add3A_68 = arith.constant 9.99999971E-10 : f32
    %add3A_69 = vector.broadcast %add3A_68 : f32 to vector<1000x1xf32>
    %add3A_70 = arith.addf %slice3A_67, %add3A_69 : vector<1000x1xf32>
    %slice3A_71 = vector.extract_strided_slice %add3A {offsets = [0, 80], sizes = [1000, 16], strides = [1, 1]} : vector<1000x128xf32> to vector<1000x16xf32>
    %div3A_72 = vector.broadcast %add3A_70 : vector<1000x1xf32> to vector<1000x16xf32>
    %div3A_73 = arith.divf %slice3A_71, %div3A_72 : vector<1000x16xf32>
    %swap3A_74 = arith.constant 0 : index
    %swap3A_75 = arith.constant 80 : index
    %swap3A_76 = vector.load %arg3[%swap3A_74, %swap3A_75] : memref<1000x128xf32, #tpu.memory_space<vmem>>, vector<1000x16xf32>
    tpu.vector_store %arg3[%swap3A_74, %swap3A_75], %div3A_73 {strides = array<i32>} : memref<1000x128xf32, #tpu.memory_space<vmem>>, vector<1000x16xf32>,
    %slice3A_77 = vector.extract_strided_slice %add3A_19 {offsets = [0, 6], sizes = [1000, 1], strides = [1, 1]} : vector<1000x16xf32> to vector<1000x1xf32>
    %add3A_78 = arith.constant 9.99999971E-10 : f32
    %add3A_79 = vector.broadcast %add3A_78 : f32 to vector<1000x1xf32>
    %add3A_80 = arith.addf %slice3A_77, %add3A_79 : vector<1000x1xf32>
    %slice3A_81 = vector.extract_strided_slice %add3A {offsets = [0, 96], sizes = [1000, 16], strides = [1, 1]} : vector<1000x128xf32> to vector<1000x16xf32>
    %div3A_82 = vector.broadcast %add3A_80 : vector<1000x1xf32> to vector<1000x16xf32>
    %div3A_83 = arith.divf %slice3A_81, %div3A_82 : vector<1000x16xf32>
    %swap3A_84 = arith.constant 0 : index
    %swap3A_85 = arith.constant 96 : index
    %swap3A_86 = vector.load %arg3[%swap3A_84, %swap3A_85] : memref<1000x128xf32, #tpu.memory_space<vmem>>, vector<1000x16xf32>
    tpu.vector_store %arg3[%swap3A_84, %swap3A_85], %div3A_83 {strides = array<i32>} : memref<1000x128xf32, #tpu.memory_space<vmem>>, vector<1000x16xf32>,
    %slice3A_87 = vector.extract_strided_slice %add3A_19 {offsets = [0, 7], sizes = [1000, 1], strides = [1, 1]} : vector<1000x16xf32> to vector<1000x1xf32>
    %add3A_88 = arith.constant 9.99999971E-10 : f32
    %add3A_89 = vector.broadcast %add3A_88 : f32 to vector<1000x1xf32>
    %add3A_90 = arith.addf %slice3A_87, %add3A_89 : vector<1000x1xf32>
    %slice3A_91 = vector.extract_strided_slice %add3A {offsets = [0, 112], sizes = [1000, 16], strides = [1, 1]} : vector<1000x128xf32> to vector<1000x16xf32>
    %div3A_92 = vector.broadcast %add3A_90 : vector<1000x1xf32> to vector<1000x16xf32>
    %div3A_93 = arith.divf %slice3A_91, %div3A_92 : vector<1000x16xf32>
    %swap3A_94 = arith.constant 0 : index
    %swap3A_95 = arith.constant 112 : index
    %swap3A_96 = vector.load %arg3[%swap3A_94, %swap3A_95] : memref<1000x128xf32, #tpu.memory_space<vmem>>, vector<1000x16xf32>
    tpu.vector_store %arg3[%swap3A_94, %swap3A_95], %div3A_93 {strides = array<i32>} : memref<1000x128xf32, #tpu.memory_space<vmem>>, vector<1000x16xf32>,
    return
  }
  func.func @transform_0(%arg0: i32) -> (i32, i32, i32) {
    %c0_i32 = arith.constant 0 : i32
    %c0_i32_0 = arith.constant 0 : i32
    %c0_i32_1 = arith.constant 0 : i32
    return %c0_i32, %arg0, %c0_i32_0 : i32, i32, i32
  }
  func.func @transform_1(%arg0: i32) -> (i32, i32, i32) {
    %c0_i32 = arith.constant 0 : i32
    %c0_i32_0 = arith.constant 0 : i32
    %c0_i32_1 = arith.constant 0 : i32
    return %c0_i32, %arg0, %c0_i32_0 : i32, i32, i32
  }
  func.func @transform_2(%arg0: i32) -> (i32, i32) {
    %c0_i32 = arith.constant 0 : i32
    %c0_i32_0 = arith.constant 0 : i32
    return %arg0, %c0_i32 : i32, i32
  }
}

</mosaic_0001>

<sc_bundles>
// kernel: kernel.6.cloned.1.call-start
scs
__scs_entry_jumppad:
0x0: {  	(pc) =	sbr.rel $0x88, $3  }
0x1: {  	(tag) =	ssettag $0x0;
	lr =	simm.s32 $0x1  }
0x2: {  	[smem:$0x3F96] =	sst lr;
	_ =	strace $0xD0000000  }
0x3: {  	_ = 	snop  }
0x4: {  	_ = 	snop  }
0x5: {  	_ = 	snop  }
0x6: {  	_ = 	snop  }
0x7: {  	_ = 	snop  }
__scs_overlays_trampoline_lowered:
0x8: {  	[smem:$0x3FA5] =	sst s0  }
0x9: {  	[smem:$0x3FA6] =	sst s1  }
0xa: {  	[smem:$0x3FA7] =	sst s2  }
0xb: {  	[smem:$0x3FA8] =	sst s3  }
0xc: {  	[smem:$0x3FA9] =	sst s4  }
0xd: {  	[smem:$0x3FAA] =	sst s5  }
0xe: {  	[smem:$0x3FAB] =	sst s6  }
0xf: {  	[smem:$0x3FAC] =	sst s7  }
0x10: {  	[smem:$0x3FAD] =	sst s8  }
0x11: {  	[smem:$0x3FAE] =	sst s9;
	s0 =	simm.s32 @!p0 $0x0  }
0x12: {  	s1 =	sld [smem:$0x3F94];
	s0 =	simm.s32 @p0 $0x1  }
0x13: {  	[smem:$0x3FAF] =	sst s0;
	s0 =	simm.s32 @!p1 $0x0  }
0x14: {  	s2 =	sld [smem:$0x3F93];
	s0 =	simm.s32 @p1 $0x1  }
0x15: {  	[smem:$0x3FB0] =	sst s0;
	s0 =	simm.s32 @!p2 $0x0  }
0x16: {  	s3 =	sld [smem:$0x3FDB];
	s0 =	simm.s32 @p2 $0x1  }
0x17: {  	s4 =	simm.s32 $0x1BF5;
	[smem:$0x3FB2] =	sst s0  }
0x18: {  	s0 =	sld [smem:$0x3F95];
	_ =	swait.ge [sflag:s4], $0x0  }
0x19: {  	s7 =	sld [smem:$0x3F96]  }
0x1a: {  	s8 =	sadd.s32 $0xFFFFE003, lr  }
0x1b: {  	s9 =	sadd.s32 $0xFFFFFEF7, lr;
	s5 =	simm.s32 $0xFFFFFFFF;
	p2 =	slt.u32 s8, $0xFFFFF086  }
0x1c: {  	p1 =	slt.u32 s9, $0xF7A;
	s5 =	simm.s32 @!p2 $0x0  }
0x1d: {  	s5 =	simm.s32 @p1 $0x1;
	p0 =	seq.s32 s7, s2  }
0x1e: {  	s7 =	smul.u32 @!p0 $0xF7A, s2;
	p2 =	seq.s32 @!p0 s5, $0x0  }
0x1f: {  	s9 =	smul.u32 $0xF7A, s1;
	s8 =	simm.s32 @!p0 $0x1BF5;
	p2 =	por !p2, p0  }
0x20: {  	[sflag:s8] =	ssyncset.s32 @!p0 $0xFFFFF086;
	s6 =	sadd.s32 @!p0 s3, s7;
	s7 =	simm.s32 @!p0 $0x108  }
0x21: {  	s3 =	sadd.s32 s3, s9;
	s6 =	sadd.s32 @!p0 $0x88, s6;
	s7 =	simm.s32 @p2 $0x1082  }
0x22: {  	[simem:s7], [sflag:s8] =	dma.local @!p0 [hbm:s6], $0xF7A  }
0x23: {  	s9 =	sor.u32 $0xD0000000, s2;
	s6 =	simm.s32 $0x108;
	_ =	swait.ge @!p0 [sflag:s8], $0x0  }
0x24: {  	s3 =	sadd.s32 $0x88, s3;
	s6 =	simm.s32 @!p1 $0x1082;
	[sflag:s4] =	ssyncset.s32 $0xFFFFF086  }
0x25: {  	[simem:s6], [sflag:s4] =	dma.local [hbm:s3], $0xF7A  }
0x26: {  	[smem:$0x3F96] =	sst s1;
	(tag) =	ssettag s2;
	_ =	strace s9  }
0x27: {  	s1 =	sld [smem:$0x3FA6]  }
0x28: {  	s2 =	sld [smem:$0x3FA7]  }
0x29: {  	s4 =	sld [smem:$0x3FA9]  }
0x2a: {  	p0 =	seq.s32 s5, $0x0;
	s5 =	sld [smem:$0x3FAA]  }
0x2b: {  	s6 =	sld [smem:$0x3FAB]  }
0x2c: {  	s7 =	sld [smem:$0x3FAC]  }
0x2d: {  	s3 =	simm.s32 $0x108;
	s8 =	sld [smem:$0x3FAD]  }
0x2e: {  	s3 =	simm.s32 @!p0 $0x1082;
	s9 =	sld [smem:$0x3FAE]  }
0x2f: {  	lr =	sadd.s32 s0, s3;
	s0 =	sld [smem:$0x3FA5]  }
0x30: {  	s3 =	sld [smem:$0x3FA8]  }
0x31: {  	[smem:$0x3FB1] =	sst s10  }
0x32: {  	s10 =	sld [smem:$0x3FAF];
	_ =	sdelay $0x3  }
0x33: {  	p0 =	seq.s32 s10, $0x1;
	s10 =	sld [smem:$0x3FB1];
	_ =	sdelay $0x3  }
0x34: {  	[smem:$0x3FB1] =	sst s10  }
0x35: {  	s10 =	sld [smem:$0x3FB0];
	_ =	sdelay $0x3  }
0x36: {  	p1 =	seq.s32 s10, $0x1;
	s10 =	sld [smem:$0x3FB1];
	_ =	sdelay $0x3  }
0x37: {  	[smem:$0x3FB1] =	sst s10  }
0x38: {  	s10 =	sld [smem:$0x3FB2]  }
0x39: {  	_ = 	snop;
	(pc) =	sbr.ind lr, $3  }
0x3a: {  	_ = 	snop  }
0x3b: {  	_ = 	snop  }
0x3c: {  	p2 =	seq.s32 s10, $0x1;
	s10 =	sld [smem:$0x3FB1]  }
0x3d: {  	_ =	shalt  }
0x3e: {  	_ =	shalt  }
0x3f: {  	_ =	shalt  }
0x40: {  	_ =	shalt  }
0x41: {  	_ =	shalt  }
0x42: {  	_ =	shalt  }
0x43: {  	_ =	shalt  }
0x44: {  	_ =	shalt  }
0x45: {  	_ =	shalt  }
0x46: {  	_ =	shalt  }
0x47: {  	_ =	shalt  }
0x48: {  	_ =	shalt  }
0x49: {  	_ =	shalt  }
0x4a: {  	_ =	shalt  }
0x4b: {  	_ =	shalt  }
0x4c: {  	_ =	shalt  }
0x4d: {  	_ =	shalt  }
0x4e: {  	_ =	shalt  }
0x4f: {  	_ =	shalt  }
0x50: {  	_ =	shalt  }
0x51: {  	_ =	shalt  }
0x52: {  	_ =	shalt  }
0x53: {  	_ =	shalt  }
0x54: {  	_ =	shalt  }
0x55: {  	_ =	shalt  }
0x56: {  	_ =	shalt  }
0x57: {  	_ =	shalt  }
0x58: {  	_ =	shalt  }
0x59: {  	_ =	shalt  }
0x5a: {  	_ =	shalt  }
0x5b: {  	_ =	shalt  }
0x5c: {  	_ =	shalt  }
0x5d: {  	_ =	shalt  }
0x5e: {  	_ =	shalt  }
0x5f: {  	_ =	shalt  }
0x60: {  	_ =	shalt  }
0x61: {  	_ =	shalt  }
0x62: {  	_ =	shalt  }
0x63: {  	_ =	shalt  }
0x64: {  	_ =	shalt  }
0x65: {  	_ =	shalt  }
0x66: {  	_ =	shalt  }
0x67: {  	_ =	shalt  }
0x68: {  	_ =	shalt  }
0x69: {  	_ =	shalt  }
0x6a: {  	_ =	shalt  }
0x6b: {  	_ =	shalt  }
0x6c: {  	_ =	shalt  }
0x6d: {  	_ =	shalt  }
0x6e: {  	_ =	shalt  }
0x6f: {  	_ =	shalt  }
0x70: {  	_ =	shalt  }
0x71: {  	_ =	shalt  }
0x72: {  	_ =	shalt  }
0x73: {  	_ =	shalt  }
0x74: {  	_ =	shalt  }
0x75: {  	_ =	shalt  }
0x76: {  	_ =	shalt  }
0x77: {  	_ =	shalt  }
0x78: {  	_ =	shalt  }
0x79: {  	_ =	shalt  }
0x7a: {  	_ =	shalt  }
0x7b: {  	_ =	shalt  }
0x7c: {  	_ =	shalt  }
0x7d: {  	_ =	shalt  }
0x7e: {  	_ =	shalt  }
0x7f: {  	_ =	shalt  }
0x80: {  	_ =	shalt  }
0x81: {  	_ =	shalt  }
0x82: {  	_ =	shalt  }
0x83: {  	_ =	shalt  }
0x84: {  	_ =	shalt  }
0x85: {  	_ =	shalt  }
0x86: {  	_ =	shalt  }
0x87: {  	_ =	shalt  }
.Lfunc_end0:
.L_simem_size_0:
called_computation_lowered:
.L_overlay_start_0:
0x88: {  	s2 =	sld [smem:$0x3FD9]  }
0x89: {  	s3 =	sld [smem:$0x3FFE];
	_ =	sdelay $0x1  }
0x8a: {  	s1 =	srdreg.scid  }
0x8b: {  	s0 =	sand.u32 $0x1, s1  }
0x8c: {  	s17 =	sshll.u32 s0, $0xA;
	s2 =	sadd.s32 s3, s2  }
0x8d: {  	s2 =	sadd.s32 s2, s17  }
0x8e: {  	[smem:$0x3FBD] =	sst s2  }
0x8f: {  	_ = 	snop  }
0x90: {  	s2 =	sld [smem:$0x3FD0];
	(tm) =	ssettm $0x1  }
0x91: {  	s18 =	sld [smem:$0x3FFB];
	_ =	sdelay $0x3  }
0x92: {  	_ =	strace s18  }
0x93: {  	s3 =	sld [smem:$0x3FFC];
	_ =	sdelay $0x3  }
0x94: {  	_ =	strace s3  }
0x95: {  	s3 =	sld [smem:$0x3FFD];
	_ =	sdelay $0x3  }
0x96: {  	_ =	strace s3  }
0x97: {  	_ =	strace $0x8FFFFFFF  }
0x98: {  	s19 =	sld [smem:$0x3FDB];
	_ =	sdelay $0x1  }
0x99: {  	s4 =	simm.s32 $_scs_section_size  }
0x9a: {  	s5 =	simm.s32 $_size__tile_overlayer_lowered;
	s6 =	simm.s32 $_tile_overlayer_lowered  }
0x9b: {  	s22 =	simm.s32 $0x1BFF;
	s21 =	sshll.u32 s6, $0x1;
	s3 =	sadd.s32 s4, s19  }
0x9c: {  	s7 =	simm.s32 $0x0;
	s20 =	sshll.u32 s5, $0x1;
	s5 =	sadd.s32 s21, s3  }
0x9d: {  	[timem:s7], [sflag:s22] =	dma.local [hbm:s5], s20  }
0x9e: {  	_ =	swait.ge [sflag:s22], s20  }
0x9f: {  	s4 =	ssub.s32 $0x0, s20;
	[sflag:s22] =	ssyncset.done $0x0  }
0xa0: {  	[sflag:s22] =	ssyncadd.s32 s4;
	_ =	sdelay $0x1  }
0xa1: {  	s23 =	simm.s32 $0x1B8B  }
0xa2: {  	_ =	swait.ge [sflag:s23], $0x1  }
0xa3: {  	[sflag:s23] =	ssyncset.done $0x0  }
0xa4: {  	s25 =	simm.s32 $0x1B8E;
	s24 =	sld [smem:$0x3FFE];
	[sflag:s23] =	ssyncadd.s32 $0xFFFFFFFF  }
0xa5: {  	s26 =	simm.s32 $execute0_lowered;
	[smem:$0x3FD2] =	sst s25  }
0xa6: {  	s5 =	sshll.u32 s26, $0x1;
	_ =	strace $0x80000046;
	[dreg:$0x1] =	wrdreg $0xFFFFFFFF  }
0xa7: {  	s28 =	simm.s32 $_size_execute0_lowered;
	s3 =	sadd.s32 s3, s5;
	[dreg:$0x0] =	wrdreg $0x0  }
0xa8: {  	s5 =	sshll.u32 s28, $0x1;
	[dreg:$0x2] =	wrdreg s3  }
0xa9: {  	[dreg:$0x3] =	wrdreg s5  }
0xaa: {  	[dreg:$0x4] =	wrdreg $0xC0  }
0xab: {  	_ =	task [dreg:s7], $0x5FFFF  }
0xac: {  	[dreg:$0x1] =	wrdreg $0xFFFFFFFF  }
0xad: {  	[dreg:$0x0] =	wrdreg $0x60  }
0xae: {  	[dreg:$0x2] =	wrdreg s24  }
0xaf: {  	[dreg:$0x3] =	wrdreg s2  }
0xb0: {  	[dreg:$0x4] =	wrdreg $0x7DA00  }
0xb1: {  	[dreg:$0x5] =	wrdreg $0x1B6200  }
0xb2: {  	[dreg:$0x6] =	wrdreg $0x9  }
0xb3: {  	_ =	task.clear_ibuf [dreg:s7], $0x7FFFF;
	_ =	strace $0x90000046  }
0xb4: {  	s29 =	simm.s32 $0x9;
	_ =	strace $0x80000048  }
0xb5: {  	_ =	swait.ge [sflag:s29], $0x1  }
0xb6: {  	[sflag:s29] =	ssyncadd.s32 $0xFFFFFFFF  }
0xb7: {  	_ =	strace $0x90000048  }
0xb8: {  	_ =	sfence  }
0xb9: {  	s30 =	sld [smem:$0x0];
	_ =	sdelay $0x2  }
0xba: {  	s31 =	sshll.u32 s1, $0xD;
	s1 =	sshrl.u32 s1, $0x2  }
0xbb: {  	s3 =	sand.u32 $0x4000, s31;
	s1 =	sadd.s32 s1, s30  }
0xbc: {  	s0 =	sor.u32 s3, s0;
	s1 =	sshll.u32 s1, $0x11  }
0xbd: {  	s0 =	sor.u32 s1, s0  }
0xbe: {  	s0 =	sadd.s32 $0x8F2B, s0  }
0xbf: {  	[sflag:s0] =	ssyncadd.remote.s32 $0x1  }
0xc0: {  	_ =	sfence.sel $0xFFFF  }
0xc1: {  	[dreg:$0x0] =	wrdreg $0xFFFFFFFF;
	(pc) =	sbr.abs _section_cstart, $3  }
0xc2: {  	[dreg:$0x1] =	wrdreg $0xFFFFFFFF  }
0xc3: {  	_ =	task.clear_ibuf [dreg:s7], $0x2FFFF;
	_ =	strace $0x9FFFFFFF  }
0xc4: {  	(tm) =	ssettm $0x7FFFFFFF  }
0xc5: {  	_ =	shalt  }
tec
execute0_lowered:
.L_overlay_start_1:
0x0: {  	(tag) =	ssettag $0x1  }
0x1: {  	s0 =	srdreg.scid  }
0x2: {  	s8 =	rddreg [dreg:$0x0];
	s28 =	stileid.u32  }
0x3: {  	s29 =	simm.s32 $0x28A0;
	s2 =	sand.u32 $0x1, s0;
	s3 =	smul.u32 $0x50, s28  }
0x4: {  	s30 =	simm.s32 $0x1;
	s10 =	sor.u32 $0x10, s28;
	s7 =	smul.u32 $0x2710, s2  }
0x5: {  	s31 =	simm.s32 $0x0;
	s9 =	sor.u32 $0x20, s28;
	s13 =	smul.u32 $0x50, s10  }
0x6: {  	s11 =	sadd.s32 $0x528400, s8;
	s6 =	sor.u32 $0x30, s28;
	s15 =	smul.u32 $0x50, s9  }
0x7: {  	s21 =	sshll.u32 s28, $0x1;
	s5 =	sor.u32 $0x40, s28;
	s22 =	smul.u32 $0x50, s6  }
0x8: {  	s4 =	sor.u32 $0x50, s28;
	s0 =	ssub.s32 $0x2, s2;
	s16 =	smul.u32 $0x50, s5  }
0x9: {  	p0 =	sgt.u32 s28, $0xC;
	s19 =	smul.u32 $0x50, s4;
	s1 =	sshrl.u32 s0, $0x1  }
0xa: {  	s0 =	ssub.s32 s0, s1;
	s1 =	sor.u32 s2, s21;
	s12 =	sadd.s32 s3, s7  }
0xb: {  	s3 =	sor.u32 $0x60, s28;
	s2 =	sor.u32 $0x70, s28;
	s13 =	sadd.s32 s7, s13  }
0xc: {  	s15 =	sadd.s32 s7, s15;
	s16 =	sadd.s32 s7, s16;
	s19 =	sadd.s32 s7, s19  }
0xd: {  	s14 =	sshll.u32 s12, $0x4;
	s17 =	sshll.u32 s13, $0x4;
	s24 =	smul.u32 $0x50, s3  }
0xe: {  	s18 =	sshll.u32 s15, $0x4;
	s25 =	smul.u32 $0x50, s2;
	s14 =	sadd.s32 s11, s14  }
0xf: {  	s21 =	sshll.u32 s16, $0x4;
	s17 =	sadd.s32 s11, s17;
	[dreg:$0x5] =	wrdreg s14  }
0x10: {  	s26 =	sshll.u32 s19, $0x4;
	s23 =	sadd.s32 s11, s18;
	[dreg:$0x6] =	wrdreg s17  }
0x11: {  	s15 =	sshll.u32 s15, $0x1;
	s0 =	smax.u32 s0, $0x1;
	[dreg:$0x7] =	wrdreg s23  }
0x12: {  	s14 =	sadd.s32 s7, s22;
	s17 =	sadd.s32 s7, s24;
	s18 =	sadd.s32 s7, s25  }
0x13: {  	s22 =	sadd.s32 s11, s21;
	s7 =	sadd.s32 s11, s26;
	s25 =	sshll.u32 s12, $0x1  }
0x14: {  	s26 =	sshll.u32 s13, $0x1;
	s13 =	sadd.s32 $0x51E600, s8;
	[dreg:$0x9] =	wrdreg s22  }
0x15: {  	s21 =	sshll.u32 s16, $0x1;
	s20 =	sshll.u32 s14, $0x4;
	[dreg:$0xa] =	wrdreg s7  }
0x16: {  	s7 =	simm.s32 $0x0;
	s23 =	sshll.u32 s17, $0x4;
	s24 =	sshll.u32 s18, $0x4  }
0x17: {  	s12 =	sadd.s32 s13, s26;
	s22 =	sadd.s32 s13, s21;
	[smem:$0x7FF] =	sst s7  }
0x18: {  	s26 =	sshll.u32 s18, $0x1;
	[dreg:$0xe] =	wrdreg s12;
	s12 =	smul.u32 $0xA000, s10  }
0x19: {  	s20 =	sadd.s32 s11, s20;
	[dreg:$0x11] =	wrdreg s22;
	s10 =	smul.u32 $0x1400, s10  }
0x1a: {  	s22 =	sadd.s32 $0xB400, s8;
	[dreg:$0x8] =	wrdreg s20;
	s20 =	sadd.s32 s11, s23  }
0x1b: {  	s11 =	sadd.s32 s11, s24;
	s24 =	sshll.u32 s17, $0x1;
	s17 =	rddreg [dreg:$0x2]  }
0x1c: {  	s23 =	sshll.u32 s19, $0x1;
	s19 =	smul.u32 $0xA000, s9;
	[dreg:$0xb] =	wrdreg s20  }
0x1d: {  	s9 =	smul.u32 $0x1400, s9;
	[dreg:$0xc] =	wrdreg s11;
	s11 =	sadd.s32 s13, s25  }
0x1e: {  	s20 =	sshll.u32 s14, $0x1;
	s25 =	sadd.s32 s13, s24;
	[dreg:$0xd] =	wrdreg s11  }
0x1f: {  	s14 =	smul.u32 $0x1400, s28;
	s11 =	sadd.s32 s13, s15;
	s15 =	rddreg [dreg:$0x1]  }
0x20: {  	s24 =	sadd.s32 $0x15200, s8;
	[dreg:$0x13] =	wrdreg s25;
	s25 =	sadd.s32 $0x28C00, s8  }
0x21: {  	[dreg:$0xf] =	wrdreg s11;
	s21 =	sshrl.u32 s14, $0x2;
	s14 =	smul.u32 $0xA000, s6  }
0x22: {  	s11 =	sadd.s32 s13, s20;
	s20 =	rddreg [dreg:$0x3];
	s6 =	smul.u32 $0x1400, s6  }
0x23: {  	[dreg:$0x10] =	wrdreg s11;
	s11 =	sadd.s32 s13, s23;
	s23 =	sadd.s32 $0x1600, s8  }
0x24: {  	[dreg:$0x12] =	wrdreg s11;
	s11 =	sadd.s32 s13, s26;
	s13 =	smul.u32 $0xA000, s28  }
0x25: {  	s26 =	sadd.s32 $0x3C600, s8;
	s8 =	sadd.s32 s21, s20;
	s21 =	smul.u32 $0xA000, s5  }
0x26: {  	v0 =	vimm.s32 $0x76543210;
	s19 =	sshrl.u32 s19, $0x2;
	s9 =	sshrl.u32 s9, $0x2;
	s5 =	smul.u32 $0x1400, s5  }
0x27: {  	v1 =	vimm.s32 $0xBA98FEDC;
	v2 =	vimm.s32 $0x32107654;
	s6 =	sshrl.u32 s6, $0x2;
	s28 =	simm.s32 $0x14A0;
	[dreg:$0x14] =	wrdreg s11  }
0x28: {  	v3 =	vimm.s32 $0xFEDCBA98;
	vm0 =	vcmask $0x300;
	vm9 =	vcmask $0x704;
	s11 =	sshrl.u32 s14, $0x2;
	s6 =	sadd.s32 s6, s20;
	s14 =	smul.u32 $0xA000, s3  }
0x29: {  	vm10 =	vcmask $0xB08;
	vm11 =	vcmask $0xF0C;
	vm12 =	vcmask $0x1310;
	s3 =	smul.u32 $0x1400, s3;
	_ =	strace $0x80000047;
	s18 =	sshrl.u32 s13, $0x2  }
0x2a: {  	vm13 =	vcmask $0x1714;
	vm14 =	vcmask $0x1B18;
	vm15 =	vcmask $0x1F1C;
	[dreg:$0x15] =	wrdreg s8;
	s13 =	sshrl.u32 s12, $0x2;
	s12 =	smul.u32 $0xA000, s4  }
0x2b: {  	v13 =	vimm.s32 $0x0;
	v1 =	vunpack.c.l.s4.s8 v1;
	v2 =	vunpack.c.l.s4.s8 v2;
	s4 =	smul.u32 $0x1400, s4;
	[dreg:$0x1b] =	wrdreg s6;
	s5 =	sshrl.u32 s5, $0x2  }
0x2c: {  	v14 =	vimm.s32 $0x1;
	v0 =	vunpack.c.l.s4.s8 v0;
	v3 =	vunpack.c.l.s4.s8 v3;
	[smem:$0x7FC] =	sst s0;
	s16 =	sadd.s32 s18, s17;
	s8 =	sadd.s32 s13, s17  }
0x2d: {  	v15 =	vimm.s32 $0x2;
	v1 =	vunpack.c.0.s8.s32 v1;
	v2 =	vunpack.c.0.s8.s32 v2;
	s18 =	sshrl.u32 s10, $0x2;
	s13 =	sshrl.u32 s21, $0x2;
	s5 =	sadd.s32 s5, s20  }
0x2e: {  	v4 =	vunpack.c.0.s8.s32 v0;
	v0 =	vunpack.c.0.s8.s32 v3;
	v3 =	vimm.s32 $0x54761032;
	s3 =	sshrl.u32 s3, $0x2;
	[dreg:$0x16] =	wrdreg s8;
	s8 =	sadd.s32 s18, s20  }
0x2f: {  	v16 =	vimm.s32 $0x3;
	v17 =	vimm.s32 $0x4;
	v3 =	vunpack.c.l.s4.s8 v3;
	s6 =	sadd.s32 s13, s17;
	[dreg:$0x1d] =	wrdreg s5;
	s18 =	sshrl.u32 s12, $0x2  }
0x30: {  	v2 =	vcombine.low v2, v1;
	v1 =	vimm.s32 $0xDCFE98BA;
	v5 =	vand.u32 $0xF, v0;
	s4 =	sshrl.u32 s4, $0x2;
	s12 =	smul.u32 $0x2710, s1;
	[dreg:$0x17] =	wrdreg s8  }
0x31: {  	v6 =	vunpack.c.l.s4.s8 v1;
	v7 =	vunpack.c.0.s8.s32 v3;
	v3 =	vimm.s32 $0xEFCDAB89;
	s13 =	simm.s32 $0xA0;
	s8 =	sadd.s32 s19, s17;
	[dreg:$0x1c] =	wrdreg s6  }
0x32: {  	v1 =	vcombine.low v5, v4;
	v4 =	vunpack.c.l.s4.s8 v3;
	v3 =	vimm.s32 $0x67452301;
	s19 =	smul.u32 $0xA000, s2;
	s4 =	sadd.s32 s4, s20;
	[dreg:$0x18] =	wrdreg s8  }
0x33: {  	v18 =	vimm.s32 $0x5;
	v19 =	vimm.s32 $0x6;
	v5 =	vunpack.c.l.s4.s8 v3;
	s2 =	smul.u32 $0x1400, s2;
	s6 =	sadd.s32 s3, s20;
	[dreg:$0x1e] =	wrdreg s4  }
0x34: {  	v20 =	vimm.s32 $0x7;
	v0 =	vimm.f32 $0.0e+00;
	v6 =	vunpack.c.0.s8.s32 v6;
	s5 =	sadd.s32 s18, s17;
	s8 =	sadd.s32 s9, s20;
	[dreg:$0x1f] =	wrdreg s6  }
0x35: {  	v12 =	vsel vm15, $0x3F800000, v0;
	v8 =	vunpack.c.0.s8.s32 v4;
	v9 =	vunpack.c.0.s8.s32 v5;
	s18 =	simm.s32 $0x2;
	[dreg:$0x19] =	wrdreg s8;
	s8 =	sadd.s32 s11, s17  }
0x36: {  	v2 =	vand.u32 $0xF, v2;
	v3 =	vsel vm0, $0x3F800000, v0;
	v10 =	vcombine.low v7, v6;
	s21 =	sshrl.u32 s19, $0x2;
	s2 =	sshrl.u32 s2, $0x2;
	s19 =	simm.s32 $0x78A0  }
0x37: {  	v4 =	vsel vm9, $0x3F800000, v0;
	v5 =	vsel vm10, $0x3F800000, v0;
	v11 =	vcombine.low v9, v8;
	[dreg:$0x1a] =	wrdreg s8;
	s8 =	sshrl.u32 s14, $0x2;
	s2 =	sadd.s32 s2, s20  }
0x38: {  	v6 =	vsel vm11, $0x3F800000, v0;
	v7 =	vsel vm12, $0x3F800000, v0;
	v8 =	vand.u32 $0xF, v10;
	s4 =	sadd.s32 s21, s17;
	s14 =	simm.s32 $0x50A0;
	[smem:$0x7FB] =	sst s2  }
0x39: {  	v9 =	vsel vm13, $0x3F800000, v0;
	v10 =	vand.u32 $0xF, v11;
	v11 =	vsel vm14, $0x3F800000, v0;
	s21 =	simm.s32 $0x50;
	s8 =	sadd.s32 s8, s17;
	[smem:$0x7FD] =	sst s4  }
.LBB2_1:
0x3a: {  	s0 =	simm.s32 $0x50E0  }
0x3b: {  	[tilespmem:s0+$0xFFFFFFD0] =	vst v0  }
0x3c: {  	[tilespmem:s0+$0xFFFFFFE0] =	vst v0  }
0x3d: {  	[tilespmem:s0+$0xFFFFFFF0] =	vst v0  }
0x3e: {  	[tilespmem:s0+$0x0] =	vst v0  }
0x3f: {  	[tilespmem:s0+$0x10] =	vst v0  }
0x40: {  	[tilespmem:s0+$0x20] =	vst v0  }
0x41: {  	[tilespmem:s0+$0x30] =	vst v0  }
0x42: {  	s2 =	simm.s32 $0x0;
	s1 =	simm.s32 $0x40;
	[tilespmem:s0+$0xFFFFFFC0] =	vst v0  }
.LBB2_2:
0x43: {  	p1 =	sne.s32 s1, $0x13C0;
	[tilespmem:s2+$0x78A0] =	vst v0;
	s0 =	sadd.s32 $0x80, s0  }
0x44: {  	[tilespmem:s0+$0xFFFFFFD0] =	vst v0  }
0x45: {  	[tilespmem:s0+$0xFFFFFFE0] =	vst v0  }
0x46: {  	[tilespmem:s0+$0xFFFFFFF0] =	vst v0  }
.Ltmp0:
0x47: {  	[tilespmem:s0+$0x0] =	vst v0;
	(pc) =	sbr.rel @p1 .LBB2_2-.Ltmp0, $4  }
0x48: {  	[tilespmem:s0+$0x10] =	vst v0  }
0x49: {  	[tilespmem:s0+$0x20] =	vst v0  }
0x4a: {  	[tilespmem:s0+$0x30] =	vst v0  }
0x4b: {  	s2 =	sshra.s32 s1, $0x2;
	s1 =	sadd.s32 $0x40, s1;
	[tilespmem:s0+$0xFFFFFFC0] =	vst v0  }
0x4c: {  	[tilespmem:s2+$0x78A0] =	vst v0  }
0x4d: {  	[spmem:s16] =	stream.linear.scatter [tilespmem:s14], [sflag:$0x2], $0x2800, $0x38;
	[tilespmem:$0x1DD30] =	vst v63  }
0x4e: {  	_ =	swait.ge [sflag:s18], $0x2800  }
0x4f: {  	[sflag:s18] =	ssyncset.done $0x0  }
0x50: {  	s0 =	rddreg [dreg:$0x15];
	[sflag:s18] =	ssyncadd.s32 $0xFFFFD800  }
0x51: {  	[spmem:s0] =	stream.linear.scatter [tilespmem:s19], [sflag:$0x2], $0x500, $0x38;
	[tilespmem:$0x1DD30] =	vst v63  }
0x52: {  	_ =	swait.ge [sflag:s18], $0x500  }
0x53: {  	[sflag:s18] =	ssyncset.done $0x0  }
0x54: {  	s10 =	rddreg [dreg:$0x16];
	[sflag:s18] =	ssyncadd.s32 $0xFFFFFB00  }
0x55: {  	[spmem:s10] =	stream.linear.scatter [tilespmem:s14], [sflag:$0x2], $0x2800, $0x38;
	[tilespmem:$0x1DD30] =	vst v63  }
0x56: {  	_ =	swait.ge [sflag:s18], $0x2800  }
0x57: {  	[sflag:s18] =	ssyncset.done $0x0  }
0x58: {  	s11 =	rddreg [dreg:$0x17];
	[sflag:s18] =	ssyncadd.s32 $0xFFFFD800  }
0x59: {  	[spmem:s11] =	stream.linear.scatter [tilespmem:s19], [sflag:$0x2], $0x500, $0x38;
	[tilespmem:$0x1DD30] =	vst v63  }
0x5a: {  	_ =	swait.ge [sflag:s18], $0x500  }
0x5b: {  	[sflag:s18] =	ssyncset.done $0x0  }
0x5c: {  	s9 =	smov.u32 s16;
	s16 =	rddreg [dreg:$0x18];
	[sflag:s18] =	ssyncadd.s32 $0xFFFFFB00  }
0x5d: {  	[spmem:s16] =	stream.linear.scatter [tilespmem:s14], [sflag:$0x2], $0x2800, $0x38;
	[tilespmem:$0x1DD30] =	vst v63  }
0x5e: {  	_ =	swait.ge [sflag:s18], $0x2800  }
0x5f: {  	[sflag:s18] =	ssyncset.done $0x0  }
0x60: {  	s1 =	rddreg [dreg:$0x19];
	[sflag:s18] =	ssyncadd.s32 $0xFFFFD800  }
0x61: {  	[spmem:s1] =	stream.linear.scatter [tilespmem:s19], [sflag:$0x2], $0x500, $0x38;
	[tilespmem:$0x1DD30] =	vst v63  }
0x62: {  	_ =	swait.ge [sflag:s18], $0x500  }
0x63: {  	[sflag:s18] =	ssyncset.done $0x0  }
0x64: {  	s2 =	rddreg [dreg:$0x1a];
	[sflag:s18] =	ssyncadd.s32 $0xFFFFFB00  }
0x65: {  	[spmem:s2] =	stream.linear.scatter [tilespmem:s14], [sflag:$0x2], $0x2800, $0x38;
	[tilespmem:$0x1DD30] =	vst v63  }
0x66: {  	_ =	swait.ge [sflag:s18], $0x2800  }
0x67: {  	[sflag:s18] =	ssyncset.done $0x0  }
0x68: {  	s3 =	rddreg [dreg:$0x1b];
	[sflag:s18] =	ssyncadd.s32 $0xFFFFD800  }
0x69: {  	[spmem:s3] =	stream.linear.scatter [tilespmem:s19], [sflag:$0x2], $0x500, $0x38;
	[tilespmem:$0x1DD30] =	vst v63  }
0x6a: {  	_ =	swait.ge [sflag:s18], $0x500  }
0x6b: {  	[sflag:s18] =	ssyncset.done $0x0  }
0x6c: {  	s10 =	rddreg [dreg:$0x1c];
	[sflag:s18] =	ssyncadd.s32 $0xFFFFFB00  }
0x6d: {  	[spmem:s10] =	stream.linear.scatter [tilespmem:s14], [sflag:$0x2], $0x2800, $0x38;
	[tilespmem:$0x1DD30] =	vst v63  }
0x6e: {  	_ =	swait.ge [sflag:s18], $0x2800  }
0x6f: {  	[sflag:s18] =	ssyncset.done $0x0  }
0x70: {  	s11 =	rddreg [dreg:$0x1d];
	[sflag:s18] =	ssyncadd.s32 $0xFFFFD800  }
0x71: {  	[spmem:s11] =	stream.linear.scatter [tilespmem:s19], [sflag:$0x2], $0x500, $0x38;
	[tilespmem:$0x1DD30] =	vst v63  }
0x72: {  	_ =	swait.ge [sflag:s18], $0x500  }
0x73: {  	[sflag:s18] =	ssyncset.done $0x0  }
0x74: {  	[sflag:s18] =	ssyncadd.s32 $0xFFFFFB00  }
0x75: {  	[spmem:s5] =	stream.linear.scatter [tilespmem:s14], [sflag:$0x2], $0x2800, $0x38;
	[tilespmem:$0x1DD30] =	vst v63  }
0x76: {  	_ =	swait.ge [sflag:s18], $0x2800  }
0x77: {  	[sflag:s18] =	ssyncset.done $0x0  }
0x78: {  	s16 =	rddreg [dreg:$0x1e];
	[sflag:s18] =	ssyncadd.s32 $0xFFFFD800  }
0x79: {  	[spmem:s16] =	stream.linear.scatter [tilespmem:s19], [sflag:$0x2], $0x500, $0x38;
	[tilespmem:$0x1DD30] =	vst v63  }
0x7a: {  	_ =	swait.ge [sflag:s18], $0x500  }
0x7b: {  	[sflag:s18] =	ssyncset.done $0x0  }
0x7c: {  	[sflag:s18] =	ssyncadd.s32 $0xFFFFFB00  }
0x7d: {  	[spmem:s8] =	stream.linear.scatter [tilespmem:s14], [sflag:$0x2], $0x2800, $0x38;
	[tilespmem:$0x1DD30] =	vst v63  }
0x7e: {  	_ =	swait.ge [sflag:s18], $0x2800  }
0x7f: {  	[sflag:s18] =	ssyncset.done $0x0  }
0x80: {  	[sflag:s18] =	ssyncadd.s32 $0xFFFFD800  }
0x81: {  	[spmem:s6] =	stream.linear.scatter [tilespmem:s19], [sflag:$0x2], $0x500, $0x38;
	[tilespmem:$0x1DD30] =	vst v63  }
0x82: {  	_ =	swait.ge [sflag:s18], $0x500  }
0x83: {  	[sflag:s18] =	ssyncset.done $0x0  }
0x84: {  	s0 =	simm.s32 @!p0 $0x50A0;
	[sflag:s18] =	ssyncadd.s32 $0xFFFFFB00  }
0x85: {  	[spmem:s4] =	stream.linear.scatter @!p0 [tilespmem:s0], [sflag:$0x2], $0x2800, $0x38;
	[tilespmem:$0x1DD30] =	vst v63  }
0x86: {  	s0 =	simm.s32 @!p0 $0x2  }
0x87: {  	_ =	swait.ge @!p0 [sflag:s0], $0x2800  }
0x88: {  	s2 =	sld [smem:$0x7FB]  }
0x89: {  	[sflag:s0] =	ssyncset.done @!p0 $0x0  }
0x8a: {  	s1 =	simm.s32 @!p0 $0x78A0;
	[sflag:s0] =	ssyncadd.s32 @!p0 $0xFFFFD800  }
0x8b: {  	[spmem:s2] =	stream.linear.scatter @!p0 [tilespmem:s1], [sflag:$0x2], $0x500, $0x38;
	[tilespmem:$0x1DD30] =	vst v63  }
0x8c: {  	_ =	swait.ge @!p0 [sflag:s0], $0x500  }
0x8d: {  	[sflag:s0] =	ssyncset.done @!p0 $0x0  }
0x8e: {  	s10 =	smov.u32 s5;
	s11 =	smov.u32 s8;
	[sflag:s0] =	ssyncadd.s32 @!p0 $0xFFFFFB00  }
0x8f: {  	s16 =	simm.s32 $0x0;
	s0 =	simm.s32 $0x0;
	[bflag:$0x0] =	sbarrier.arrive $0xFFFF  }
.LBB2_4:
0x90: {  	s1 =	smul.u32 $0x50, s0;
	_ =	sdelay $0x1  }
0x91: {  	s1 =	sadd.s32 s12, s1  }
0x92: {  	s2 =	sshrl.u32 s1, $0x3  }
0x93: {  	s3 =	sadd.s32 s22, s2  }
0x94: {  	[tilespmem:s16], [sflag:$0x2] =	stream.linear.gather [hbm4b:s3+s16], $0x50, $0x38;
	[tilespmem:$0x1DD30] =	vst v63  }
0x95: {  	_ =	swait.ge [sflag:s18], $0x50  }
0x96: {  	[sflag:s18] =	ssyncset.done $0x0  }
0x97: {  	s2 =	sadd.s32 s23, s2;
	[sflag:s18] =	ssyncadd.s32 $0xFFFFFFB0  }
0x98: {  	[tilespmem:s21], [sflag:$0x2] =	stream.linear.gather [hbm4b:s2+s16], $0x50, $0x38;
	[tilespmem:$0x1DD30] =	vst v63  }
0x99: {  	_ =	swait.ge [sflag:s18], $0x50  }
0x9a: {  	[sflag:s18] =	ssyncset.done $0x0  }
0x9b: {  	[sflag:s18] =	ssyncadd.s32 $0xFFFFFFB0  }
0x9c: {  	[tilespmem:s13], [sflag:$0x1] =	stream.indirect.gather [hbm4b:s25+s21], $0x40, s16, s21, $0xb8;
	[tilespmem:$0x1DD30] =	vst v63  }
0x9d: {  	_ = 	snop  }
0x9e: {  	[tilespmem:s28], [sflag:$0x1] =	stream.indirect.gather [hbm4b:s24+s21], $0x40, s21, s21, $0xb8;
	[tilespmem:$0x1DD30] =	vst v63  }
0x9f: {  	s1 =	sshll.u32 s1, $0x4  }
0xa0: {  	[tilespmem:s29], [sflag:$0x1] =	stream.indirect.gather [hbm4b:s15+s21], $0x80, s16, s21, $0xb8;
	[tilespmem:$0x1DD30] =	vst v63  }
0xa1: {  	s1 =	sadd.s32 s26, s1  }
0xa2: {  	[tilespmem:s14], [sflag:$0x2] =	stream.linear.gather [hbm4b:s1+s16], $0x2800, $0x38;
	[tilespmem:$0x1DD30] =	vst v63  }
0xa3: {  	_ =	swait.ge [sflag:s18], $0x2800  }
0xa4: {  	[sflag:s18] =	ssyncset.done $0x0  }
0xa5: {  	[sflag:s18] =	ssyncadd.s32 $0xFFFFD800  }
0xa6: {  	_ =	swait.ge [sflag:s30], $0x1400  }
0xa7: {  	[sflag:s30] =	ssyncset.done $0x0  }
0xa8: {  	[sflag:s30] =	ssyncadd.s32 $0xFFFFEC00  }
0xa9: {  	_ =	swait.ge [sflag:s30], $0x1400  }
0xaa: {  	[sflag:s30] =	ssyncset.done $0x0  }
0xab: {  	[sflag:s30] =	ssyncadd.s32 $0xFFFFEC00  }
0xac: {  	_ =	swait.ge [sflag:s30], $0x2800  }
0xad: {  	[sflag:s30] =	ssyncset.done $0x0  }
0xae: {  	s8 =	simm.s32 $0x0;
	[sflag:s30] =	ssyncadd.s32 $0xFFFFD800  }
0xaf: {  	v21 =	vld [tilespmem:s8+$0x14B0]  }
0xb0: {  	s1 =	simm.s32 $0x50E0;
	v22 =	vld [tilespmem:s8+$0xA0]  }
0xb1: {  	v23 =	vld [tilespmem:s1+$0xFFFFFFF0]  }
0xb2: {  	v24 =	vld [tilespmem:s8+$0xB0]  }
0xb3: {  	v25 =	vld [tilespmem:s8+$0x14A0]  }
0xb4: {  	v32 =	vld [tilespmem:s8+$0x14C0]  }
0xb5: {  	v34 =	vld [tilespmem:s8+$0xC0]  }
0xb6: {  	v26 =	vld [tilespmem:s1+$0xFFFFFFE0]  }
0xb7: {  	v58 =	vld [tilespmem:s8+$0xD0];
	v29 =	vunpack.i.u.bf16.f32 v21;
	v30 =	vunpack.i.l.bf16.f32 v22  }
0xb8: {  	v60 =	vld [tilespmem:s8+$0x14D0];
	v31 =	vunpack.i.u.bf16.f32 v24;
	v24 =	vunpack.i.l.bf16.f32 v24;
	v22 =	vunpack.i.u.bf16.f32 v22  }
0xb9: {  	v27 =	vld [tilespmem:s1+$0xFFFFFFC0];
	v33 =	vunpack.i.u.bf16.f32 v25;
	v25 =	vunpack.i.l.bf16.f32 v25;
	v21 =	vunpack.i.l.bf16.f32 v21  }
0xba: {  	v28 =	vld [tilespmem:s1+$0xFFFFFFD0];
	v50 =	vunpack.i.l.bf16.f32 v32;
	v52 =	vunpack.i.l.bf16.f32 v34;
	v25 =	vmul.f32 v25, v30  }
0xbb: {  	v51 =	vld [tilespmem:s1+$0x0];
	v56 =	vunpack.i.u.bf16.f32 v34;
	v22 =	vmul.f32 v33, v22;
	v21 =	vmul.f32 v21, v24  }
0xbc: {  	v59 =	vld [tilespmem:s1+$0x10];
	v32 =	vunpack.i.u.bf16.f32 v32;
	v49 =	vmul.f32 v29, v31;
	v24 =	vmul.f32 v50, v52  }
0xbd: {  	v44 =	vld [tilespmem:s1+$0x30];
	v62 =	vmul.f32 v32, v56;
	v31 =	vunpack.i.u.bf16.f32 v58;
	v29 =	vunpack.i.u.bf16.f32 v60  }
0xbe: {  	v29 =	vmul.f32 v29, v31;
	v25 =	vmul.f32 v27, v25  }
0xbf: {  	v39 =	vunpack.i.l.bf16.f32 v58;
	v22 =	vmul.f32 v28, v22;
	v21 =	vmul.f32 v26, v21  }
0xc0: {  	v42 =	vld [tilespmem:s1+$0x20];
	v41 =	vunpack.i.l.bf16.f32 v60;
	v23 =	vmul.f32 v23, v49;
	v24 =	vmul.f32 v51, v24  }
0xc1: {  	v27 =	vmul.f32 v59, v62;
	v28 =	vmul.f32 v41, v39  }
0xc2: {  	v29 =	vmul.f32 v44, v29;
	v53 =	vperm.xlane v25, v1  }
0xc3: {  	v54 =	vperm.xlane v22, v1;
	v55 =	vperm.xlane v21, v1  }
0xc4: {  	v57 =	vperm.xlane v23, v1;
	v38 =	vperm.xlane v24, v1  }
0xc5: {  	v28 =	vmul.f32 v42, v28;
	v25 =	vadd.f32 v53, v25;
	v22 =	vadd.f32 v54, v22  }
0xc6: {  	v49 =	vperm.xlane v29, v1;
	v21 =	vadd.f32 v55, v21;
	v23 =	vadd.f32 v57, v23  }
0xc7: {  	v24 =	vadd.f32 v38, v24;
	v48 =	vperm.xlane v28, v1;
	v61 =	vperm.xlane v25, v2  }
0xc8: {  	v29 =	vadd.f32 v49, v29;
	v63 =	vperm.xlane v22, v2;
	v36 =	vperm.xlane v21, v2  }
0xc9: {  	v37 =	vperm.xlane v23, v2;
	v33 =	vperm.xlane v24, v2;
	v28 =	vadd.f32 v48, v28  }
0xca: {  	v54 =	vperm.xlane v29, v2;
	v25 =	vadd.f32 v61, v25;
	v22 =	vadd.f32 v63, v22  }
0xcb: {  	v21 =	vadd.f32 v36, v21;
	v23 =	vadd.f32 v37, v23;
	v36 =	vperm.xlane v27, v1  }
0xcc: {  	v24 =	vadd.f32 v33, v24;
	v40 =	vperm.xlane v25, v8;
	v35 =	vperm.xlane v22, v8  }
0xcd: {  	v53 =	vperm.xlane v28, v2;
	v26 =	vadd.f32 v54, v29;
	v27 =	vadd.f32 v36, v27  }
0xce: {  	v43 =	vperm.xlane v21, v8;
	v25 =	vadd.f32 v40, v25;
	v22 =	vadd.f32 v35, v22  }
0xcf: {  	v32 =	vperm.xlane v23, v8;
	v28 =	vadd.f32 v53, v28;
	v51 =	vperm.xlane v27, v2  }
0xd0: {  	v21 =	vadd.f32 v43, v21;
	v45 =	vperm.xlane v25, v10;
	v50 =	vperm.xlane v22, v10  }
0xd1: {  	v47 =	vperm.xlane v24, v8;
	v23 =	vadd.f32 v32, v23;
	v27 =	vadd.f32 v51, v27  }
0xd2: {  	v46 =	vperm.xlane v21, v10;
	v25 =	vadd.f32 v45, v25;
	v22 =	vadd.f32 v50, v22  }
0xd3: {  	v24 =	vadd.f32 v47, v24;
	v52 =	vperm.xlane v23, v10;
	v55 =	vperm.xlane v27, v8  }
0xd4: {  	v21 =	vadd.f32 v46, v21;
	v25 =	vmul.f32 v3, v25;
	v22 =	vmul.f32 v4, v22  }
0xd5: {  	v57 =	vperm.xlane v28, v8;
	v56 =	vperm.xlane v24, v10;
	v27 =	vadd.f32 v55, v27  }
0xd6: {  	v23 =	vadd.f32 v52, v23;
	v21 =	vmul.f32 v5, v21;
	v22 =	vadd.f32 v22, v25  }
0xd7: {  	v58 =	vperm.xlane v26, v8;
	v59 =	vadd.f32 v57, v28;
	v60 =	vperm.xlane v27, v10  }
0xd8: {  	v21 =	vadd.f32 v21, v22;
	v22 =	vmul.f32 v6, v23;
	v23 =	vadd.f32 v56, v24  }
0xd9: {  	v26 =	vadd.f32 v58, v26;
	v61 =	vperm.xlane v59, v10  }
0xda: {  	v21 =	vadd.f32 v22, v21;
	v22 =	vmul.f32 v7, v23;
	v23 =	vadd.f32 v60, v27  }
0xdb: {  	v62 =	vperm.xlane v26, v10  }
0xdc: {  	v21 =	vadd.f32 v22, v21;
	v22 =	vadd.f32 v61, v59;
	v23 =	vmul.f32 v9, v23;
	_ =	sdelay $0x1  }
0xdd: {  	v63 =	vadd.f32 v62, v26;
	v21 =	vadd.f32 v23, v21;
	v22 =	vmul.f32 v11, v22;
	_ =	sdelay $0x1  }
0xde: {  	v21 =	vadd.f32 v22, v21;
	v22 =	vmul.f32 v12, v63;
	_ =	sdelay $0x1  }
0xdf: {  	v21 =	vadd.f32 v22, v21;
	_ =	sdelay $0x1  }
0xe0: {  	v21 =	vmul.f32 $2.500000000e-01, v21;
	_ =	sdelay $0x1  }
0xe1: {  	v21 =	vmul.f32 $1.442695020e+00, v21  }
0xe2: {  	s4 =	simm.s32 $0x28E0;
	s5 =	simm.s32 $0x100  }
0xe3: {  	s6 =	simm.s32 $0x78A0;
	s3 =	simm.s32 $0x78A0;
	s2 =	simm.s32 $0x28E0;
	(erf) = vpow2.f32 v21  }
.LBB2_5:
0xe4: {  	_ =	sdelay $0x4  }
0xe5: {  	s3 =	sadd.s32 $0x10, s3;
	s1 =	sadd.s32 $0x80, s1;
	s4 =	sadd.s32 $0x80, s4  }
0xe6: {  	p1 =	sne.s32 s5, $0x4F00;
	s8 =	smov.u32 s5;
	s5 =	sadd.s32 $0x100, s5  }
0xe7: {  	_ = 	snop  }
0xe8: {  	v21 =	vpop (erf)  }
0xe9: {  	[tilespmem:s6+$0x0] =	vst v21;
	s6 =	smov.u32 s3  }
0xea: {  	v22 =	vld [tilespmem:s2+$0xFFFFFFC0]  }
0xeb: {  	v23 =	vld [tilespmem:s2+$0x30]  }
0xec: {  	v24 =	vld [tilespmem:s2+$0xFFFFFFE0]  }
0xed: {  	v25 =	vperm.xlane v21, v13;
	v26 =	vld [tilespmem:s2+$0xFFFFFFF0]  }
0xee: {  	v28 =	vperm.xlane v21, v20;
	v27 =	vld [tilespmem:s2+$0x0]  }
0xef: {  	v22 =	vmul.f32 v22, v25;
	v25 =	vperm.xlane v21, v15;
	v29 =	vld [tilespmem:s2+$0x10]  }
0xf0: {  	v31 =	vperm.xlane v21, v16;
	v30 =	vld [tilespmem:s2+$0xFFFFFFD0];
	v23 =	vmul.f32 v23, v28  }
0xf1: {  	[tilespmem:s2+$0xFFFFFFC0] =	vst v22;
	v22 =	vmul.f32 v24, v25;
	v24 =	vperm.xlane v21, v17;
	v25 =	vld [tilespmem:s2+$0x20]  }
0xf2: {  	v28 =	vperm.xlane v21, v18;
	v26 =	vmul.f32 v26, v31;
	[tilespmem:s2+$0x30] =	vst v23  }
0xf3: {  	v23 =	vperm.xlane v21, v14;
	[tilespmem:s2+$0xFFFFFFE0] =	vst v22;
	v22 =	vmul.f32 v27, v24  }
0xf4: {  	v21 =	vperm.xlane v21, v19;
	[tilespmem:s2+$0xFFFFFFF0] =	vst v26;
	v24 =	vmul.f32 v29, v28  }
0xf5: {  	v23 =	vmul.f32 v30, v23;
	[tilespmem:s2+$0x0] =	vst v22  }
0xf6: {  	[tilespmem:s2+$0x10] =	vst v24;
	v21 =	vmul.f32 v25, v21  }
0xf7: {  	[tilespmem:s2+$0xFFFFFFD0] =	vst v23  }
0xf8: {  	s8 =	sshra.s32 s8, $0x2;
	[tilespmem:s2+$0x20] =	vst v21;
	s2 =	smov.u32 s4  }
0xf9: {  	v21 =	vld [tilespmem:s8+$0x14B0]  }
0xfa: {  	v22 =	vld [tilespmem:s8+$0xA0]  }
0xfb: {  	v23 =	vld [tilespmem:s1+$0xFFFFFFF0]  }
0xfc: {  	v24 =	vld [tilespmem:s8+$0xB0]  }
0xfd: {  	v25 =	vld [tilespmem:s8+$0x14A0]  }
0xfe: {  	v26 =	vld [tilespmem:s1+$0xFFFFFFE0]  }
0xff: {  	v27 =	vld [tilespmem:s1+$0xFFFFFFC0]  }
0x100: {  	v29 =	vunpack.i.u.bf16.f32 v21;
	v28 =	vld [tilespmem:s1+$0xFFFFFFD0]  }
0x101: {  	v30 =	vunpack.i.l.bf16.f32 v22;
	v31 =	vunpack.i.u.bf16.f32 v24;
	v24 =	vunpack.i.l.bf16.f32 v24;
	v32 =	vld [tilespmem:s8+$0x14C0]  }
0x102: {  	v22 =	vunpack.i.u.bf16.f32 v22;
	v33 =	vunpack.i.u.bf16.f32 v25;
	v25 =	vunpack.i.l.bf16.f32 v25;
	v34 =	vld [tilespmem:s8+$0xC0]  }
0x103: {  	v21 =	vunpack.i.l.bf16.f32 v21;
	v25 =	vmul.f32 v25, v30;
	v22 =	vmul.f32 v33, v22  }
0x104: {  	v21 =	vmul.f32 v21, v24;
	v24 =	vmul.f32 v29, v31  }
0x105: {  	v25 =	vmul.f32 v27, v25;
	v22 =	vmul.f32 v28, v22  }
0x106: {  	v21 =	vmul.f32 v26, v21;
	v23 =	vmul.f32 v23, v24;
	v24 =	vunpack.i.l.bf16.f32 v32;
	v26 =	vld [tilespmem:s1+$0x0]  }
0x107: {  	v27 =	vunpack.i.l.bf16.f32 v34;
	v28 =	vperm.xlane v25, v1;
	v29 =	vperm.xlane v22, v1  }
0x108: {  	v24 =	vmul.f32 v24, v27;
	v27 =	vperm.xlane v21, v1  }
0x109: {  	v30 =	vunpack.i.u.bf16.f32 v34;
	v31 =	vld [tilespmem:s8+$0x14D0];
	v25 =	vadd.f32 v28, v25;
	v28 =	vperm.xlane v23, v1  }
0x10a: {  	v32 =	vunpack.i.u.bf16.f32 v32;
	v22 =	vadd.f32 v29, v22;
	v33 =	vld [tilespmem:s8+$0xD0];
	v21 =	vadd.f32 v27, v21  }
0x10b: {  	v24 =	vmul.f32 v26, v24;
	v26 =	vld [tilespmem:s1+$0x10];
	v23 =	vadd.f32 v28, v23;
	v27 =	vperm.xlane v25, v2  }
0x10c: {  	v28 =	vmul.f32 v32, v30;
	v29 =	vperm.xlane v22, v2  }
0x10d: {  	v25 =	vadd.f32 v27, v25;
	v27 =	vperm.xlane v21, v2;
	v30 =	vperm.xlane v23, v2  }
0x10e: {  	v32 =	vperm.xlane v24, v1;
	v22 =	vadd.f32 v29, v22  }
0x10f: {  	v29 =	vunpack.i.l.bf16.f32 v33;
	v21 =	vadd.f32 v27, v21;
	v27 =	vperm.xlane v25, v8  }
0x110: {  	v23 =	vadd.f32 v30, v23;
	v26 =	vmul.f32 v26, v28;
	v28 =	vunpack.i.l.bf16.f32 v31;
	v34 =	vld [tilespmem:s1+$0x20]  }
0x111: {  	v24 =	vadd.f32 v32, v24;
	v25 =	vadd.f32 v27, v25;
	v27 =	vperm.xlane v21, v8  }
0x112: {  	v30 =	vunpack.i.u.bf16.f32 v33;
	v28 =	vmul.f32 v28, v29;
	v32 =	vperm.xlane v23, v8;
	v29 =	vld [tilespmem:s1+$0x30]  }
0x113: {  	v35 =	vperm.xlane v22, v8;
	v31 =	vunpack.i.u.bf16.f32 v31;
	v33 =	vperm.xlane v24, v2  }
0x114: {  	v36 =	vperm.xlane v26, v1;
	v21 =	vadd.f32 v27, v21;
	v27 =	vperm.xlane v25, v10  }
0x115: {  	v30 =	vmul.f32 v31, v30;
	v24 =	vadd.f32 v33, v24;
	v28 =	vmul.f32 v34, v28  }
0x116: {  	v26 =	vadd.f32 v36, v26;
	v25 =	vadd.f32 v27, v25;
	v27 =	vperm.xlane v21, v10  }
0x117: {  	v22 =	vadd.f32 v35, v22;
	v29 =	vmul.f32 v29, v30;
	v30 =	vperm.xlane v24, v8  }
0x118: {  	v31 =	vperm.xlane v26, v2;
	v21 =	vadd.f32 v27, v21;
	v25 =	vmul.f32 v3, v25  }
0x119: {  	v27 =	vperm.xlane v28, v1;
	v33 =	vperm.xlane v29, v1;
	v24 =	vadd.f32 v30, v24  }
0x11a: {  	v23 =	vadd.f32 v32, v23;
	v26 =	vadd.f32 v31, v26;
	v30 =	vperm.xlane v22, v10  }
0x11b: {  	v27 =	vadd.f32 v27, v28;
	v28 =	vadd.f32 v33, v29;
	v29 =	vperm.xlane v24, v10  }
0x11c: {  	v31 =	vperm.xlane v26, v8;
	v22 =	vadd.f32 v30, v22;
	v30 =	vperm.xlane v23, v10  }
0x11d: {  	v32 =	vperm.xlane v27, v2;
	v33 =	vperm.xlane v28, v2;
	v24 =	vadd.f32 v29, v24  }
0x11e: {  	v26 =	vadd.f32 v31, v26;
	v23 =	vadd.f32 v30, v23;
	v22 =	vmul.f32 v4, v22  }
0x11f: {  	v27 =	vadd.f32 v32, v27;
	v28 =	vadd.f32 v33, v28  }
0x120: {  	v21 =	vmul.f32 v5, v21;
	v22 =	vadd.f32 v22, v25  }
0x121: {  	v25 =	vperm.xlane v27, v8;
	v29 =	vperm.xlane v28, v8  }
0x122: {  	v21 =	vadd.f32 v21, v22;
	v22 =	vmul.f32 v6, v23  }
0x123: {  	v23 =	vadd.f32 v25, v27;
	v27 =	vperm.xlane v26, v10;
	v25 =	vadd.f32 v29, v28  }
0x124: {  	v21 =	vadd.f32 v22, v21;
	v22 =	vmul.f32 v7, v24  }
0x125: {  	v24 =	vadd.f32 v27, v26;
	v26 =	vperm.xlane v23, v10;
	v27 =	vperm.xlane v25, v10  }
0x126: {  	v21 =	vadd.f32 v22, v21  }
0x127: {  	v22 =	vadd.f32 v26, v23;
	v24 =	vmul.f32 v9, v24;
	v23 =	vadd.f32 v27, v25;
	_ =	sdelay $0x1  }
0x128: {  	v21 =	vadd.f32 v24, v21;
	v22 =	vmul.f32 v11, v22;
	_ =	sdelay $0x1  }
0x129: {  	v21 =	vadd.f32 v22, v21;
	v22 =	vmul.f32 v12, v23;
	_ =	sdelay $0x1  }
0x12a: {  	v21 =	vadd.f32 v22, v21;
	_ =	sdelay $0x1  }
.Ltmp1:
0x12b: {  	v21 =	vmul.f32 $2.500000000e-01, v21;
	(pc) =	sbr.rel @p1 .LBB2_5-.Ltmp1, $3  }
0x12c: {  	_ = 	snop  }
0x12d: {  	v21 =	vmul.f32 $1.442695020e+00, v21;
	_ =	sdelay $0x1  }
0x12e: {  	(erf) = vpow2.f32 v21  }
0x12f: {  	_ =	sdelay $0x7  }
0x130: {  	v21 =	vpop (erf)  }
0x131: {  	[tilespmem:s6+$0x0] =	vst v21  }
0x132: {  	v22 =	vld [tilespmem:s2+$0xFFFFFFC0]  }
0x133: {  	v23 =	vld [tilespmem:s2+$0x30]  }
0x134: {  	v26 =	vld [tilespmem:s2+$0xFFFFFFF0]  }
0x135: {  	v25 =	vperm.xlane v21, v13;
	v24 =	vld [tilespmem:s2+$0xFFFFFFE0]  }
0x136: {  	v28 =	vperm.xlane v21, v20;
	v29 =	vld [tilespmem:s2+$0x10]  }
0x137: {  	v31 =	vperm.xlane v21, v16;
	v27 =	vld [tilespmem:s2+$0x0];
	v22 =	vmul.f32 v22, v25  }
0x138: {  	v59 =	vperm.xlane v21, v15;
	v30 =	vld [tilespmem:s2+$0xFFFFFFD0];
	v23 =	vmul.f32 v23, v28  }
0x139: {  	v62 =	vperm.xlane v21, v18;
	v61 =	vld [tilespmem:s2+$0x20];
	v26 =	vmul.f32 v26, v31;
	[tilespmem:s2+$0xFFFFFFC0] =	vst v22  }
0x13a: {  	v60 =	vperm.xlane v21, v17;
	v22 =	vmul.f32 v24, v59;
	[tilespmem:s2+$0x30] =	vst v23  }
0x13b: {  	v63 =	vmul.f32 v29, v62;
	v23 =	vperm.xlane v21, v14;
	[tilespmem:s2+$0xFFFFFFF0] =	vst v26  }
0x13c: {  	v21 =	vperm.xlane v21, v19;
	[tilespmem:s2+$0xFFFFFFE0] =	vst v22;
	v22 =	vmul.f32 v27, v60  }
0x13d: {  	[tilespmem:s2+$0x10] =	vst v63;
	v23 =	vmul.f32 v30, v23  }
0x13e: {  	v21 =	vmul.f32 v61, v21;
	[tilespmem:s2+$0x0] =	vst v22  }
0x13f: {  	[tilespmem:s2+$0xFFFFFFD0] =	vst v23  }
0x140: {  	[tilespmem:s2+$0x20] =	vst v21  }
0x141: {  	[spmem:s17] =	stream.indirect.scatter.add.f32 [tilespmem:s29], [sflag:$0x2], $0x80, s21, s21, $0xb8;
	[tilespmem:$0x1DD30] =	vst v63  }
0x142: {  	s0 =	sadd.s32 $0x1, s0;
	_ =	swait.ge [sflag:s18], $0x2800  }
0x143: {  	p1 =	sne.s32 s0, $0x7D;
	[sflag:s18] =	ssyncset.done $0x0  }
.Ltmp2:
0x144: {  	[sflag:s18] =	ssyncadd.s32 $0xFFFFD800;
	(pc) =	sbr.rel @p1 .LBB2_4-.Ltmp2, $4  }
0x145: {  	[spmem:s20] =	stream.indirect.scatter.add.f32 [tilespmem:s19], [sflag:$0x2], $0x10, s21, s21, $0xb8;
	[tilespmem:$0x1DD30] =	vst v63  }
0x146: {  	_ =	swait.ge [sflag:s18], $0x500  }
0x147: {  	[sflag:s18] =	ssyncset.done $0x0  }
0x148: {  	[sflag:s18] =	ssyncadd.s32 $0xFFFFFB00  }
0x149: {  	[bflag:$0x0] =	sbarrier.arrive $0xFFFF  }
0x14a: {  	[tilespmem:s14], [sflag:$0x2] =	stream.linear.gather [spmem:s9], $0x2800, $0x38;
	[tilespmem:$0x1DD30] =	vst v63  }
0x14b: {  	_ =	swait.ge [sflag:s18], $0x2800  }
0x14c: {  	[sflag:s18] =	ssyncset.done $0x0  }
0x14d: {  	s0 =	rddreg [dreg:$0x5];
	[sflag:s18] =	ssyncadd.s32 $0xFFFFD800  }
0x14e: {  	[hbm4b:s0+s7] =	stream.linear.scatter [tilespmem:s14], [sflag:$0x2], $0x2800, $0x38;
	[tilespmem:$0x1DD30] =	vst v63  }
0x14f: {  	_ =	swait.ge [sflag:s18], $0x2800  }
0x150: {  	[sflag:s18] =	ssyncset.done $0x0  }
0x151: {  	s2 =	rddreg [dreg:$0x15];
	[sflag:s18] =	ssyncadd.s32 $0xFFFFD800  }
0x152: {  	[tilespmem:s19], [sflag:$0x2] =	stream.linear.gather [spmem:s2], $0x500, $0x38;
	[tilespmem:$0x1DD30] =	vst v63  }
0x153: {  	_ =	swait.ge [sflag:s18], $0x500  }
0x154: {  	[sflag:s18] =	ssyncset.done $0x0  }
0x155: {  	s3 =	rddreg [dreg:$0xd];
	[sflag:s18] =	ssyncadd.s32 $0xFFFFFB00  }
0x156: {  	[hbm4b:s3+s7] =	stream.linear.scatter [tilespmem:s19], [sflag:$0x2], $0x500, $0x38;
	[tilespmem:$0x1DD30] =	vst v63  }
0x157: {  	_ =	swait.ge [sflag:s18], $0x500  }
0x158: {  	[sflag:s18] =	ssyncset.done $0x0  }
0x159: {  	s4 =	rddreg [dreg:$0x16];
	[sflag:s18] =	ssyncadd.s32 $0xFFFFFB00  }
0x15a: {  	[tilespmem:s14], [sflag:$0x2] =	stream.linear.gather [spmem:s4], $0x2800, $0x38;
	[tilespmem:$0x1DD30] =	vst v63  }
0x15b: {  	_ =	swait.ge [sflag:s18], $0x2800  }
0x15c: {  	[sflag:s18] =	ssyncset.done $0x0  }
0x15d: {  	s5 =	rddreg [dreg:$0x6];
	[sflag:s18] =	ssyncadd.s32 $0xFFFFD800  }
0x15e: {  	[hbm4b:s5+s7] =	stream.linear.scatter [tilespmem:s14], [sflag:$0x2], $0x2800, $0x38;
	[tilespmem:$0x1DD30] =	vst v63  }
0x15f: {  	_ =	swait.ge [sflag:s18], $0x2800  }
0x160: {  	[sflag:s18] =	ssyncset.done $0x0  }
0x161: {  	s6 =	rddreg [dreg:$0x17];
	[sflag:s18] =	ssyncadd.s32 $0xFFFFD800  }
0x162: {  	[tilespmem:s19], [sflag:$0x2] =	stream.linear.gather [spmem:s6], $0x500, $0x38;
	[tilespmem:$0x1DD30] =	vst v63  }
0x163: {  	_ =	swait.ge [sflag:s18], $0x500  }
0x164: {  	[sflag:s18] =	ssyncset.done $0x0  }
0x165: {  	s8 =	rddreg [dreg:$0xe];
	[sflag:s18] =	ssyncadd.s32 $0xFFFFFB00  }
0x166: {  	[hbm4b:s8+s7] =	stream.linear.scatter [tilespmem:s19], [sflag:$0x2], $0x500, $0x38;
	[tilespmem:$0x1DD30] =	vst v63  }
0x167: {  	_ =	swait.ge [sflag:s18], $0x500  }
0x168: {  	[sflag:s18] =	ssyncset.done $0x0  }
0x169: {  	s16 =	smov.u32 s9;
	s9 =	rddreg [dreg:$0x18];
	[sflag:s18] =	ssyncadd.s32 $0xFFFFFB00  }
0x16a: {  	[tilespmem:s14], [sflag:$0x2] =	stream.linear.gather [spmem:s9], $0x2800, $0x38;
	[tilespmem:$0x1DD30] =	vst v63  }
0x16b: {  	_ =	swait.ge [sflag:s18], $0x2800  }
0x16c: {  	[sflag:s18] =	ssyncset.done $0x0  }
0x16d: {  	s1 =	rddreg [dreg:$0x7];
	[sflag:s18] =	ssyncadd.s32 $0xFFFFD800  }
0x16e: {  	[hbm4b:s1+s7] =	stream.linear.scatter [tilespmem:s14], [sflag:$0x2], $0x2800, $0x38;
	[tilespmem:$0x1DD30] =	vst v63  }
0x16f: {  	_ =	swait.ge [sflag:s18], $0x2800  }
0x170: {  	[sflag:s18] =	ssyncset.done $0x0  }
0x171: {  	s2 =	rddreg [dreg:$0x19];
	[sflag:s18] =	ssyncadd.s32 $0xFFFFD800  }
0x172: {  	[tilespmem:s19], [sflag:$0x2] =	stream.linear.gather [spmem:s2], $0x500, $0x38;
	[tilespmem:$0x1DD30] =	vst v63  }
0x173: {  	_ =	swait.ge [sflag:s18], $0x500  }
0x174: {  	[sflag:s18] =	ssyncset.done $0x0  }
0x175: {  	s3 =	rddreg [dreg:$0xf];
	[sflag:s18] =	ssyncadd.s32 $0xFFFFFB00  }
0x176: {  	[hbm4b:s3+s7] =	stream.linear.scatter [tilespmem:s19], [sflag:$0x2], $0x500, $0x38;
	[tilespmem:$0x1DD30] =	vst v63  }
0x177: {  	_ =	swait.ge [sflag:s18], $0x500  }
0x178: {  	[sflag:s18] =	ssyncset.done $0x0  }
0x179: {  	s4 =	rddreg [dreg:$0x1a];
	[sflag:s18] =	ssyncadd.s32 $0xFFFFFB00  }
0x17a: {  	[tilespmem:s14], [sflag:$0x2] =	stream.linear.gather [spmem:s4], $0x2800, $0x38;
	[tilespmem:$0x1DD30] =	vst v63  }
0x17b: {  	_ =	swait.ge [sflag:s18], $0x2800  }
0x17c: {  	[sflag:s18] =	ssyncset.done $0x0  }
0x17d: {  	s5 =	rddreg [dreg:$0x8];
	[sflag:s18] =	ssyncadd.s32 $0xFFFFD800  }
0x17e: {  	[hbm4b:s5+s7] =	stream.linear.scatter [tilespmem:s14], [sflag:$0x2], $0x2800, $0x38;
	[tilespmem:$0x1DD30] =	vst v63  }
0x17f: {  	_ =	swait.ge [sflag:s18], $0x2800  }
0x180: {  	[sflag:s18] =	ssyncset.done $0x0  }
0x181: {  	s6 =	rddreg [dreg:$0x1b];
	[sflag:s18] =	ssyncadd.s32 $0xFFFFD800  }
0x182: {  	[tilespmem:s19], [sflag:$0x2] =	stream.linear.gather [spmem:s6], $0x500, $0x38;
	[tilespmem:$0x1DD30] =	vst v63  }
0x183: {  	_ =	swait.ge [sflag:s18], $0x500  }
0x184: {  	[sflag:s18] =	ssyncset.done $0x0  }
0x185: {  	s8 =	rddreg [dreg:$0x10];
	[sflag:s18] =	ssyncadd.s32 $0xFFFFFB00  }
0x186: {  	[hbm4b:s8+s7] =	stream.linear.scatter [tilespmem:s19], [sflag:$0x2], $0x500, $0x38;
	[tilespmem:$0x1DD30] =	vst v63  }
0x187: {  	_ =	swait.ge [sflag:s18], $0x500  }
0x188: {  	[sflag:s18] =	ssyncset.done $0x0  }
0x189: {  	s9 =	rddreg [dreg:$0x1c];
	[sflag:s18] =	ssyncadd.s32 $0xFFFFFB00  }
0x18a: {  	[tilespmem:s14], [sflag:$0x2] =	stream.linear.gather [spmem:s9], $0x2800, $0x38;
	[tilespmem:$0x1DD30] =	vst v63  }
0x18b: {  	_ =	swait.ge [sflag:s18], $0x2800  }
0x18c: {  	[sflag:s18] =	ssyncset.done $0x0  }
0x18d: {  	s1 =	rddreg [dreg:$0x9];
	[sflag:s18] =	ssyncadd.s32 $0xFFFFD800  }
0x18e: {  	[hbm4b:s1+s7] =	stream.linear.scatter [tilespmem:s14], [sflag:$0x2], $0x2800, $0x38;
	[tilespmem:$0x1DD30] =	vst v63  }
0x18f: {  	_ =	swait.ge [sflag:s18], $0x2800  }
0x190: {  	[sflag:s18] =	ssyncset.done $0x0  }
0x191: {  	s2 =	rddreg [dreg:$0x1d];
	[sflag:s18] =	ssyncadd.s32 $0xFFFFD800  }
0x192: {  	[tilespmem:s19], [sflag:$0x2] =	stream.linear.gather [spmem:s2], $0x500, $0x38;
	[tilespmem:$0x1DD30] =	vst v63  }
0x193: {  	_ =	swait.ge [sflag:s18], $0x500  }
0x194: {  	[sflag:s18] =	ssyncset.done $0x0  }
0x195: {  	s3 =	rddreg [dreg:$0x11];
	[sflag:s18] =	ssyncadd.s32 $0xFFFFFB00  }
0x196: {  	[hbm4b:s3+s7] =	stream.linear.scatter [tilespmem:s19], [sflag:$0x2], $0x500, $0x38;
	[tilespmem:$0x1DD30] =	vst v63  }
0x197: {  	_ =	swait.ge [sflag:s18], $0x500  }
0x198: {  	[sflag:s18] =	ssyncset.done $0x0  }
0x199: {  	[sflag:s18] =	ssyncadd.s32 $0xFFFFFB00  }
0x19a: {  	[tilespmem:s14], [sflag:$0x2] =	stream.linear.gather [spmem:s10], $0x2800, $0x38;
	[tilespmem:$0x1DD30] =	vst v63  }
0x19b: {  	_ =	swait.ge [sflag:s18], $0x2800  }
0x19c: {  	[sflag:s18] =	ssyncset.done $0x0  }
0x19d: {  	s4 =	rddreg [dreg:$0xa];
	[sflag:s18] =	ssyncadd.s32 $0xFFFFD800  }
0x19e: {  	[hbm4b:s4+s7] =	stream.linear.scatter [tilespmem:s14], [sflag:$0x2], $0x2800, $0x38;
	[tilespmem:$0x1DD30] =	vst v63  }
0x19f: {  	_ =	swait.ge [sflag:s18], $0x2800  }
0x1a0: {  	[sflag:s18] =	ssyncset.done $0x0  }
0x1a1: {  	s6 =	rddreg [dreg:$0x1e];
	[sflag:s18] =	ssyncadd.s32 $0xFFFFD800  }
0x1a2: {  	[tilespmem:s19], [sflag:$0x2] =	stream.linear.gather [spmem:s6], $0x500, $0x38;
	[tilespmem:$0x1DD30] =	vst v63  }
0x1a3: {  	_ =	swait.ge [sflag:s18], $0x500  }
0x1a4: {  	[sflag:s18] =	ssyncset.done $0x0  }
0x1a5: {  	s8 =	rddreg [dreg:$0x12];
	[sflag:s18] =	ssyncadd.s32 $0xFFFFFB00  }
0x1a6: {  	[hbm4b:s8+s7] =	stream.linear.scatter [tilespmem:s19], [sflag:$0x2], $0x500, $0x38;
	[tilespmem:$0x1DD30] =	vst v63  }
0x1a7: {  	_ =	swait.ge [sflag:s18], $0x500  }
0x1a8: {  	[sflag:s18] =	ssyncset.done $0x0  }
0x1a9: {  	[sflag:s18] =	ssyncadd.s32 $0xFFFFFB00  }
0x1aa: {  	[tilespmem:s14], [sflag:$0x2] =	stream.linear.gather [spmem:s11], $0x2800, $0x38;
	[tilespmem:$0x1DD30] =	vst v63  }
0x1ab: {  	_ =	swait.ge [sflag:s18], $0x2800  }
0x1ac: {  	[sflag:s18] =	ssyncset.done $0x0  }
0x1ad: {  	s9 =	rddreg [dreg:$0xb];
	[sflag:s18] =	ssyncadd.s32 $0xFFFFD800  }
0x1ae: {  	[hbm4b:s9+s7] =	stream.linear.scatter [tilespmem:s14], [sflag:$0x2], $0x2800, $0x38;
	[tilespmem:$0x1DD30] =	vst v63  }
0x1af: {  	_ =	swait.ge [sflag:s18], $0x2800  }
0x1b0: {  	[sflag:s18] =	ssyncset.done $0x0  }
0x1b1: {  	s6 =	rddreg [dreg:$0x1f];
	[sflag:s18] =	ssyncadd.s32 $0xFFFFD800  }
0x1b2: {  	[tilespmem:s19], [sflag:$0x2] =	stream.linear.gather [spmem:s6], $0x500, $0x38;
	[tilespmem:$0x1DD30] =	vst v63  }
0x1b3: {  	_ =	swait.ge [sflag:s18], $0x500  }
0x1b4: {  	[sflag:s18] =	ssyncset.done $0x0  }
0x1b5: {  	s5 =	smov.u32 s10;
	s10 =	rddreg [dreg:$0x13];
	[sflag:s18] =	ssyncadd.s32 $0xFFFFFB00  }
0x1b6: {  	[hbm4b:s10+s7] =	stream.linear.scatter [tilespmem:s19], [sflag:$0x2], $0x500, $0x38;
	[tilespmem:$0x1DD30] =	vst v63  }
0x1b7: {  	_ =	swait.ge [sflag:s18], $0x500  }
0x1b8: {  	s4 =	sld [smem:$0x7FD]  }
0x1b9: {  	[sflag:s18] =	ssyncset.done $0x0  }
0x1ba: {  	s0 =	simm.s32 @!p0 $0x50A0;
	s1 =	simm.s32 @!p0 $0x2;
	[sflag:s18] =	ssyncadd.s32 $0xFFFFFB00  }
0x1bb: {  	[tilespmem:s0], [sflag:$0x2] =	stream.linear.gather @!p0 [spmem:s4], $0x2800, $0x38;
	[tilespmem:$0x1DD30] =	vst v63  }
0x1bc: {  	_ =	swait.ge @!p0 [sflag:s1], $0x2800  }
0x1bd: {  	[sflag:s1] =	ssyncset.done @!p0 $0x0  }
0x1be: {  	s2 =	simm.s32 @!p0 $0x0;
	s3 =	rddreg [dreg:$0xc];
	[sflag:s1] =	ssyncadd.s32 @!p0 $0xFFFFD800  }
0x1bf: {  	[hbm4b:s3+s2] =	stream.linear.scatter @!p0 [tilespmem:s0], [sflag:$0x2], $0x2800, $0x38;
	[tilespmem:$0x1DD30] =	vst v63  }
0x1c0: {  	_ =	swait.ge @!p0 [sflag:s1], $0x2800  }
0x1c1: {  	s3 =	sld [smem:$0x7FB]  }
0x1c2: {  	[sflag:s1] =	ssyncset.done @!p0 $0x0  }
0x1c3: {  	s0 =	simm.s32 @!p0 $0x78A0;
	[sflag:s1] =	ssyncadd.s32 @!p0 $0xFFFFD800  }
0x1c4: {  	[tilespmem:s0], [sflag:$0x2] =	stream.linear.gather @!p0 [spmem:s3], $0x500, $0x38;
	[tilespmem:$0x1DD30] =	vst v63  }
0x1c5: {  	_ =	swait.ge @!p0 [sflag:s1], $0x500  }
0x1c6: {  	[sflag:s1] =	ssyncset.done @!p0 $0x0  }
0x1c7: {  	s3 =	rddreg [dreg:$0x14];
	[sflag:s1] =	ssyncadd.s32 @!p0 $0xFFFFFB00  }
0x1c8: {  	[hbm4b:s3+s2] =	stream.linear.scatter @!p0 [tilespmem:s0], [sflag:$0x2], $0x500, $0x38;
	[tilespmem:$0x1DD30] =	vst v63  }
0x1c9: {  	_ =	swait.ge @!p0 [sflag:s1], $0x500  }
0x1ca: {  	s8 =	smov.u32 s11;
	s11 =	sld [smem:$0x7FC];
	_ =	sdelay $0x1  }
0x1cb: {  	s31 =	sadd.s32 $0x1, s31  }
0x1cc: {  	p1 =	sne.s32 s31, s11  }
.Ltmp3:
0x1cd: {  	_ = 	snop;
	(pc) =	sbr.rel @p1 .LBB2_1-.Ltmp3, $3  }
0x1ce: {  	_ =	sdelay $0x1  }
0x1cf: {  	[sflag:s1] =	ssyncset.done @!p0 $0x0  }
0x1d0: {  	[sflag:s1] =	ssyncadd.s32 @!p0 $0xFFFFFB00  }
0x1d1: {  	_ =	sfence.sel $0x180000  }
0x1d2: {  	[bflag:$0x0] =	sbarrier.arrive $0xFFFF  }
0x1d3: {  	_ =	strace $0x90000047  }
0x1d4: {  	s0 =	stileid.u32;
	[bflag:$0x2] =	sbarrier.arrive $0xFFFF  }
0x1d5: {  	p0 =	sne.s32 s0, $0x0;
	s0 =	rddreg [dreg:$0x4]  }
0x1d6: {  	s0 =	sadd.s32 @!p0 $0x100000, s0  }
0x1d7: {  	[sflag:s0] =	ssyncadd.tile.s32 @!p0 $0x1;
	_ =	shalt  }
.Lfunc_end2:
_tile_overlayer_lowered:
.L_overlay_start_2:
0x1d8: {  	(tag) =	ssettag $0x2  }
0x1d9: {  	s0 =	rddreg [dreg:$0x0];
	s2 =	stileid.u32  }
0x1da: {  	s1 =	rddreg [dreg:$0x1];
	p0 =	sne.s32 s2, $0x0  }
0x1db: {  	s3 =	rddreg [dreg:$0x2];
	[bflag:$0x3] =	sbarrier.arrive $0xFFFF;
	s2 =	simm.s32 @!p0 $0x1C02  }
0x1dc: {  	[timem:s3], [sflag:s2] =	dma.local @!p0 [hbm:s0], s1  }
0x1dd: {  	s0 =	simm.s32 @!p0 $0x2  }
0x1de: {  	_ =	swait.ge @!p0 [sflag:s0], s1  }
0x1df: {  	s1 =	ssub.s32 @!p0 $0x0, s1;
	[sflag:s0] =	ssyncset.done @!p0 $0x0  }
0x1e0: {  	[sflag:s0] =	ssyncadd.s32 @!p0 s1  }
0x1e1: {  	[bflag:$0x3] =	sbarrier.arrive $0xFFFF  }
0x1e2: {  	_ =	shalt  }

</sc_bundles>
